<compile_context>
chip_gen: v7x
topology: tpu7x:2x2x1
jax: 0.10.2.dev20260603
libtpu: 0.0.44.dev20260713+nightly
codegen_flags: <defaults>
</compile_context>

<pallas_src>
import functools

import jax
import jax.numpy as jnp
from jax import lax
from jax.experimental import pallas as pl
from jax.experimental.pallas import tpu as pltpu
from jax.experimental.pallas import tpu_sc as plsc

SIZE_F = 256.0
IOU_THRESHOLD = 0.45
SCORE_THRESHOLD = 0.4
MAX_PER_CLASS = 50
MAX_TOTAL = 50
NPAD = 5120
C = 80
M = 256
MBUF = 272
SC_CUTOFF = 0.965


def _sc_compact(scores_t, x1d, y1d, w1d, h1d):
    mesh = plsc.VectorSubcoreMesh(core_axis_name="c", subcore_axis_name="s")
    cbuf = jax.ShapeDtypeStruct((C, MBUF), jnp.float32)

    @functools.partial(
        pl.kernel,
        out_type=(cbuf, cbuf, cbuf, cbuf, cbuf),
        mesh=mesh,
        compiler_params=pltpu.CompilerParams(needs_layout_passes=False),
        scratch_types=[
            pltpu.VMEM((NPAD,), jnp.float32),
            pltpu.VMEM((MBUF,), jnp.int32),
            pltpu.VMEM((MBUF,), jnp.float32),
            pltpu.VMEM((MBUF,), jnp.float32),
            pltpu.VMEM((MBUF,), jnp.float32),
            pltpu.VMEM((MBUF,), jnp.float32),
            pltpu.VMEM((MBUF,), jnp.float32),
            pltpu.SemaphoreType.DMA,
        ],
    )
    def sc_kernel(scores_hbm, x_hbm, y_hbm, w_hbm, h_hbm,
                  osc, ox, oy, ow, oh,
                  srow, idxb, scb, xb, yb, wb, hb, sem):
        wid = lax.axis_index("s") * 2 + lax.axis_index("c")
        iota16 = lax.iota(jnp.int32, 16)
        zeros16 = jnp.zeros((16,), jnp.int32)
        negs16 = jnp.full((16,), -1.0, jnp.float32)
        twos16 = jnp.full((16,), 2.0, jnp.float32)

        def do_class(c):
            pltpu.sync_copy(scores_hbm.at[c], srow)

            def memset(j, carry):
                idxb[pl.ds(j * 16, 16)] = zeros16
                scb[pl.ds(j * 16, 16)] = negs16
                return carry

            lax.fori_loop(0, MBUF // 16, memset, 0)

            def chunk(k, pos):
                vs = []
                for u in range(8):
                    v = srow[pl.ds(k * 128 + u * 16, 16)]
                    mask = v >= SC_CUTOFF
                    cum = plsc.cumsum(mask.astype(jnp.int32))
                    cnt = plsc.all_reduce_population_count(mask)
                    vs.append((v, mask, cum, cnt))
                pos_u = pos
                for u, (v, mask, cum, cnt) in enumerate(vs):
                    dst = jnp.minimum(pos_u + cum - 1, MBUF - 1)
                    plsc.store_scatter(scb, [dst], v, mask=mask)
                    plsc.store_scatter(idxb, [dst],
                                       iota16 + (k * 128 + u * 16),
                                       mask=mask)
                    pos_u = pos_u + cnt
                return pos_u

            posv = lax.fori_loop(0, NPAD // 128, chunk,
                                 jnp.zeros((16,), jnp.int32))
            count = jnp.max(posv)

            @pl.when(count > M)
            def _():
                scb[pl.ds(0, 16)] = twos16

            cx_d = pltpu.async_copy(x_hbm.at[idxb], xb, sem)
            cy_d = pltpu.async_copy(y_hbm.at[idxb], yb, sem)
            cw_d = pltpu.async_copy(w_hbm.at[idxb], wb, sem)
            ch_d = pltpu.async_copy(h_hbm.at[idxb], hb, sem)
            cx_d.wait()
            cy_d.wait()
            cw_d.wait()
            ch_d.wait()
            pltpu.sync_copy(scb, osc.at[c])
            pltpu.sync_copy(xb, ox.at[c])
            pltpu.sync_copy(yb, oy.at[c])
            pltpu.sync_copy(wb, ow.at[c])
            pltpu.sync_copy(hb, oh.at[c])

        for r in range(3):
            cls = wid + 32 * r

            @pl.when(cls < C)
            def _():
                do_class(cls)

    return sc_kernel(scores_t, x1d, y1d, w1d, h1d)


def _corners_rows(x, y, w, h):
    hh = h / 2.0
    hw = w / 2.0
    y1 = (y - hh) / SIZE_F
    x1 = (x - hw) / SIZE_F
    y2 = (y + hh) / SIZE_F
    x2 = (x + hw) / SIZE_F
    return y1, x1, y2, x2


def _nms_rounds(s0, cy1, cx1, cy2, cx2, a2):
    W = s0.shape[1]
    iota_w = lax.broadcasted_iota(jnp.int32, (C, W), 1)
    col50 = lax.broadcasted_iota(jnp.int32, (C, MAX_PER_CLASS), 1)
    z50 = jnp.zeros((C, MAX_PER_CLASS), dtype=jnp.float32)
    inf_f = jnp.float32(jnp.inf)

    def body(i, st):
        s, sel_sc, sel_y1, sel_x1, sel_y2, sel_x2 = st
        m = jnp.max(s, axis=1, keepdims=True)
        b = jnp.min(jnp.where(s == m, iota_w, W), axis=1, keepdims=True)
        onehot = iota_w == b
        py1 = jnp.sum(jnp.where(onehot, cy1, 0.0), axis=1, keepdims=True)
        px1 = jnp.sum(jnp.where(onehot, cx1, 0.0), axis=1, keepdims=True)
        py2 = jnp.sum(jnp.where(onehot, cy2, 0.0), axis=1, keepdims=True)
        px2 = jnp.sum(jnp.where(onehot, cx2, 0.0), axis=1, keepdims=True)
        ymin = jnp.maximum(py1, cy1)
        xmin = jnp.maximum(px1, cx1)
        ymax = jnp.minimum(py2, cy2)
        xmax = jnp.minimum(px2, cx2)
        inter = jnp.clip(ymax - ymin, 0.0) * jnp.clip(xmax - xmin, 0.0)
        a1 = (py2 - py1) * (px2 - px1)
        iou = inter / (a1 + a2 - inter + 1e-8)
        thr = jnp.where(m > 0.0, jnp.float32(IOU_THRESHOLD), inf_f)
        s = jnp.where(iou > thr, -1.0, s)
        colmask = col50 == i
        sel_sc = jnp.where(colmask, m, sel_sc)
        sel_y1 = jnp.where(colmask, py1, sel_y1)
        sel_x1 = jnp.where(colmask, px1, sel_x1)
        sel_y2 = jnp.where(colmask, py2, sel_y2)
        sel_x2 = jnp.where(colmask, px2, sel_x2)
        return (s, sel_sc, sel_y1, sel_x1, sel_y2, sel_x2)

    init = (s0, jnp.full((C, MAX_PER_CLASS), -1.0, jnp.float32),
            z50, z50, z50, z50)
    st = lax.fori_loop(0, MAX_PER_CLASS, body, init)
    return st[1:]


def _tc_kernel(rows_ref, scores_ref, csc_ref, cx_ref, cy_ref, cw_ref, ch_ref,
               sc_out, cls_out, y1_out, x1_out, y2_out, x2_out, valid_out):
    csc = csc_ref[:, :M]
    ky1, kx1, ky2, kx2 = _corners_rows(
        cx_ref[:, :M], cy_ref[:, :M], cw_ref[:, :M], ch_ref[:, :M])
    ka2 = (ky2 - ky1) * (kx2 - kx1)
    s0c = jnp.where(csc >= SCORE_THRESHOLD, csc, -1.0)
    tbls = _nms_rounds(s0c, ky1, kx1, ky2, kx2, ka2)

    picks = jnp.sum((tbls[0] > 0.0).astype(jnp.int32), axis=1, keepdims=True)
    overflow = csc_ref[:, 0:1] > 1.0
    need_full = jnp.any((picks < MAX_PER_CLASS) | overflow)

    def full_path(_):
        y1, x1, y2, x2 = _corners_rows(
            rows_ref[0:1, :], rows_ref[1:2, :],
            rows_ref[2:3, :], rows_ref[3:4, :])
        a2 = (y2 - y1) * (x2 - x1)
        s0 = jnp.where(scores_ref[:, :] >= SCORE_THRESHOLD,
                       scores_ref[:, :], -1.0)
        return _nms_rounds(s0, y1, x1, y2, x2, a2)

    tbls = lax.cond(need_full, full_path, lambda _: tbls, 0)
    sel_sc, sel_y1, sel_x1, sel_y2, sel_x2 = tbls

    col50 = lax.broadcasted_iota(jnp.int32, (C, MAX_PER_CLASS), 1)
    flat64 = (lax.broadcasted_iota(jnp.int32, (C, MAX_PER_CLASS), 0) * 64
              + col50)
    r50_c = lax.broadcasted_iota(jnp.int32, (MAX_TOTAL, C), 0)
    c50_c = lax.broadcasted_iota(jnp.int32, (MAX_TOTAL, C), 1)
    r50_50 = lax.broadcasted_iota(jnp.int32, (MAX_TOTAL, MAX_PER_CLASS), 0)
    c50_50 = lax.broadcasted_iota(jnp.int32, (MAX_TOTAL, MAX_PER_CLASS), 1)

    def merge_body(k, st):
        tbl, row_oh, slot_oh = st
        m2 = jnp.max(tbl)
        fb = jnp.min(jnp.where(tbl == m2, flat64, C * 64))
        cw = lax.shift_right_logical(fb, 6)
        sw = lax.bitwise_and(fb, 63)
        tbl = jnp.where(flat64 == fb, -2.0, tbl)
        row_oh = jnp.where((r50_c == k) & (c50_c == cw), 1.0, row_oh)
        slot_oh = jnp.where((r50_50 == k) & (c50_50 == sw), 1.0, slot_oh)
        return (tbl, row_oh, slot_oh)

    init2 = (sel_sc, jnp.zeros((MAX_TOTAL, C), jnp.float32),
             jnp.zeros((MAX_TOTAL, MAX_PER_CLASS), jnp.float32))
    _, row_oh, slot_oh = lax.fori_loop(0, MAX_TOTAL, merge_body, init2)

    def extract(tbl):
        rows = lax.dot_general(
            row_oh, tbl, (((1,), (0,)), ((), ())),
            preferred_element_type=jnp.float32,
            precision=lax.Precision.HIGHEST)
        return jnp.sum(rows * slot_oh, axis=1, keepdims=True)

    osc = extract(sel_sc)
    vmask = osc >= SCORE_THRESHOLD
    valid_out[:, :] = jnp.sum(vmask.astype(jnp.int32), axis=0, keepdims=True)
    zf = jnp.float32(0.0)
    sc_out[:, :] = jnp.where(vmask, osc, zf)
    cls_out[:, :] = jnp.where(
        vmask, jnp.sum(row_oh * lax.broadcasted_iota(
            jnp.int32, (MAX_TOTAL, C), 1).astype(jnp.float32),
            axis=1, keepdims=True), zf)
    y1_out[:, :] = jnp.where(vmask, extract(sel_y1), zf)
    x1_out[:, :] = jnp.where(vmask, extract(sel_x1), zf)
    y2_out[:, :] = jnp.where(vmask, extract(sel_y2), zf)
    x2_out[:, :] = jnp.where(vmask, extract(sel_x2), zf)


def kernel(box_xywh, scores):
    B, N, _ = box_xywh.shape
    pad = NPAD - N
    xywh_nk = jnp.pad(box_xywh[0], ((0, pad), (0, 0)))
    xywh_rows = xywh_nk.T
    scores_t = jnp.pad(scores[0].T, ((0, 0), (0, pad)),
                       constant_values=-1.0)

    csc, cx, cy, cw, ch = _sc_compact(
        scores_t, xywh_rows[0], xywh_rows[1], xywh_rows[2], xywh_rows[3])

    f50 = jax.ShapeDtypeStruct((MAX_TOTAL, 1), jnp.float32)
    outs = pl.pallas_call(
        _tc_kernel,
        out_shape=(f50, f50, f50, f50, f50, f50,
                   jax.ShapeDtypeStruct((1, 1), jnp.int32)),
    )(xywh_rows, scores_t, csc, cx, cy, cw, ch)
    osc, ocls, oy1, ox1, oy2, ox2, valid = outs
    out_boxes = jnp.concatenate([oy1, ox1, oy2, ox2],
                                axis=1).reshape(B, MAX_TOTAL, 4)
    return (out_boxes, osc.reshape(B, MAX_TOTAL), ocls.reshape(B, MAX_TOTAL),
            valid.reshape(B).astype(jnp.int32))

# --- scband reference (transcript-rebuilt; emitter-appended) ---
"""Pipeline reference for scband-yolo-v4-38233798868998 (READ-ONLY COPY).

The authoritative reference and input builder live on the scoring server;
editing this copy changes nothing except your own understanding.
"""

import jax, jax.numpy as jnp
import numpy as np

SIZE = 256.0
IOU_THRESHOLD = 0.45
SCORE_THRESHOLD = 0.4
MAX_PER_CLASS = 50
MAX_TOTAL = 50


def setup_inputs(seed: int = 0) -> dict:
    key = jax.random.key(seed)
    k1, k2, k3 = jax.random.split(key, 3)
    B, N, C = 1, 5000, 80
    xy = jax.random.uniform(k1, (B, N, 2), dtype=jnp.float32) * SIZE
    wh = jax.random.uniform(k2, (B, N, 2), dtype=jnp.float32) * 60.0 + 8.0
    box_xywh = jnp.concatenate([xy, wh], axis=-1)
    scores = jax.random.uniform(k3, (B, N, C), dtype=jnp.float32)
    return {"box_xywh": box_xywh, "scores": scores}


def _xywh_to_corners(box_xywh):
    # faithful port of filter_boxes coordinate math (yx flip + normalize by input_shape)
    box_xy, box_wh = jnp.split(box_xywh, 2, axis=-1)
    box_yx = box_xy[..., ::-1]
    box_hw = box_wh[..., ::-1]
    box_mins = (box_yx - box_hw / 2.0) / SIZE
    box_maxes = (box_yx + box_hw / 2.0) / SIZE
    return jnp.concatenate([
        box_mins[..., 0:1], box_mins[..., 1:2],
        box_maxes[..., 0:1], box_maxes[..., 1:2]], axis=-1)


def _iou_1vN(box, boxes):
    ymin = jnp.maximum(box[0], boxes[:, 0])
    xmin = jnp.maximum(box[1], boxes[:, 1])
    ymax = jnp.minimum(box[2], boxes[:, 2])
    xmax = jnp.minimum(box[3], boxes[:, 3])
    inter = jnp.clip(ymax - ymin, 0.0) * jnp.clip(xmax - xmin, 0.0)
    a1 = (box[2] - box[0]) * (box[3] - box[1])
    a2 = (boxes[:, 2] - boxes[:, 0]) * (boxes[:, 3] - boxes[:, 1])
    return inter / (a1 + a2 - inter + 1e-8)


def _nms_single_class(boxes, scores):
    # greedy NMS with static trip count MAX_PER_CLASS
    s0 = jnp.where(scores >= SCORE_THRESHOLD, scores, -1.0)
    sel_idx0 = jnp.zeros((MAX_PER_CLASS,), dtype=jnp.int32)
    sel_sc0 = jnp.full((MAX_PER_CLASS,), -1.0, dtype=boxes.dtype)

    def body(i, st):
        s, sel_idx, sel_sc = st
        b = jnp.argmax(s)
        bs = s[b]
        sel_idx = sel_idx.at[i].set(b.astype(jnp.int32))
        sel_sc = sel_sc.at[i].set(bs)
        ious = _iou_1vN(boxes[b], boxes)
        sup = (ious > IOU_THRESHOLD) & (bs > 0.0)
        s = jnp.where(sup, -1.0, s)
        s = s.at[b].set(-1.0)
        return (s, sel_idx, sel_sc)

    _, sel_idx, sel_sc = jax.lax.fori_loop(0, MAX_PER_CLASS, body, (s0, sel_idx0, sel_sc0))
    return sel_idx, sel_sc


def _combined_nms_single_image(boxes, scores):
    # boxes [N,4] shared across classes (q=1 in combined_non_max_suppression), scores [N,C]
    C = scores.shape[1]
    sel_idx, sel_sc = jax.vmap(lambda sc: _nms_single_class(boxes, sc))(scores.T)
    flat_idx = sel_idx.reshape(-1)
    flat_sc = sel_sc.reshape(-1)
    flat_cls = jnp.repeat(jnp.arange(C), MAX_PER_CLASS)
    top_sc, order = jax.lax.top_k(flat_sc, MAX_TOTAL)
    out_boxes = boxes[flat_idx[order]]
    out_cls = flat_cls[order].astype(jnp.float32)
    valid_mask = top_sc >= SCORE_THRESHOLD
    valid = jnp.sum(valid_mask).astype(jnp.int32)
    out_sc = jnp.where(valid_mask, top_sc, 0.0)
    out_boxes = jnp.where(valid_mask[:, None], out_boxes, 0.0)
    out_cls = jnp.where(valid_mask, out_cls, 0.0)
    return out_boxes, out_sc, out_cls, valid


def reference(box_xywh, scores):
    boxes = _xywh_to_corners(box_xywh)
    return jax.vmap(_combined_nms_single_image)(boxes, scores)

if __name__ == "__main__":
    import jax
    _d = setup_inputs()
    print(jax.jit(kernel)(*tuple(_d.values())))

</pallas_src>

<mosaic_0001>
#map = affine_map<(d0, d1) -> (0, 0)>
#map1 = affine_map<(d0, d1) -> (0)>
module attributes {stable_mosaic.version = 14 : i64} {
  func.func @sc_kernel(%arg0: i32, %arg1: i32, %arg2: memref<80x5120xf32, #tpu.memory_space<hbm>>, %arg3: memref<5120xf32, #tpu.memory_space<hbm>>, %arg4: memref<5120xf32, #tpu.memory_space<hbm>>, %arg5: memref<5120xf32, #tpu.memory_space<hbm>>, %arg6: memref<5120xf32, #tpu.memory_space<hbm>>, %arg7: memref<80x272xf32, #tpu.memory_space<hbm>>, %arg8: memref<80x272xf32, #tpu.memory_space<hbm>>, %arg9: memref<80x272xf32, #tpu.memory_space<hbm>>, %arg10: memref<80x272xf32, #tpu.memory_space<hbm>>, %arg11: memref<80x272xf32, #tpu.memory_space<hbm>>, %arg12: memref<5120xf32, #tpu.memory_space<vmem>>, %arg13: memref<272xi32, #tpu.memory_space<vmem>>, %arg14: memref<272xf32, #tpu.memory_space<vmem>>, %arg15: memref<272xf32, #tpu.memory_space<vmem>>, %arg16: memref<272xf32, #tpu.memory_space<vmem>>, %arg17: memref<272xf32, #tpu.memory_space<vmem>>, %arg18: memref<272xf32, #tpu.memory_space<vmem>>, %arg19: memref<!tpu.dma_semaphore, #tpu.memory_space<semaphore_mem>>) attributes {dimension_semantics = [#tpu.dimension_semantics<core_parallel>, #tpu.dimension_semantics<subcore_parallel>], iteration_bounds = array<i64: 2, 16>, scalar_prefetch = 0 : i64, scratch_operands = 8 : i64, tpu.core_type = #tpu.core_type<sc_vector_subcore>, window_params = [{transform_indices = #map}, {transform_indices = #map1}, {transform_indices = #map1}, {transform_indices = #map1}, {transform_indices = #map1}, {transform_indices = #map}, {transform_indices = #map}, {transform_indices = #map}, {transform_indices = #map}, {transform_indices = #map}]} {
    %mul3A = arith.constant 2 : i32
    %mul3A_0 = arith.muli %arg1, %mul3A : i32
    %add3A = arith.addi %mul3A_0, %arg0 : i32
    %iota3A = tpu.iota {dimensions = array<i32: 0>} : vector<16xi32>
    %broadcast_in_dim3A = arith.constant 0 : i32
    %broadcast_in_dim3A_1 = vector.broadcast %broadcast_in_dim3A : i32 to vector<16xi32>
    %broadcast_in_dim3A_2 = arith.constant -1.000000e+00 : f32
    %broadcast_in_dim3A_3 = vector.broadcast %broadcast_in_dim3A_2 : f32 to vector<16xf32>
    %broadcast_in_dim3A_4 = arith.constant 2.000000e+00 : f32
    %broadcast_in_dim3A_5 = vector.broadcast %broadcast_in_dim3A_4 : f32 to vector<16xf32>
    %add3A_6 = arith.constant 0 : i32
    %add3A_7 = arith.addi %add3A, %add3A_6 : i32
    %lt3A = arith.constant 80 : i32
    %lt3A_8 = arith.cmpi slt, %add3A_7, %lt3A : i32
    %convert_element_type3A = arith.extui %lt3A_8 : i1 to i32
    %cond3A = arith.constant 0 : i32
    %cond3A_9 = arith.cmpi ne, %convert_element_type3A, %cond3A : i32
    scf.if %cond3A_9 {
      "tpu.region"() ({
        %run_scoped3A = tpu.sem_alloc : memref<!tpu.dma_semaphore, #tpu.memory_space<semaphore_mem>>
        %dma_start3A_62 = arith.constant 0 : i32
        %dma_start3A_63 = tpu.memref_slice %arg2[%add3A_7, %dma_start3A_62] : memref<80x5120xf32, #tpu.memory_space<hbm>> -> memref<1x5120xf32, #tpu.memory_space<hbm>>
        %dma_start3A_64 = tpu.memref_squeeze %dma_start3A_63 : memref<1x5120xf32, #tpu.memory_space<hbm>> -> memref<5120xf32, #tpu.memory_space<hbm>>
        %dma_start3A_65 = arith.constant 0 : i32
        %dma_start3A_66 = tpu.memref_slice %arg2[%add3A_7, %dma_start3A_65] : memref<80x5120xf32, #tpu.memory_space<hbm>> -> memref<1x5120xf32, #tpu.memory_space<hbm>>
        %dma_start3A_67 = tpu.memref_squeeze %dma_start3A_66 : memref<1x5120xf32, #tpu.memory_space<hbm>> -> memref<5120xf32, #tpu.memory_space<hbm>>
        tpu.enqueue_dma source(%dma_start3A_67 : memref<5120xf32, #tpu.memory_space<hbm>>) target(%arg12 : memref<5120xf32, #tpu.memory_space<vmem>>) target_semaphore(%run_scoped3A : memref<!tpu.dma_semaphore, #tpu.memory_space<semaphore_mem>>)
        %dma_wait3A_68 = arith.constant 0 : i32
        %dma_wait3A_69 = tpu.memref_slice %arg2[%add3A_7, %dma_wait3A_68] : memref<80x5120xf32, #tpu.memory_space<hbm>> -> memref<1x5120xf32, #tpu.memory_space<hbm>>
        %dma_wait3A_70 = tpu.memref_squeeze %dma_wait3A_69 : memref<1x5120xf32, #tpu.memory_space<hbm>> -> memref<5120xf32, #tpu.memory_space<hbm>>
        %dma_wait3A_71 = arith.constant 0 : i32
        %dma_wait3A_72 = tpu.memref_slice %arg2[%add3A_7, %dma_wait3A_71] : memref<80x5120xf32, #tpu.memory_space<hbm>> -> memref<1x5120xf32, #tpu.memory_space<hbm>>
        %dma_wait3A_73 = tpu.memref_squeeze %dma_wait3A_72 : memref<1x5120xf32, #tpu.memory_space<hbm>> -> memref<5120xf32, #tpu.memory_space<hbm>>
        tpu.wait_dma2 semaphore(%run_scoped3A : memref<!tpu.dma_semaphore, #tpu.memory_space<semaphore_mem>>) src(%dma_wait3A_73 : memref<5120xf32, #tpu.memory_space<hbm>>) dst(%arg12 : memref<5120xf32, #tpu.memory_space<vmem>>)
        tpu.yield
      }) : () -> ()
      %scan3A = arith.constant 0 : i32
      %scan3A_24 = arith.constant 0 : i32
      %scan3A_25 = arith.constant 17 : i32
      %scan3A_26 = arith.addi %scan3A_24, %scan3A_25 : i32
      %scan3A_27 = arith.constant 1 : i32
      scf.for %scan3A_62 = %scan3A_24 to %scan3A_26 step %scan3A_27  : i32 {
        %mul3A_63 = arith.constant 16 : i32
        %mul3A_64 = arith.muli %scan3A_62, %mul3A_63 : i32
        %swap3A = arith.index_cast %mul3A_64 : i32 to index
        %swap3A_65 = tpu.vector_load %arg13[%swap3A] {strides = array<i32>} : memref<272xi32, #tpu.memory_space<vmem>>, vector<16xi32>,
        tpu.vector_store %arg13[%swap3A], %broadcast_in_dim3A_1 {strides = array<i32>} : memref<272xi32, #tpu.memory_space<vmem>>, vector<16xi32>,
        %mul3A_66 = arith.constant 16 : i32
        %mul3A_67 = arith.muli %scan3A_62, %mul3A_66 : i32
        %swap3A_68 = arith.index_cast %mul3A_67 : i32 to index
        %swap3A_69 = tpu.vector_load %arg14[%swap3A_68] {strides = array<i32>} : memref<272xf32, #tpu.memory_space<vmem>>, vector<16xf32>,
        tpu.vector_store %arg14[%swap3A_68], %broadcast_in_dim3A_3 {strides = array<i32>} : memref<272xf32, #tpu.memory_space<vmem>>, vector<16xf32>,
      }
      %scan3A_28 = arith.constant 17 : i32
      %broadcast_in_dim3A_29 = arith.constant 0 : i32
      %broadcast_in_dim3A_30 = vector.broadcast %broadcast_in_dim3A_29 : i32 to vector<16xi32>
      %scan3A_31 = arith.constant 0 : i32
      %scan3A_32 = arith.constant 40 : i32
      %scan3A_33 = arith.addi %scan3A_31, %scan3A_32 : i32
      %scan3A_34 = arith.constant 1 : i32
      %scan3A_35 = scf.for %scan3A_62 = %scan3A_31 to %scan3A_33 step %scan3A_34 iter_args(%scan3A_63 = %broadcast_in_dim3A_30) -> (vector<16xi32>)  : i32 {
        %mul3A_64 = arith.constant 128 : i32
        %mul3A_65 = arith.muli %scan3A_62, %mul3A_64 : i32
        %add3A_66 = arith.constant 0 : i32
        %add3A_67 = arith.addi %mul3A_65, %add3A_66 : i32
        %get3A = arith.index_cast %add3A_67 : i32 to index
        %get3A_68 = tpu.vector_load %arg12[%get3A] {strides = array<i32>} : memref<5120xf32, #tpu.memory_space<vmem>>, vector<16xf32>,
        %ge3A = arith.constant 0.964999973 : f32
        %ge3A_69 = vector.broadcast %ge3A : f32 to vector<16xf32>
        %ge3A_70 = arith.cmpf oge, %get3A_68, %ge3A_69 : vector<16xf32>
        %convert_element_type3A_71 = arith.extui %ge3A_70 : vector<16xi1> to vector<16xi32>
        %broadcast_in_dim3A_72 = arith.constant true
        %broadcast_in_dim3A_73 = vector.broadcast %broadcast_in_dim3A_72 : i1 to vector<16xi1>
        %masked_cumsum3A = tpu.scan <sum>, %convert_element_type3A_71 masked %broadcast_in_dim3A_73 : vector<16xi32>, vector<16xi1> -> vector<16xi32>
        %all_reduce_population_count3A = tpu.all_reduce %ge3A_70 {dim = 0 : i64, kind = #tpu.reduction_kind<sum>} : vector<16xi1> -> vector<16xi32>
        %mul3A_74 = arith.constant 128 : i32
        %mul3A_75 = arith.muli %scan3A_62, %mul3A_74 : i32
        %add3A_76 = arith.constant 16 : i32
        %add3A_77 = arith.addi %mul3A_75, %add3A_76 : i32
        %get3A_78 = arith.index_cast %add3A_77 : i32 to index
        %get3A_79 = tpu.vector_load %arg12[%get3A_78] {strides = array<i32>} : memref<5120xf32, #tpu.memory_space<vmem>>, vector<16xf32>,
        %ge3A_80 = arith.constant 0.964999973 : f32
        %ge3A_81 = vector.broadcast %ge3A_80 : f32 to vector<16xf32>
        %ge3A_82 = arith.cmpf oge, %get3A_79, %ge3A_81 : vector<16xf32>
        %convert_element_type3A_83 = arith.extui %ge3A_82 : vector<16xi1> to vector<16xi32>
        %broadcast_in_dim3A_84 = arith.constant true
        %broadcast_in_dim3A_85 = vector.broadcast %broadcast_in_dim3A_84 : i1 to vector<16xi1>
        %masked_cumsum3A_86 = tpu.scan <sum>, %convert_element_type3A_83 masked %broadcast_in_dim3A_85 : vector<16xi32>, vector<16xi1> -> vector<16xi32>
        %all_reduce_population_count3A_87 = tpu.all_reduce %ge3A_82 {dim = 0 : i64, kind = #tpu.reduction_kind<sum>} : vector<16xi1> -> vector<16xi32>
        %mul3A_88 = arith.constant 128 : i32
        %mul3A_89 = arith.muli %scan3A_62, %mul3A_88 : i32
        %add3A_90 = arith.constant 32 : i32
        %add3A_91 = arith.addi %mul3A_89, %add3A_90 : i32
        %get3A_92 = arith.index_cast %add3A_91 : i32 to index
        %get3A_93 = tpu.vector_load %arg12[%get3A_92] {strides = array<i32>} : memref<5120xf32, #tpu.memory_space<vmem>>, vector<16xf32>,
        %ge3A_94 = arith.constant 0.964999973 : f32
        %ge3A_95 = vector.broadcast %ge3A_94 : f32 to vector<16xf32>
        %ge3A_96 = arith.cmpf oge, %get3A_93, %ge3A_95 : vector<16xf32>
        %convert_element_type3A_97 = arith.extui %ge3A_96 : vector<16xi1> to vector<16xi32>
        %broadcast_in_dim3A_98 = arith.constant true
        %broadcast_in_dim3A_99 = vector.broadcast %broadcast_in_dim3A_98 : i1 to vector<16xi1>
        %masked_cumsum3A_100 = tpu.scan <sum>, %convert_element_type3A_97 masked %broadcast_in_dim3A_99 : vector<16xi32>, vector<16xi1> -> vector<16xi32>
        %all_reduce_population_count3A_101 = tpu.all_reduce %ge3A_96 {dim = 0 : i64, kind = #tpu.reduction_kind<sum>} : vector<16xi1> -> vector<16xi32>
        %mul3A_102 = arith.constant 128 : i32
        %mul3A_103 = arith.muli %scan3A_62, %mul3A_102 : i32
        %add3A_104 = arith.constant 48 : i32
        %add3A_105 = arith.addi %mul3A_103, %add3A_104 : i32
        %get3A_106 = arith.index_cast %add3A_105 : i32 to index
        %get3A_107 = tpu.vector_load %arg12[%get3A_106] {strides = array<i32>} : memref<5120xf32, #tpu.memory_space<vmem>>, vector<16xf32>,
        %ge3A_108 = arith.constant 0.964999973 : f32
        %ge3A_109 = vector.broadcast %ge3A_108 : f32 to vector<16xf32>
        %ge3A_110 = arith.cmpf oge, %get3A_107, %ge3A_109 : vector<16xf32>
        %convert_element_type3A_111 = arith.extui %ge3A_110 : vector<16xi1> to vector<16xi32>
        %broadcast_in_dim3A_112 = arith.constant true
        %broadcast_in_dim3A_113 = vector.broadcast %broadcast_in_dim3A_112 : i1 to vector<16xi1>
        %masked_cumsum3A_114 = tpu.scan <sum>, %convert_element_type3A_111 masked %broadcast_in_dim3A_113 : vector<16xi32>, vector<16xi1> -> vector<16xi32>
        %all_reduce_population_count3A_115 = tpu.all_reduce %ge3A_110 {dim = 0 : i64, kind = #tpu.reduction_kind<sum>} : vector<16xi1> -> vector<16xi32>
        %mul3A_116 = arith.constant 128 : i32
        %mul3A_117 = arith.muli %scan3A_62, %mul3A_116 : i32
        %add3A_118 = arith.constant 64 : i32
        %add3A_119 = arith.addi %mul3A_117, %add3A_118 : i32
        %get3A_120 = arith.index_cast %add3A_119 : i32 to index
        %get3A_121 = tpu.vector_load %arg12[%get3A_120] {strides = array<i32>} : memref<5120xf32, #tpu.memory_space<vmem>>, vector<16xf32>,
        %ge3A_122 = arith.constant 0.964999973 : f32
        %ge3A_123 = vector.broadcast %ge3A_122 : f32 to vector<16xf32>
        %ge3A_124 = arith.cmpf oge, %get3A_121, %ge3A_123 : vector<16xf32>
        %convert_element_type3A_125 = arith.extui %ge3A_124 : vector<16xi1> to vector<16xi32>
        %broadcast_in_dim3A_126 = arith.constant true
        %broadcast_in_dim3A_127 = vector.broadcast %broadcast_in_dim3A_126 : i1 to vector<16xi1>
        %masked_cumsum3A_128 = tpu.scan <sum>, %convert_element_type3A_125 masked %broadcast_in_dim3A_127 : vector<16xi32>, vector<16xi1> -> vector<16xi32>
        %all_reduce_population_count3A_129 = tpu.all_reduce %ge3A_124 {dim = 0 : i64, kind = #tpu.reduction_kind<sum>} : vector<16xi1> -> vector<16xi32>
        %mul3A_130 = arith.constant 128 : i32
        %mul3A_131 = arith.muli %scan3A_62, %mul3A_130 : i32
        %add3A_132 = arith.constant 80 : i32
        %add3A_133 = arith.addi %mul3A_131, %add3A_132 : i32
        %get3A_134 = arith.index_cast %add3A_133 : i32 to index
        %get3A_135 = tpu.vector_load %arg12[%get3A_134] {strides = array<i32>} : memref<5120xf32, #tpu.memory_space<vmem>>, vector<16xf32>,
        %ge3A_136 = arith.constant 0.964999973 : f32
        %ge3A_137 = vector.broadcast %ge3A_136 : f32 to vector<16xf32>
        %ge3A_138 = arith.cmpf oge, %get3A_135, %ge3A_137 : vector<16xf32>
        %convert_element_type3A_139 = arith.extui %ge3A_138 : vector<16xi1> to vector<16xi32>
        %broadcast_in_dim3A_140 = arith.constant true
        %broadcast_in_dim3A_141 = vector.broadcast %broadcast_in_dim3A_140 : i1 to vector<16xi1>
        %masked_cumsum3A_142 = tpu.scan <sum>, %convert_element_type3A_139 masked %broadcast_in_dim3A_141 : vector<16xi32>, vector<16xi1> -> vector<16xi32>
        %all_reduce_population_count3A_143 = tpu.all_reduce %ge3A_138 {dim = 0 : i64, kind = #tpu.reduction_kind<sum>} : vector<16xi1> -> vector<16xi32>
        %mul3A_144 = arith.constant 128 : i32
        %mul3A_145 = arith.muli %scan3A_62, %mul3A_144 : i32
        %add3A_146 = arith.constant 96 : i32
        %add3A_147 = arith.addi %mul3A_145, %add3A_146 : i32
        %get3A_148 = arith.index_cast %add3A_147 : i32 to index
        %get3A_149 = tpu.vector_load %arg12[%get3A_148] {strides = array<i32>} : memref<5120xf32, #tpu.memory_space<vmem>>, vector<16xf32>,
        %ge3A_150 = arith.constant 0.964999973 : f32
        %ge3A_151 = vector.broadcast %ge3A_150 : f32 to vector<16xf32>
        %ge3A_152 = arith.cmpf oge, %get3A_149, %ge3A_151 : vector<16xf32>
        %convert_element_type3A_153 = arith.extui %ge3A_152 : vector<16xi1> to vector<16xi32>
        %broadcast_in_dim3A_154 = arith.constant true
        %broadcast_in_dim3A_155 = vector.broadcast %broadcast_in_dim3A_154 : i1 to vector<16xi1>
        %masked_cumsum3A_156 = tpu.scan <sum>, %convert_element_type3A_153 masked %broadcast_in_dim3A_155 : vector<16xi32>, vector<16xi1> -> vector<16xi32>
        %all_reduce_population_count3A_157 = tpu.all_reduce %ge3A_152 {dim = 0 : i64, kind = #tpu.reduction_kind<sum>} : vector<16xi1> -> vector<16xi32>
        %mul3A_158 = arith.constant 128 : i32
        %mul3A_159 = arith.muli %scan3A_62, %mul3A_158 : i32
        %add3A_160 = arith.constant 112 : i32
        %add3A_161 = arith.addi %mul3A_159, %add3A_160 : i32
        %get3A_162 = arith.index_cast %add3A_161 : i32 to index
        %get3A_163 = tpu.vector_load %arg12[%get3A_162] {strides = array<i32>} : memref<5120xf32, #tpu.memory_space<vmem>>, vector<16xf32>,
        %ge3A_164 = arith.constant 0.964999973 : f32
        %ge3A_165 = vector.broadcast %ge3A_164 : f32 to vector<16xf32>
        %ge3A_166 = arith.cmpf oge, %get3A_163, %ge3A_165 : vector<16xf32>
        %convert_element_type3A_167 = arith.extui %ge3A_166 : vector<16xi1> to vector<16xi32>
        %broadcast_in_dim3A_168 = arith.constant true
        %broadcast_in_dim3A_169 = vector.broadcast %broadcast_in_dim3A_168 : i1 to vector<16xi1>
        %masked_cumsum3A_170 = tpu.scan <sum>, %convert_element_type3A_167 masked %broadcast_in_dim3A_169 : vector<16xi32>, vector<16xi1> -> vector<16xi32>
        %all_reduce_population_count3A_171 = tpu.all_reduce %ge3A_166 {dim = 0 : i64, kind = #tpu.reduction_kind<sum>} : vector<16xi1> -> vector<16xi32>
        %add3A_172 = arith.addi %scan3A_63, %masked_cumsum3A : vector<16xi32>
        %sub3A = arith.constant 1 : i32
        %sub3A_173 = vector.broadcast %sub3A : i32 to vector<16xi32>
        %sub3A_174 = arith.subi %add3A_172, %sub3A_173 : vector<16xi32>
        %min3A = arith.constant 271 : i32
        %min3A_175 = vector.broadcast %min3A : i32 to vector<16xi32>
        %min3A_176 = arith.minsi %sub3A_174, %min3A_175 : vector<16xi32>
        tpu.vector_store_idx %arg14[%min3A_176], %get3A_68 masked %ge3A_70 : memref<272xf32, #tpu.memory_space<vmem>>[vector<16xi32>], vector<16xf32>, vector<16xi1>
        %mul3A_177 = arith.constant 128 : i32
        %mul3A_178 = arith.muli %scan3A_62, %mul3A_177 : i32
        %add3A_179 = arith.constant 0 : i32
        %add3A_180 = arith.addi %mul3A_178, %add3A_179 : i32
        %add3A_181 = vector.broadcast %add3A_180 : i32 to vector<16xi32>
        %add3A_182 = arith.addi %iota3A, %add3A_181 : vector<16xi32>
        tpu.vector_store_idx %arg13[%min3A_176], %add3A_182 masked %ge3A_70 : memref<272xi32, #tpu.memory_space<vmem>>[vector<16xi32>], vector<16xi32>, vector<16xi1>
        %add3A_183 = arith.addi %scan3A_63, %all_reduce_population_count3A : vector<16xi32>
        %add3A_184 = arith.addi %add3A_183, %masked_cumsum3A_86 : vector<16xi32>
        %sub3A_185 = arith.constant 1 : i32
        %sub3A_186 = vector.broadcast %sub3A_185 : i32 to vector<16xi32>
        %sub3A_187 = arith.subi %add3A_184, %sub3A_186 : vector<16xi32>
        %min3A_188 = arith.constant 271 : i32
        %min3A_189 = vector.broadcast %min3A_188 : i32 to vector<16xi32>
        %min3A_190 = arith.minsi %sub3A_187, %min3A_189 : vector<16xi32>
        tpu.vector_store_idx %arg14[%min3A_190], %get3A_79 masked %ge3A_82 : memref<272xf32, #tpu.memory_space<vmem>>[vector<16xi32>], vector<16xf32>, vector<16xi1>
        %mul3A_191 = arith.constant 128 : i32
        %mul3A_192 = arith.muli %scan3A_62, %mul3A_191 : i32
        %add3A_193 = arith.constant 16 : i32
        %add3A_194 = arith.addi %mul3A_192, %add3A_193 : i32
        %add3A_195 = vector.broadcast %add3A_194 : i32 to vector<16xi32>
        %add3A_196 = arith.addi %iota3A, %add3A_195 : vector<16xi32>
        tpu.vector_store_idx %arg13[%min3A_190], %add3A_196 masked %ge3A_82 : memref<272xi32, #tpu.memory_space<vmem>>[vector<16xi32>], vector<16xi32>, vector<16xi1>
        %add3A_197 = arith.addi %add3A_183, %all_reduce_population_count3A_87 : vector<16xi32>
        %add3A_198 = arith.addi %add3A_197, %masked_cumsum3A_100 : vector<16xi32>
        %sub3A_199 = arith.constant 1 : i32
        %sub3A_200 = vector.broadcast %sub3A_199 : i32 to vector<16xi32>
        %sub3A_201 = arith.subi %add3A_198, %sub3A_200 : vector<16xi32>
        %min3A_202 = arith.constant 271 : i32
        %min3A_203 = vector.broadcast %min3A_202 : i32 to vector<16xi32>
        %min3A_204 = arith.minsi %sub3A_201, %min3A_203 : vector<16xi32>
        tpu.vector_store_idx %arg14[%min3A_204], %get3A_93 masked %ge3A_96 : memref<272xf32, #tpu.memory_space<vmem>>[vector<16xi32>], vector<16xf32>, vector<16xi1>
        %mul3A_205 = arith.constant 128 : i32
        %mul3A_206 = arith.muli %scan3A_62, %mul3A_205 : i32
        %add3A_207 = arith.constant 32 : i32
        %add3A_208 = arith.addi %mul3A_206, %add3A_207 : i32
        %add3A_209 = vector.broadcast %add3A_208 : i32 to vector<16xi32>
        %add3A_210 = arith.addi %iota3A, %add3A_209 : vector<16xi32>
        tpu.vector_store_idx %arg13[%min3A_204], %add3A_210 masked %ge3A_96 : memref<272xi32, #tpu.memory_space<vmem>>[vector<16xi32>], vector<16xi32>, vector<16xi1>
        %add3A_211 = arith.addi %add3A_197, %all_reduce_population_count3A_101 : vector<16xi32>
        %add3A_212 = arith.addi %add3A_211, %masked_cumsum3A_114 : vector<16xi32>
        %sub3A_213 = arith.constant 1 : i32
        %sub3A_214 = vector.broadcast %sub3A_213 : i32 to vector<16xi32>
        %sub3A_215 = arith.subi %add3A_212, %sub3A_214 : vector<16xi32>
        %min3A_216 = arith.constant 271 : i32
        %min3A_217 = vector.broadcast %min3A_216 : i32 to vector<16xi32>
        %min3A_218 = arith.minsi %sub3A_215, %min3A_217 : vector<16xi32>
        tpu.vector_store_idx %arg14[%min3A_218], %get3A_107 masked %ge3A_110 : memref<272xf32, #tpu.memory_space<vmem>>[vector<16xi32>], vector<16xf32>, vector<16xi1>
        %mul3A_219 = arith.constant 128 : i32
        %mul3A_220 = arith.muli %scan3A_62, %mul3A_219 : i32
        %add3A_221 = arith.constant 48 : i32
        %add3A_222 = arith.addi %mul3A_220, %add3A_221 : i32
        %add3A_223 = vector.broadcast %add3A_222 : i32 to vector<16xi32>
        %add3A_224 = arith.addi %iota3A, %add3A_223 : vector<16xi32>
        tpu.vector_store_idx %arg13[%min3A_218], %add3A_224 masked %ge3A_110 : memref<272xi32, #tpu.memory_space<vmem>>[vector<16xi32>], vector<16xi32>, vector<16xi1>
        %add3A_225 = arith.addi %add3A_211, %all_reduce_population_count3A_115 : vector<16xi32>
        %add3A_226 = arith.addi %add3A_225, %masked_cumsum3A_128 : vector<16xi32>
        %sub3A_227 = arith.constant 1 : i32
        %sub3A_228 = vector.broadcast %sub3A_227 : i32 to vector<16xi32>
        %sub3A_229 = arith.subi %add3A_226, %sub3A_228 : vector<16xi32>
        %min3A_230 = arith.constant 271 : i32
        %min3A_231 = vector.broadcast %min3A_230 : i32 to vector<16xi32>
        %min3A_232 = arith.minsi %sub3A_229, %min3A_231 : vector<16xi32>
        tpu.vector_store_idx %arg14[%min3A_232], %get3A_121 masked %ge3A_124 : memref<272xf32, #tpu.memory_space<vmem>>[vector<16xi32>], vector<16xf32>, vector<16xi1>
        %mul3A_233 = arith.constant 128 : i32
        %mul3A_234 = arith.muli %scan3A_62, %mul3A_233 : i32
        %add3A_235 = arith.constant 64 : i32
        %add3A_236 = arith.addi %mul3A_234, %add3A_235 : i32
        %add3A_237 = vector.broadcast %add3A_236 : i32 to vector<16xi32>
        %add3A_238 = arith.addi %iota3A, %add3A_237 : vector<16xi32>
        tpu.vector_store_idx %arg13[%min3A_232], %add3A_238 masked %ge3A_124 : memref<272xi32, #tpu.memory_space<vmem>>[vector<16xi32>], vector<16xi32>, vector<16xi1>
        %add3A_239 = arith.addi %add3A_225, %all_reduce_population_count3A_129 : vector<16xi32>
        %add3A_240 = arith.addi %add3A_239, %masked_cumsum3A_142 : vector<16xi32>
        %sub3A_241 = arith.constant 1 : i32
        %sub3A_242 = vector.broadcast %sub3A_241 : i32 to vector<16xi32>
        %sub3A_243 = arith.subi %add3A_240, %sub3A_242 : vector<16xi32>
        %min3A_244 = arith.constant 271 : i32
        %min3A_245 = vector.broadcast %min3A_244 : i32 to vector<16xi32>
        %min3A_246 = arith.minsi %sub3A_243, %min3A_245 : vector<16xi32>
        tpu.vector_store_idx %arg14[%min3A_246], %get3A_135 masked %ge3A_138 : memref<272xf32, #tpu.memory_space<vmem>>[vector<16xi32>], vector<16xf32>, vector<16xi1>
        %mul3A_247 = arith.constant 128 : i32
        %mul3A_248 = arith.muli %scan3A_62, %mul3A_247 : i32
        %add3A_249 = arith.constant 80 : i32
        %add3A_250 = arith.addi %mul3A_248, %add3A_249 : i32
        %add3A_251 = vector.broadcast %add3A_250 : i32 to vector<16xi32>
        %add3A_252 = arith.addi %iota3A, %add3A_251 : vector<16xi32>
        tpu.vector_store_idx %arg13[%min3A_246], %add3A_252 masked %ge3A_138 : memref<272xi32, #tpu.memory_space<vmem>>[vector<16xi32>], vector<16xi32>, vector<16xi1>
        %add3A_253 = arith.addi %add3A_239, %all_reduce_population_count3A_143 : vector<16xi32>
        %add3A_254 = arith.addi %add3A_253, %masked_cumsum3A_156 : vector<16xi32>
        %sub3A_255 = arith.constant 1 : i32
        %sub3A_256 = vector.broadcast %sub3A_255 : i32 to vector<16xi32>
        %sub3A_257 = arith.subi %add3A_254, %sub3A_256 : vector<16xi32>
        %min3A_258 = arith.constant 271 : i32
        %min3A_259 = vector.broadcast %min3A_258 : i32 to vector<16xi32>
        %min3A_260 = arith.minsi %sub3A_257, %min3A_259 : vector<16xi32>
        tpu.vector_store_idx %arg14[%min3A_260], %get3A_149 masked %ge3A_152 : memref<272xf32, #tpu.memory_space<vmem>>[vector<16xi32>], vector<16xf32>, vector<16xi1>
        %mul3A_261 = arith.constant 128 : i32
        %mul3A_262 = arith.muli %scan3A_62, %mul3A_261 : i32
        %add3A_263 = arith.constant 96 : i32
        %add3A_264 = arith.addi %mul3A_262, %add3A_263 : i32
        %add3A_265 = vector.broadcast %add3A_264 : i32 to vector<16xi32>
        %add3A_266 = arith.addi %iota3A, %add3A_265 : vector<16xi32>
        tpu.vector_store_idx %arg13[%min3A_260], %add3A_266 masked %ge3A_152 : memref<272xi32, #tpu.memory_space<vmem>>[vector<16xi32>], vector<16xi32>, vector<16xi1>
        %add3A_267 = arith.addi %add3A_253, %all_reduce_population_count3A_157 : vector<16xi32>
        %add3A_268 = arith.addi %add3A_267, %masked_cumsum3A_170 : vector<16xi32>
        %sub3A_269 = arith.constant 1 : i32
        %sub3A_270 = vector.broadcast %sub3A_269 : i32 to vector<16xi32>
        %sub3A_271 = arith.subi %add3A_268, %sub3A_270 : vector<16xi32>
        %min3A_272 = arith.constant 271 : i32
        %min3A_273 = vector.broadcast %min3A_272 : i32 to vector<16xi32>
        %min3A_274 = arith.minsi %sub3A_271, %min3A_273 : vector<16xi32>
        tpu.vector_store_idx %arg14[%min3A_274], %get3A_163 masked %ge3A_166 : memref<272xf32, #tpu.memory_space<vmem>>[vector<16xi32>], vector<16xf32>, vector<16xi1>
        %mul3A_275 = arith.constant 128 : i32
        %mul3A_276 = arith.muli %scan3A_62, %mul3A_275 : i32
        %add3A_277 = arith.constant 112 : i32
        %add3A_278 = arith.addi %mul3A_276, %add3A_277 : i32
        %add3A_279 = vector.broadcast %add3A_278 : i32 to vector<16xi32>
        %add3A_280 = arith.addi %iota3A, %add3A_279 : vector<16xi32>
        tpu.vector_store_idx %arg13[%min3A_274], %add3A_280 masked %ge3A_166 : memref<272xi32, #tpu.memory_space<vmem>>[vector<16xi32>], vector<16xi32>, vector<16xi1>
        %add3A_281 = arith.addi %add3A_267, %all_reduce_population_count3A_171 : vector<16xi32>
        scf.yield %add3A_281 : vector<16xi32>
      }
      %scan3A_36 = arith.constant 40 : i32
      %reduce_max3A = arith.constant true
      %reduce_max3A_37 = vector.broadcast %reduce_max3A : i1 to vector<16xi1>
      %reduce_max3A_38 = arith.constant -2147483648 : i32
      %reduce_max3A_39 = vector.broadcast %reduce_max3A_38 : i32 to vector<16xi32>
      %reduce_max3A_40 = arith.xori %scan3A_35, %reduce_max3A_39 : vector<16xi32>
      %reduce_max3A_41 = tpu.scan <max>, %reduce_max3A_40 masked %reduce_max3A_37 : vector<16xi32>, vector<16xi1> -> vector<16xi32>
      %reduce_max3A_42 = arith.xori %reduce_max3A_41, %reduce_max3A_39 : vector<16xi32>
      %reduce_max3A_43 = vector.extract %reduce_max3A_42[15] : i32 from vector<16xi32>
      %gt3A = arith.constant 256 : i32
      %gt3A_44 = arith.cmpi sgt, %reduce_max3A_43, %gt3A : i32
      %convert_element_type3A_45 = arith.extui %gt3A_44 : i1 to i32
      %cond3A_46 = arith.constant 0 : i32
      %cond3A_47 = arith.cmpi ne, %convert_element_type3A_45, %cond3A_46 : i32
      scf.if %cond3A_47 {
        %swap3A = arith.constant 0 : index
        %swap3A_62 = tpu.vector_load %arg14[%swap3A] {strides = array<i32>} : memref<272xf32, #tpu.memory_space<vmem>>, vector<16xf32>,
        tpu.vector_store %arg14[%swap3A], %broadcast_in_dim3A_5 {strides = array<i32>} : memref<272xf32, #tpu.memory_space<vmem>>, vector<16xf32>,
      } else {
      }
      %dma_start3A = arith.constant 0 : i32
      %dma_start3A_48 = tpu.memref_slice %arg3[%dma_start3A] : memref<5120xf32, #tpu.memory_space<hbm>> -> memref<5120xf32, #tpu.memory_space<hbm>>
      tpu.enqueue_indirect_dma source(%dma_start3A_48 : memref<5120xf32, #tpu.memory_space<hbm>>) target(%arg15 : memref<272xf32, #tpu.memory_space<vmem>>) offsets(%arg13 : memref<272xi32, #tpu.memory_space<vmem>>) semaphore(%arg19 : memref<!tpu.dma_semaphore, #tpu.memory_space<semaphore_mem>>)
      %dma_start3A_49 = arith.constant 0 : i32
      %dma_start3A_50 = tpu.memref_slice %arg4[%dma_start3A_49] : memref<5120xf32, #tpu.memory_space<hbm>> -> memref<5120xf32, #tpu.memory_space<hbm>>
      tpu.enqueue_indirect_dma source(%dma_start3A_50 : memref<5120xf32, #tpu.memory_space<hbm>>) target(%arg16 : memref<272xf32, #tpu.memory_space<vmem>>) offsets(%arg13 : memref<272xi32, #tpu.memory_space<vmem>>) semaphore(%arg19 : memref<!tpu.dma_semaphore, #tpu.memory_space<semaphore_mem>>)
      %dma_start3A_51 = arith.constant 0 : i32
      %dma_start3A_52 = tpu.memref_slice %arg5[%dma_start3A_51] : memref<5120xf32, #tpu.memory_space<hbm>> -> memref<5120xf32, #tpu.memory_space<hbm>>
      tpu.enqueue_indirect_dma source(%dma_start3A_52 : memref<5120xf32, #tpu.memory_space<hbm>>) target(%arg17 : memref<272xf32, #tpu.memory_space<vmem>>) offsets(%arg13 : memref<272xi32, #tpu.memory_space<vmem>>) semaphore(%arg19 : memref<!tpu.dma_semaphore, #tpu.memory_space<semaphore_mem>>)
      %dma_start3A_53 = arith.constant 0 : i32
      %dma_start3A_54 = tpu.memref_slice %arg6[%dma_start3A_53] : memref<5120xf32, #tpu.memory_space<hbm>> -> memref<5120xf32, #tpu.memory_space<hbm>>
      tpu.enqueue_indirect_dma source(%dma_start3A_54 : memref<5120xf32, #tpu.memory_space<hbm>>) target(%arg18 : memref<272xf32, #tpu.memory_space<vmem>>) offsets(%arg13 : memref<272xi32, #tpu.memory_space<vmem>>) semaphore(%arg19 : memref<!tpu.dma_semaphore, #tpu.memory_space<semaphore_mem>>)
      %dma_wait3A = arith.constant 0 : i32
      %dma_wait3A_55 = tpu.memref_slice %arg3[%dma_wait3A] : memref<5120xf32, #tpu.memory_space<hbm>> -> memref<5120xf32, #tpu.memory_space<hbm>>
      tpu.wait_indirect_dma semaphore(%arg19 : memref<!tpu.dma_semaphore, #tpu.memory_space<semaphore_mem>>) src(%dma_wait3A_55 : memref<5120xf32, #tpu.memory_space<hbm>>) dst(%arg15 : memref<272xf32, #tpu.memory_space<vmem>>)
      %dma_wait3A_56 = arith.constant 0 : i32
      %dma_wait3A_57 = tpu.memref_slice %arg4[%dma_wait3A_56] : memref<5120xf32, #tpu.memory_space<hbm>> -> memref<5120xf32, #tpu.memory_space<hbm>>
      tpu.wait_indirect_dma semaphore(%arg19 : memref<!tpu.dma_semaphore, #tpu.memory_space<semaphore_mem>>) src(%dma_wait3A_57 : memref<5120xf32, #tpu.memory_space<hbm>>) dst(%arg16 : memref<272xf32, #tpu.memory_space<vmem>>)
      %dma_wait3A_58 = arith.constant 0 : i32
      %dma_wait3A_59 = tpu.memref_slice %arg5[%dma_wait3A_58] : memref<5120xf32, #tpu.memory_space<hbm>> -> memref<5120xf32, #tpu.memory_space<hbm>>
      tpu.wait_indirect_dma semaphore(%arg19 : memref<!tpu.dma_semaphore, #tpu.memory_space<semaphore_mem>>) src(%dma_wait3A_59 : memref<5120xf32, #tpu.memory_space<hbm>>) dst(%arg17 : memref<272xf32, #tpu.memory_space<vmem>>)
      %dma_wait3A_60 = arith.constant 0 : i32
      %dma_wait3A_61 = tpu.memref_slice %arg6[%dma_wait3A_60] : memref<5120xf32, #tpu.memory_space<hbm>> -> memref<5120xf32, #tpu.memory_space<hbm>>
      tpu.wait_indirect_dma semaphore(%arg19 : memref<!tpu.dma_semaphore, #tpu.memory_space<semaphore_mem>>) src(%dma_wait3A_61 : memref<5120xf32, #tpu.memory_space<hbm>>) dst(%arg18 : memref<272xf32, #tpu.memory_space<vmem>>)
      "tpu.region"() ({
        %run_scoped3A = tpu.sem_alloc : memref<!tpu.dma_semaphore, #tpu.memory_space<semaphore_mem>>
        %dma_start3A_62 = arith.constant 0 : i32
        %dma_start3A_63 = tpu.memref_slice %arg7[%add3A_7, %dma_start3A_62] : memref<80x272xf32, #tpu.memory_space<hbm>> -> memref<1x272xf32, #tpu.memory_space<hbm>>
        %dma_start3A_64 = tpu.memref_squeeze %dma_start3A_63 : memref<1x272xf32, #tpu.memory_space<hbm>> -> memref<272xf32, #tpu.memory_space<hbm>>
        %dma_start3A_65 = arith.constant 0 : i32
        %dma_start3A_66 = tpu.memref_slice %arg7[%add3A_7, %dma_start3A_65] : memref<80x272xf32, #tpu.memory_space<hbm>> -> memref<1x272xf32, #tpu.memory_space<hbm>>
        %dma_start3A_67 = tpu.memref_squeeze %dma_start3A_66 : memref<1x272xf32, #tpu.memory_space<hbm>> -> memref<272xf32, #tpu.memory_space<hbm>>
        tpu.enqueue_dma source(%arg14 : memref<272xf32, #tpu.memory_space<vmem>>) target(%dma_start3A_67 : memref<272xf32, #tpu.memory_space<hbm>>) target_semaphore(%run_scoped3A : memref<!tpu.dma_semaphore, #tpu.memory_space<semaphore_mem>>)
        %dma_wait3A_68 = arith.constant 0 : i32
        %dma_wait3A_69 = tpu.memref_slice %arg7[%add3A_7, %dma_wait3A_68] : memref<80x272xf32, #tpu.memory_space<hbm>> -> memref<1x272xf32, #tpu.memory_space<hbm>>
        %dma_wait3A_70 = tpu.memref_squeeze %dma_wait3A_69 : memref<1x272xf32, #tpu.memory_space<hbm>> -> memref<272xf32, #tpu.memory_space<hbm>>
        %dma_wait3A_71 = arith.constant 0 : i32
        %dma_wait3A_72 = tpu.memref_slice %arg7[%add3A_7, %dma_wait3A_71] : memref<80x272xf32, #tpu.memory_space<hbm>> -> memref<1x272xf32, #tpu.memory_space<hbm>>
        %dma_wait3A_73 = tpu.memref_squeeze %dma_wait3A_72 : memref<1x272xf32, #tpu.memory_space<hbm>> -> memref<272xf32, #tpu.memory_space<hbm>>
        tpu.wait_dma2 semaphore(%run_scoped3A : memref<!tpu.dma_semaphore, #tpu.memory_space<semaphore_mem>>) src(%arg14 : memref<272xf32, #tpu.memory_space<vmem>>) dst(%dma_wait3A_73 : memref<272xf32, #tpu.memory_space<hbm>>)
        tpu.yield
      }) : () -> ()
      "tpu.region"() ({
        %run_scoped3A = tpu.sem_alloc : memref<!tpu.dma_semaphore, #tpu.memory_space<semaphore_mem>>
        %dma_start3A_62 = arith.constant 0 : i32
        %dma_start3A_63 = tpu.memref_slice %arg8[%add3A_7, %dma_start3A_62] : memref<80x272xf32, #tpu.memory_space<hbm>> -> memref<1x272xf32, #tpu.memory_space<hbm>>
        %dma_start3A_64 = tpu.memref_squeeze %dma_start3A_63 : memref<1x272xf32, #tpu.memory_space<hbm>> -> memref<272xf32, #tpu.memory_space<hbm>>
        %dma_start3A_65 = arith.constant 0 : i32
        %dma_start3A_66 = tpu.memref_slice %arg8[%add3A_7, %dma_start3A_65] : memref<80x272xf32, #tpu.memory_space<hbm>> -> memref<1x272xf32, #tpu.memory_space<hbm>>
        %dma_start3A_67 = tpu.memref_squeeze %dma_start3A_66 : memref<1x272xf32, #tpu.memory_space<hbm>> -> memref<272xf32, #tpu.memory_space<hbm>>
        tpu.enqueue_dma source(%arg15 : memref<272xf32, #tpu.memory_space<vmem>>) target(%dma_start3A_67 : memref<272xf32, #tpu.memory_space<hbm>>) target_semaphore(%run_scoped3A : memref<!tpu.dma_semaphore, #tpu.memory_space<semaphore_mem>>)
        %dma_wait3A_68 = arith.constant 0 : i32
        %dma_wait3A_69 = tpu.memref_slice %arg8[%add3A_7, %dma_wait3A_68] : memref<80x272xf32, #tpu.memory_space<hbm>> -> memref<1x272xf32, #tpu.memory_space<hbm>>
        %dma_wait3A_70 = tpu.memref_squeeze %dma_wait3A_69 : memref<1x272xf32, #tpu.memory_space<hbm>> -> memref<272xf32, #tpu.memory_space<hbm>>
        %dma_wait3A_71 = arith.constant 0 : i32
        %dma_wait3A_72 = tpu.memref_slice %arg8[%add3A_7, %dma_wait3A_71] : memref<80x272xf32, #tpu.memory_space<hbm>> -> memref<1x272xf32, #tpu.memory_space<hbm>>
        %dma_wait3A_73 = tpu.memref_squeeze %dma_wait3A_72 : memref<1x272xf32, #tpu.memory_space<hbm>> -> memref<272xf32, #tpu.memory_space<hbm>>
        tpu.wait_dma2 semaphore(%run_scoped3A : memref<!tpu.dma_semaphore, #tpu.memory_space<semaphore_mem>>) src(%arg15 : memref<272xf32, #tpu.memory_space<vmem>>) dst(%dma_wait3A_73 : memref<272xf32, #tpu.memory_space<hbm>>)
        tpu.yield
      }) : () -> ()
      "tpu.region"() ({
        %run_scoped3A = tpu.sem_alloc : memref<!tpu.dma_semaphore, #tpu.memory_space<semaphore_mem>>
        %dma_start3A_62 = arith.constant 0 : i32
        %dma_start3A_63 = tpu.memref_slice %arg9[%add3A_7, %dma_start3A_62] : memref<80x272xf32, #tpu.memory_space<hbm>> -> memref<1x272xf32, #tpu.memory_space<hbm>>
        %dma_start3A_64 = tpu.memref_squeeze %dma_start3A_63 : memref<1x272xf32, #tpu.memory_space<hbm>> -> memref<272xf32, #tpu.memory_space<hbm>>
        %dma_start3A_65 = arith.constant 0 : i32
        %dma_start3A_66 = tpu.memref_slice %arg9[%add3A_7, %dma_start3A_65] : memref<80x272xf32, #tpu.memory_space<hbm>> -> memref<1x272xf32, #tpu.memory_space<hbm>>
        %dma_start3A_67 = tpu.memref_squeeze %dma_start3A_66 : memref<1x272xf32, #tpu.memory_space<hbm>> -> memref<272xf32, #tpu.memory_space<hbm>>
        tpu.enqueue_dma source(%arg16 : memref<272xf32, #tpu.memory_space<vmem>>) target(%dma_start3A_67 : memref<272xf32, #tpu.memory_space<hbm>>) target_semaphore(%run_scoped3A : memref<!tpu.dma_semaphore, #tpu.memory_space<semaphore_mem>>)
        %dma_wait3A_68 = arith.constant 0 : i32
        %dma_wait3A_69 = tpu.memref_slice %arg9[%add3A_7, %dma_wait3A_68] : memref<80x272xf32, #tpu.memory_space<hbm>> -> memref<1x272xf32, #tpu.memory_space<hbm>>
        %dma_wait3A_70 = tpu.memref_squeeze %dma_wait3A_69 : memref<1x272xf32, #tpu.memory_space<hbm>> -> memref<272xf32, #tpu.memory_space<hbm>>
        %dma_wait3A_71 = arith.constant 0 : i32
        %dma_wait3A_72 = tpu.memref_slice %arg9[%add3A_7, %dma_wait3A_71] : memref<80x272xf32, #tpu.memory_space<hbm>> -> memref<1x272xf32, #tpu.memory_space<hbm>>
        %dma_wait3A_73 = tpu.memref_squeeze %dma_wait3A_72 : memref<1x272xf32, #tpu.memory_space<hbm>> -> memref<272xf32, #tpu.memory_space<hbm>>
        tpu.wait_dma2 semaphore(%run_scoped3A : memref<!tpu.dma_semaphore, #tpu.memory_space<semaphore_mem>>) src(%arg16 : memref<272xf32, #tpu.memory_space<vmem>>) dst(%dma_wait3A_73 : memref<272xf32, #tpu.memory_space<hbm>>)
        tpu.yield
      }) : () -> ()
      "tpu.region"() ({
        %run_scoped3A = tpu.sem_alloc : memref<!tpu.dma_semaphore, #tpu.memory_space<semaphore_mem>>
        %dma_start3A_62 = arith.constant 0 : i32
        %dma_start3A_63 = tpu.memref_slice %arg10[%add3A_7, %dma_start3A_62] : memref<80x272xf32, #tpu.memory_space<hbm>> -> memref<1x272xf32, #tpu.memory_space<hbm>>
        %dma_start3A_64 = tpu.memref_squeeze %dma_start3A_63 : memref<1x272xf32, #tpu.memory_space<hbm>> -> memref<272xf32, #tpu.memory_space<hbm>>
        %dma_start3A_65 = arith.constant 0 : i32
        %dma_start3A_66 = tpu.memref_slice %arg10[%add3A_7, %dma_start3A_65] : memref<80x272xf32, #tpu.memory_space<hbm>> -> memref<1x272xf32, #tpu.memory_space<hbm>>
        %dma_start3A_67 = tpu.memref_squeeze %dma_start3A_66 : memref<1x272xf32, #tpu.memory_space<hbm>> -> memref<272xf32, #tpu.memory_space<hbm>>
        tpu.enqueue_dma source(%arg17 : memref<272xf32, #tpu.memory_space<vmem>>) target(%dma_start3A_67 : memref<272xf32, #tpu.memory_space<hbm>>) target_semaphore(%run_scoped3A : memref<!tpu.dma_semaphore, #tpu.memory_space<semaphore_mem>>)
        %dma_wait3A_68 = arith.constant 0 : i32
        %dma_wait3A_69 = tpu.memref_slice %arg10[%add3A_7, %dma_wait3A_68] : memref<80x272xf32, #tpu.memory_space<hbm>> -> memref<1x272xf32, #tpu.memory_space<hbm>>
        %dma_wait3A_70 = tpu.memref_squeeze %dma_wait3A_69 : memref<1x272xf32, #tpu.memory_space<hbm>> -> memref<272xf32, #tpu.memory_space<hbm>>
        %dma_wait3A_71 = arith.constant 0 : i32
        %dma_wait3A_72 = tpu.memref_slice %arg10[%add3A_7, %dma_wait3A_71] : memref<80x272xf32, #tpu.memory_space<hbm>> -> memref<1x272xf32, #tpu.memory_space<hbm>>
        %dma_wait3A_73 = tpu.memref_squeeze %dma_wait3A_72 : memref<1x272xf32, #tpu.memory_space<hbm>> -> memref<272xf32, #tpu.memory_space<hbm>>
        tpu.wait_dma2 semaphore(%run_scoped3A : memref<!tpu.dma_semaphore, #tpu.memory_space<semaphore_mem>>) src(%arg17 : memref<272xf32, #tpu.memory_space<vmem>>) dst(%dma_wait3A_73 : memref<272xf32, #tpu.memory_space<hbm>>)
        tpu.yield
      }) : () -> ()
      "tpu.region"() ({
        %run_scoped3A = tpu.sem_alloc : memref<!tpu.dma_semaphore, #tpu.memory_space<semaphore_mem>>
        %dma_start3A_62 = arith.constant 0 : i32
        %dma_start3A_63 = tpu.memref_slice %arg11[%add3A_7, %dma_start3A_62] : memref<80x272xf32, #tpu.memory_space<hbm>> -> memref<1x272xf32, #tpu.memory_space<hbm>>
        %dma_start3A_64 = tpu.memref_squeeze %dma_start3A_63 : memref<1x272xf32, #tpu.memory_space<hbm>> -> memref<272xf32, #tpu.memory_space<hbm>>
        %dma_start3A_65 = arith.constant 0 : i32
        %dma_start3A_66 = tpu.memref_slice %arg11[%add3A_7, %dma_start3A_65] : memref<80x272xf32, #tpu.memory_space<hbm>> -> memref<1x272xf32, #tpu.memory_space<hbm>>
        %dma_start3A_67 = tpu.memref_squeeze %dma_start3A_66 : memref<1x272xf32, #tpu.memory_space<hbm>> -> memref<272xf32, #tpu.memory_space<hbm>>
        tpu.enqueue_dma source(%arg18 : memref<272xf32, #tpu.memory_space<vmem>>) target(%dma_start3A_67 : memref<272xf32, #tpu.memory_space<hbm>>) target_semaphore(%run_scoped3A : memref<!tpu.dma_semaphore, #tpu.memory_space<semaphore_mem>>)
        %dma_wait3A_68 = arith.constant 0 : i32
        %dma_wait3A_69 = tpu.memref_slice %arg11[%add3A_7, %dma_wait3A_68] : memref<80x272xf32, #tpu.memory_space<hbm>> -> memref<1x272xf32, #tpu.memory_space<hbm>>
        %dma_wait3A_70 = tpu.memref_squeeze %dma_wait3A_69 : memref<1x272xf32, #tpu.memory_space<hbm>> -> memref<272xf32, #tpu.memory_space<hbm>>
        %dma_wait3A_71 = arith.constant 0 : i32
        %dma_wait3A_72 = tpu.memref_slice %arg11[%add3A_7, %dma_wait3A_71] : memref<80x272xf32, #tpu.memory_space<hbm>> -> memref<1x272xf32, #tpu.memory_space<hbm>>
        %dma_wait3A_73 = tpu.memref_squeeze %dma_wait3A_72 : memref<1x272xf32, #tpu.memory_space<hbm>> -> memref<272xf32, #tpu.memory_space<hbm>>
        tpu.wait_dma2 semaphore(%run_scoped3A : memref<!tpu.dma_semaphore, #tpu.memory_space<semaphore_mem>>) src(%arg18 : memref<272xf32, #tpu.memory_space<vmem>>) dst(%dma_wait3A_73 : memref<272xf32, #tpu.memory_space<hbm>>)
        tpu.yield
      }) : () -> ()
    } else {
    }
    %add3A_10 = arith.constant 32 : i32
    %add3A_11 = arith.addi %add3A, %add3A_10 : i32
    %lt3A_12 = arith.constant 80 : i32
    %lt3A_13 = arith.cmpi slt, %add3A_11, %lt3A_12 : i32
    %convert_element_type3A_14 = arith.extui %lt3A_13 : i1 to i32
    %cond3A_15 = arith.constant 0 : i32
    %cond3A_16 = arith.cmpi ne, %convert_element_type3A_14, %cond3A_15 : i32
    scf.if %cond3A_16 {
      "tpu.region"() ({
        %run_scoped3A = tpu.sem_alloc : memref<!tpu.dma_semaphore, #tpu.memory_space<semaphore_mem>>
        %dma_start3A_62 = arith.constant 0 : i32
        %dma_start3A_63 = tpu.memref_slice %arg2[%add3A_11, %dma_start3A_62] : memref<80x5120xf32, #tpu.memory_space<hbm>> -> memref<1x5120xf32, #tpu.memory_space<hbm>>
        %dma_start3A_64 = tpu.memref_squeeze %dma_start3A_63 : memref<1x5120xf32, #tpu.memory_space<hbm>> -> memref<5120xf32, #tpu.memory_space<hbm>>
        %dma_start3A_65 = arith.constant 0 : i32
        %dma_start3A_66 = tpu.memref_slice %arg2[%add3A_11, %dma_start3A_65] : memref<80x5120xf32, #tpu.memory_space<hbm>> -> memref<1x5120xf32, #tpu.memory_space<hbm>>
        %dma_start3A_67 = tpu.memref_squeeze %dma_start3A_66 : memref<1x5120xf32, #tpu.memory_space<hbm>> -> memref<5120xf32, #tpu.memory_space<hbm>>
        tpu.enqueue_dma source(%dma_start3A_67 : memref<5120xf32, #tpu.memory_space<hbm>>) target(%arg12 : memref<5120xf32, #tpu.memory_space<vmem>>) target_semaphore(%run_scoped3A : memref<!tpu.dma_semaphore, #tpu.memory_space<semaphore_mem>>)
        %dma_wait3A_68 = arith.constant 0 : i32
        %dma_wait3A_69 = tpu.memref_slice %arg2[%add3A_11, %dma_wait3A_68] : memref<80x5120xf32, #tpu.memory_space<hbm>> -> memref<1x5120xf32, #tpu.memory_space<hbm>>
        %dma_wait3A_70 = tpu.memref_squeeze %dma_wait3A_69 : memref<1x5120xf32, #tpu.memory_space<hbm>> -> memref<5120xf32, #tpu.memory_space<hbm>>
        %dma_wait3A_71 = arith.constant 0 : i32
        %dma_wait3A_72 = tpu.memref_slice %arg2[%add3A_11, %dma_wait3A_71] : memref<80x5120xf32, #tpu.memory_space<hbm>> -> memref<1x5120xf32, #tpu.memory_space<hbm>>
        %dma_wait3A_73 = tpu.memref_squeeze %dma_wait3A_72 : memref<1x5120xf32, #tpu.memory_space<hbm>> -> memref<5120xf32, #tpu.memory_space<hbm>>
        tpu.wait_dma2 semaphore(%run_scoped3A : memref<!tpu.dma_semaphore, #tpu.memory_space<semaphore_mem>>) src(%dma_wait3A_73 : memref<5120xf32, #tpu.memory_space<hbm>>) dst(%arg12 : memref<5120xf32, #tpu.memory_space<vmem>>)
        tpu.yield
      }) : () -> ()
      %scan3A = arith.constant 0 : i32
      %scan3A_24 = arith.constant 0 : i32
      %scan3A_25 = arith.constant 17 : i32
      %scan3A_26 = arith.addi %scan3A_24, %scan3A_25 : i32
      %scan3A_27 = arith.constant 1 : i32
      scf.for %scan3A_62 = %scan3A_24 to %scan3A_26 step %scan3A_27  : i32 {
        %mul3A_63 = arith.constant 16 : i32
        %mul3A_64 = arith.muli %scan3A_62, %mul3A_63 : i32
        %swap3A = arith.index_cast %mul3A_64 : i32 to index
        %swap3A_65 = tpu.vector_load %arg13[%swap3A] {strides = array<i32>} : memref<272xi32, #tpu.memory_space<vmem>>, vector<16xi32>,
        tpu.vector_store %arg13[%swap3A], %broadcast_in_dim3A_1 {strides = array<i32>} : memref<272xi32, #tpu.memory_space<vmem>>, vector<16xi32>,
        %mul3A_66 = arith.constant 16 : i32
        %mul3A_67 = arith.muli %scan3A_62, %mul3A_66 : i32
        %swap3A_68 = arith.index_cast %mul3A_67 : i32 to index
        %swap3A_69 = tpu.vector_load %arg14[%swap3A_68] {strides = array<i32>} : memref<272xf32, #tpu.memory_space<vmem>>, vector<16xf32>,
        tpu.vector_store %arg14[%swap3A_68], %broadcast_in_dim3A_3 {strides = array<i32>} : memref<272xf32, #tpu.memory_space<vmem>>, vector<16xf32>,
      }
      %scan3A_28 = arith.constant 17 : i32
      %broadcast_in_dim3A_29 = arith.constant 0 : i32
      %broadcast_in_dim3A_30 = vector.broadcast %broadcast_in_dim3A_29 : i32 to vector<16xi32>
      %scan3A_31 = arith.constant 0 : i32
      %scan3A_32 = arith.constant 40 : i32
      %scan3A_33 = arith.addi %scan3A_31, %scan3A_32 : i32
      %scan3A_34 = arith.constant 1 : i32
      %scan3A_35 = scf.for %scan3A_62 = %scan3A_31 to %scan3A_33 step %scan3A_34 iter_args(%scan3A_63 = %broadcast_in_dim3A_30) -> (vector<16xi32>)  : i32 {
        %mul3A_64 = arith.constant 128 : i32
        %mul3A_65 = arith.muli %scan3A_62, %mul3A_64 : i32
        %add3A_66 = arith.constant 0 : i32
        %add3A_67 = arith.addi %mul3A_65, %add3A_66 : i32
        %get3A = arith.index_cast %add3A_67 : i32 to index
        %get3A_68 = tpu.vector_load %arg12[%get3A] {strides = array<i32>} : memref<5120xf32, #tpu.memory_space<vmem>>, vector<16xf32>,
        %ge3A = arith.constant 0.964999973 : f32
        %ge3A_69 = vector.broadcast %ge3A : f32 to vector<16xf32>
        %ge3A_70 = arith.cmpf oge, %get3A_68, %ge3A_69 : vector<16xf32>
        %convert_element_type3A_71 = arith.extui %ge3A_70 : vector<16xi1> to vector<16xi32>
        %broadcast_in_dim3A_72 = arith.constant true
        %broadcast_in_dim3A_73 = vector.broadcast %broadcast_in_dim3A_72 : i1 to vector<16xi1>
        %masked_cumsum3A = tpu.scan <sum>, %convert_element_type3A_71 masked %broadcast_in_dim3A_73 : vector<16xi32>, vector<16xi1> -> vector<16xi32>
        %all_reduce_population_count3A = tpu.all_reduce %ge3A_70 {dim = 0 : i64, kind = #tpu.reduction_kind<sum>} : vector<16xi1> -> vector<16xi32>
        %mul3A_74 = arith.constant 128 : i32
        %mul3A_75 = arith.muli %scan3A_62, %mul3A_74 : i32
        %add3A_76 = arith.constant 16 : i32
        %add3A_77 = arith.addi %mul3A_75, %add3A_76 : i32
        %get3A_78 = arith.index_cast %add3A_77 : i32 to index
        %get3A_79 = tpu.vector_load %arg12[%get3A_78] {strides = array<i32>} : memref<5120xf32, #tpu.memory_space<vmem>>, vector<16xf32>,
        %ge3A_80 = arith.constant 0.964999973 : f32
        %ge3A_81 = vector.broadcast %ge3A_80 : f32 to vector<16xf32>
        %ge3A_82 = arith.cmpf oge, %get3A_79, %ge3A_81 : vector<16xf32>
        %convert_element_type3A_83 = arith.extui %ge3A_82 : vector<16xi1> to vector<16xi32>
        %broadcast_in_dim3A_84 = arith.constant true
        %broadcast_in_dim3A_85 = vector.broadcast %broadcast_in_dim3A_84 : i1 to vector<16xi1>
        %masked_cumsum3A_86 = tpu.scan <sum>, %convert_element_type3A_83 masked %broadcast_in_dim3A_85 : vector<16xi32>, vector<16xi1> -> vector<16xi32>
        %all_reduce_population_count3A_87 = tpu.all_reduce %ge3A_82 {dim = 0 : i64, kind = #tpu.reduction_kind<sum>} : vector<16xi1> -> vector<16xi32>
        %mul3A_88 = arith.constant 128 : i32
        %mul3A_89 = arith.muli %scan3A_62, %mul3A_88 : i32
        %add3A_90 = arith.constant 32 : i32
        %add3A_91 = arith.addi %mul3A_89, %add3A_90 : i32
        %get3A_92 = arith.index_cast %add3A_91 : i32 to index
        %get3A_93 = tpu.vector_load %arg12[%get3A_92] {strides = array<i32>} : memref<5120xf32, #tpu.memory_space<vmem>>, vector<16xf32>,
        %ge3A_94 = arith.constant 0.964999973 : f32
        %ge3A_95 = vector.broadcast %ge3A_94 : f32 to vector<16xf32>
        %ge3A_96 = arith.cmpf oge, %get3A_93, %ge3A_95 : vector<16xf32>
        %convert_element_type3A_97 = arith.extui %ge3A_96 : vector<16xi1> to vector<16xi32>
        %broadcast_in_dim3A_98 = arith.constant true
        %broadcast_in_dim3A_99 = vector.broadcast %broadcast_in_dim3A_98 : i1 to vector<16xi1>
        %masked_cumsum3A_100 = tpu.scan <sum>, %convert_element_type3A_97 masked %broadcast_in_dim3A_99 : vector<16xi32>, vector<16xi1> -> vector<16xi32>
        %all_reduce_population_count3A_101 = tpu.all_reduce %ge3A_96 {dim = 0 : i64, kind = #tpu.reduction_kind<sum>} : vector<16xi1> -> vector<16xi32>
        %mul3A_102 = arith.constant 128 : i32
        %mul3A_103 = arith.muli %scan3A_62, %mul3A_102 : i32
        %add3A_104 = arith.constant 48 : i32
        %add3A_105 = arith.addi %mul3A_103, %add3A_104 : i32
        %get3A_106 = arith.index_cast %add3A_105 : i32 to index
        %get3A_107 = tpu.vector_load %arg12[%get3A_106] {strides = array<i32>} : memref<5120xf32, #tpu.memory_space<vmem>>, vector<16xf32>,
        %ge3A_108 = arith.constant 0.964999973 : f32
        %ge3A_109 = vector.broadcast %ge3A_108 : f32 to vector<16xf32>
        %ge3A_110 = arith.cmpf oge, %get3A_107, %ge3A_109 : vector<16xf32>
        %convert_element_type3A_111 = arith.extui %ge3A_110 : vector<16xi1> to vector<16xi32>
        %broadcast_in_dim3A_112 = arith.constant true
        %broadcast_in_dim3A_113 = vector.broadcast %broadcast_in_dim3A_112 : i1 to vector<16xi1>
        %masked_cumsum3A_114 = tpu.scan <sum>, %convert_element_type3A_111 masked %broadcast_in_dim3A_113 : vector<16xi32>, vector<16xi1> -> vector<16xi32>
        %all_reduce_population_count3A_115 = tpu.all_reduce %ge3A_110 {dim = 0 : i64, kind = #tpu.reduction_kind<sum>} : vector<16xi1> -> vector<16xi32>
        %mul3A_116 = arith.constant 128 : i32
        %mul3A_117 = arith.muli %scan3A_62, %mul3A_116 : i32
        %add3A_118 = arith.constant 64 : i32
        %add3A_119 = arith.addi %mul3A_117, %add3A_118 : i32
        %get3A_120 = arith.index_cast %add3A_119 : i32 to index
        %get3A_121 = tpu.vector_load %arg12[%get3A_120] {strides = array<i32>} : memref<5120xf32, #tpu.memory_space<vmem>>, vector<16xf32>,
        %ge3A_122 = arith.constant 0.964999973 : f32
        %ge3A_123 = vector.broadcast %ge3A_122 : f32 to vector<16xf32>
        %ge3A_124 = arith.cmpf oge, %get3A_121, %ge3A_123 : vector<16xf32>
        %convert_element_type3A_125 = arith.extui %ge3A_124 : vector<16xi1> to vector<16xi32>
        %broadcast_in_dim3A_126 = arith.constant true
        %broadcast_in_dim3A_127 = vector.broadcast %broadcast_in_dim3A_126 : i1 to vector<16xi1>
        %masked_cumsum3A_128 = tpu.scan <sum>, %convert_element_type3A_125 masked %broadcast_in_dim3A_127 : vector<16xi32>, vector<16xi1> -> vector<16xi32>
        %all_reduce_population_count3A_129 = tpu.all_reduce %ge3A_124 {dim = 0 : i64, kind = #tpu.reduction_kind<sum>} : vector<16xi1> -> vector<16xi32>
        %mul3A_130 = arith.constant 128 : i32
        %mul3A_131 = arith.muli %scan3A_62, %mul3A_130 : i32
        %add3A_132 = arith.constant 80 : i32
        %add3A_133 = arith.addi %mul3A_131, %add3A_132 : i32
        %get3A_134 = arith.index_cast %add3A_133 : i32 to index
        %get3A_135 = tpu.vector_load %arg12[%get3A_134] {strides = array<i32>} : memref<5120xf32, #tpu.memory_space<vmem>>, vector<16xf32>,
        %ge3A_136 = arith.constant 0.964999973 : f32
        %ge3A_137 = vector.broadcast %ge3A_136 : f32 to vector<16xf32>
        %ge3A_138 = arith.cmpf oge, %get3A_135, %ge3A_137 : vector<16xf32>
        %convert_element_type3A_139 = arith.extui %ge3A_138 : vector<16xi1> to vector<16xi32>
        %broadcast_in_dim3A_140 = arith.constant true
        %broadcast_in_dim3A_141 = vector.broadcast %broadcast_in_dim3A_140 : i1 to vector<16xi1>
        %masked_cumsum3A_142 = tpu.scan <sum>, %convert_element_type3A_139 masked %broadcast_in_dim3A_141 : vector<16xi32>, vector<16xi1> -> vector<16xi32>
        %all_reduce_population_count3A_143 = tpu.all_reduce %ge3A_138 {dim = 0 : i64, kind = #tpu.reduction_kind<sum>} : vector<16xi1> -> vector<16xi32>
        %mul3A_144 = arith.constant 128 : i32
        %mul3A_145 = arith.muli %scan3A_62, %mul3A_144 : i32
        %add3A_146 = arith.constant 96 : i32
        %add3A_147 = arith.addi %mul3A_145, %add3A_146 : i32
        %get3A_148 = arith.index_cast %add3A_147 : i32 to index
        %get3A_149 = tpu.vector_load %arg12[%get3A_148] {strides = array<i32>} : memref<5120xf32, #tpu.memory_space<vmem>>, vector<16xf32>,
        %ge3A_150 = arith.constant 0.964999973 : f32
        %ge3A_151 = vector.broadcast %ge3A_150 : f32 to vector<16xf32>
        %ge3A_152 = arith.cmpf oge, %get3A_149, %ge3A_151 : vector<16xf32>
        %convert_element_type3A_153 = arith.extui %ge3A_152 : vector<16xi1> to vector<16xi32>
        %broadcast_in_dim3A_154 = arith.constant true
        %broadcast_in_dim3A_155 = vector.broadcast %broadcast_in_dim3A_154 : i1 to vector<16xi1>
        %masked_cumsum3A_156 = tpu.scan <sum>, %convert_element_type3A_153 masked %broadcast_in_dim3A_155 : vector<16xi32>, vector<16xi1> -> vector<16xi32>
        %all_reduce_population_count3A_157 = tpu.all_reduce %ge3A_152 {dim = 0 : i64, kind = #tpu.reduction_kind<sum>} : vector<16xi1> -> vector<16xi32>
        %mul3A_158 = arith.constant 128 : i32
        %mul3A_159 = arith.muli %scan3A_62, %mul3A_158 : i32
        %add3A_160 = arith.constant 112 : i32
        %add3A_161 = arith.addi %mul3A_159, %add3A_160 : i32
        %get3A_162 = arith.index_cast %add3A_161 : i32 to index
        %get3A_163 = tpu.vector_load %arg12[%get3A_162] {strides = array<i32>} : memref<5120xf32, #tpu.memory_space<vmem>>, vector<16xf32>,
        %ge3A_164 = arith.constant 0.964999973 : f32
        %ge3A_165 = vector.broadcast %ge3A_164 : f32 to vector<16xf32>
        %ge3A_166 = arith.cmpf oge, %get3A_163, %ge3A_165 : vector<16xf32>
        %convert_element_type3A_167 = arith.extui %ge3A_166 : vector<16xi1> to vector<16xi32>
        %broadcast_in_dim3A_168 = arith.constant true
        %broadcast_in_dim3A_169 = vector.broadcast %broadcast_in_dim3A_168 : i1 to vector<16xi1>
        %masked_cumsum3A_170 = tpu.scan <sum>, %convert_element_type3A_167 masked %broadcast_in_dim3A_169 : vector<16xi32>, vector<16xi1> -> vector<16xi32>
        %all_reduce_population_count3A_171 = tpu.all_reduce %ge3A_166 {dim = 0 : i64, kind = #tpu.reduction_kind<sum>} : vector<16xi1> -> vector<16xi32>
        %add3A_172 = arith.addi %scan3A_63, %masked_cumsum3A : vector<16xi32>
        %sub3A = arith.constant 1 : i32
        %sub3A_173 = vector.broadcast %sub3A : i32 to vector<16xi32>
        %sub3A_174 = arith.subi %add3A_172, %sub3A_173 : vector<16xi32>
        %min3A = arith.constant 271 : i32
        %min3A_175 = vector.broadcast %min3A : i32 to vector<16xi32>
        %min3A_176 = arith.minsi %sub3A_174, %min3A_175 : vector<16xi32>
        tpu.vector_store_idx %arg14[%min3A_176], %get3A_68 masked %ge3A_70 : memref<272xf32, #tpu.memory_space<vmem>>[vector<16xi32>], vector<16xf32>, vector<16xi1>
        %mul3A_177 = arith.constant 128 : i32
        %mul3A_178 = arith.muli %scan3A_62, %mul3A_177 : i32
        %add3A_179 = arith.constant 0 : i32
        %add3A_180 = arith.addi %mul3A_178, %add3A_179 : i32
        %add3A_181 = vector.broadcast %add3A_180 : i32 to vector<16xi32>
        %add3A_182 = arith.addi %iota3A, %add3A_181 : vector<16xi32>
        tpu.vector_store_idx %arg13[%min3A_176], %add3A_182 masked %ge3A_70 : memref<272xi32, #tpu.memory_space<vmem>>[vector<16xi32>], vector<16xi32>, vector<16xi1>
        %add3A_183 = arith.addi %scan3A_63, %all_reduce_population_count3A : vector<16xi32>
        %add3A_184 = arith.addi %add3A_183, %masked_cumsum3A_86 : vector<16xi32>
        %sub3A_185 = arith.constant 1 : i32
        %sub3A_186 = vector.broadcast %sub3A_185 : i32 to vector<16xi32>
        %sub3A_187 = arith.subi %add3A_184, %sub3A_186 : vector<16xi32>
        %min3A_188 = arith.constant 271 : i32
        %min3A_189 = vector.broadcast %min3A_188 : i32 to vector<16xi32>
        %min3A_190 = arith.minsi %sub3A_187, %min3A_189 : vector<16xi32>
        tpu.vector_store_idx %arg14[%min3A_190], %get3A_79 masked %ge3A_82 : memref<272xf32, #tpu.memory_space<vmem>>[vector<16xi32>], vector<16xf32>, vector<16xi1>
        %mul3A_191 = arith.constant 128 : i32
        %mul3A_192 = arith.muli %scan3A_62, %mul3A_191 : i32
        %add3A_193 = arith.constant 16 : i32
        %add3A_194 = arith.addi %mul3A_192, %add3A_193 : i32
        %add3A_195 = vector.broadcast %add3A_194 : i32 to vector<16xi32>
        %add3A_196 = arith.addi %iota3A, %add3A_195 : vector<16xi32>
        tpu.vector_store_idx %arg13[%min3A_190], %add3A_196 masked %ge3A_82 : memref<272xi32, #tpu.memory_space<vmem>>[vector<16xi32>], vector<16xi32>, vector<16xi1>
        %add3A_197 = arith.addi %add3A_183, %all_reduce_population_count3A_87 : vector<16xi32>
        %add3A_198 = arith.addi %add3A_197, %masked_cumsum3A_100 : vector<16xi32>
        %sub3A_199 = arith.constant 1 : i32
        %sub3A_200 = vector.broadcast %sub3A_199 : i32 to vector<16xi32>
        %sub3A_201 = arith.subi %add3A_198, %sub3A_200 : vector<16xi32>
        %min3A_202 = arith.constant 271 : i32
        %min3A_203 = vector.broadcast %min3A_202 : i32 to vector<16xi32>
        %min3A_204 = arith.minsi %sub3A_201, %min3A_203 : vector<16xi32>
        tpu.vector_store_idx %arg14[%min3A_204], %get3A_93 masked %ge3A_96 : memref<272xf32, #tpu.memory_space<vmem>>[vector<16xi32>], vector<16xf32>, vector<16xi1>
        %mul3A_205 = arith.constant 128 : i32
        %mul3A_206 = arith.muli %scan3A_62, %mul3A_205 : i32
        %add3A_207 = arith.constant 32 : i32
        %add3A_208 = arith.addi %mul3A_206, %add3A_207 : i32
        %add3A_209 = vector.broadcast %add3A_208 : i32 to vector<16xi32>
        %add3A_210 = arith.addi %iota3A, %add3A_209 : vector<16xi32>
        tpu.vector_store_idx %arg13[%min3A_204], %add3A_210 masked %ge3A_96 : memref<272xi32, #tpu.memory_space<vmem>>[vector<16xi32>], vector<16xi32>, vector<16xi1>
        %add3A_211 = arith.addi %add3A_197, %all_reduce_population_count3A_101 : vector<16xi32>
        %add3A_212 = arith.addi %add3A_211, %masked_cumsum3A_114 : vector<16xi32>
        %sub3A_213 = arith.constant 1 : i32
        %sub3A_214 = vector.broadcast %sub3A_213 : i32 to vector<16xi32>
        %sub3A_215 = arith.subi %add3A_212, %sub3A_214 : vector<16xi32>
        %min3A_216 = arith.constant 271 : i32
        %min3A_217 = vector.broadcast %min3A_216 : i32 to vector<16xi32>
        %min3A_218 = arith.minsi %sub3A_215, %min3A_217 : vector<16xi32>
        tpu.vector_store_idx %arg14[%min3A_218], %get3A_107 masked %ge3A_110 : memref<272xf32, #tpu.memory_space<vmem>>[vector<16xi32>], vector<16xf32>, vector<16xi1>
        %mul3A_219 = arith.constant 128 : i32
        %mul3A_220 = arith.muli %scan3A_62, %mul3A_219 : i32
        %add3A_221 = arith.constant 48 : i32
        %add3A_222 = arith.addi %mul3A_220, %add3A_221 : i32
        %add3A_223 = vector.broadcast %add3A_222 : i32 to vector<16xi32>
        %add3A_224 = arith.addi %iota3A, %add3A_223 : vector<16xi32>
        tpu.vector_store_idx %arg13[%min3A_218], %add3A_224 masked %ge3A_110 : memref<272xi32, #tpu.memory_space<vmem>>[vector<16xi32>], vector<16xi32>, vector<16xi1>
        %add3A_225 = arith.addi %add3A_211, %all_reduce_population_count3A_115 : vector<16xi32>
        %add3A_226 = arith.addi %add3A_225, %masked_cumsum3A_128 : vector<16xi32>
        %sub3A_227 = arith.constant 1 : i32
        %sub3A_228 = vector.broadcast %sub3A_227 : i32 to vector<16xi32>
        %sub3A_229 = arith.subi %add3A_226, %sub3A_228 : vector<16xi32>
        %min3A_230 = arith.constant 271 : i32
        %min3A_231 = vector.broadcast %min3A_230 : i32 to vector<16xi32>
        %min3A_232 = arith.minsi %sub3A_229, %min3A_231 : vector<16xi32>
        tpu.vector_store_idx %arg14[%min3A_232], %get3A_121 masked %ge3A_124 : memref<272xf32, #tpu.memory_space<vmem>>[vector<16xi32>], vector<16xf32>, vector<16xi1>
        %mul3A_233 = arith.constant 128 : i32
        %mul3A_234 = arith.muli %scan3A_62, %mul3A_233 : i32
        %add3A_235 = arith.constant 64 : i32
        %add3A_236 = arith.addi %mul3A_234, %add3A_235 : i32
        %add3A_237 = vector.broadcast %add3A_236 : i32 to vector<16xi32>
        %add3A_238 = arith.addi %iota3A, %add3A_237 : vector<16xi32>
        tpu.vector_store_idx %arg13[%min3A_232], %add3A_238 masked %ge3A_124 : memref<272xi32, #tpu.memory_space<vmem>>[vector<16xi32>], vector<16xi32>, vector<16xi1>
        %add3A_239 = arith.addi %add3A_225, %all_reduce_population_count3A_129 : vector<16xi32>
        %add3A_240 = arith.addi %add3A_239, %masked_cumsum3A_142 : vector<16xi32>
        %sub3A_241 = arith.constant 1 : i32
        %sub3A_242 = vector.broadcast %sub3A_241 : i32 to vector<16xi32>
        %sub3A_243 = arith.subi %add3A_240, %sub3A_242 : vector<16xi32>
        %min3A_244 = arith.constant 271 : i32
        %min3A_245 = vector.broadcast %min3A_244 : i32 to vector<16xi32>
        %min3A_246 = arith.minsi %sub3A_243, %min3A_245 : vector<16xi32>
        tpu.vector_store_idx %arg14[%min3A_246], %get3A_135 masked %ge3A_138 : memref<272xf32, #tpu.memory_space<vmem>>[vector<16xi32>], vector<16xf32>, vector<16xi1>
        %mul3A_247 = arith.constant 128 : i32
        %mul3A_248 = arith.muli %scan3A_62, %mul3A_247 : i32
        %add3A_249 = arith.constant 80 : i32
        %add3A_250 = arith.addi %mul3A_248, %add3A_249 : i32
        %add3A_251 = vector.broadcast %add3A_250 : i32 to vector<16xi32>
        %add3A_252 = arith.addi %iota3A, %add3A_251 : vector<16xi32>
        tpu.vector_store_idx %arg13[%min3A_246], %add3A_252 masked %ge3A_138 : memref<272xi32, #tpu.memory_space<vmem>>[vector<16xi32>], vector<16xi32>, vector<16xi1>
        %add3A_253 = arith.addi %add3A_239, %all_reduce_population_count3A_143 : vector<16xi32>
        %add3A_254 = arith.addi %add3A_253, %masked_cumsum3A_156 : vector<16xi32>
        %sub3A_255 = arith.constant 1 : i32
        %sub3A_256 = vector.broadcast %sub3A_255 : i32 to vector<16xi32>
        %sub3A_257 = arith.subi %add3A_254, %sub3A_256 : vector<16xi32>
        %min3A_258 = arith.constant 271 : i32
        %min3A_259 = vector.broadcast %min3A_258 : i32 to vector<16xi32>
        %min3A_260 = arith.minsi %sub3A_257, %min3A_259 : vector<16xi32>
        tpu.vector_store_idx %arg14[%min3A_260], %get3A_149 masked %ge3A_152 : memref<272xf32, #tpu.memory_space<vmem>>[vector<16xi32>], vector<16xf32>, vector<16xi1>
        %mul3A_261 = arith.constant 128 : i32
        %mul3A_262 = arith.muli %scan3A_62, %mul3A_261 : i32
        %add3A_263 = arith.constant 96 : i32
        %add3A_264 = arith.addi %mul3A_262, %add3A_263 : i32
        %add3A_265 = vector.broadcast %add3A_264 : i32 to vector<16xi32>
        %add3A_266 = arith.addi %iota3A, %add3A_265 : vector<16xi32>
        tpu.vector_store_idx %arg13[%min3A_260], %add3A_266 masked %ge3A_152 : memref<272xi32, #tpu.memory_space<vmem>>[vector<16xi32>], vector<16xi32>, vector<16xi1>
        %add3A_267 = arith.addi %add3A_253, %all_reduce_population_count3A_157 : vector<16xi32>
        %add3A_268 = arith.addi %add3A_267, %masked_cumsum3A_170 : vector<16xi32>
        %sub3A_269 = arith.constant 1 : i32
        %sub3A_270 = vector.broadcast %sub3A_269 : i32 to vector<16xi32>
        %sub3A_271 = arith.subi %add3A_268, %sub3A_270 : vector<16xi32>
        %min3A_272 = arith.constant 271 : i32
        %min3A_273 = vector.broadcast %min3A_272 : i32 to vector<16xi32>
        %min3A_274 = arith.minsi %sub3A_271, %min3A_273 : vector<16xi32>
        tpu.vector_store_idx %arg14[%min3A_274], %get3A_163 masked %ge3A_166 : memref<272xf32, #tpu.memory_space<vmem>>[vector<16xi32>], vector<16xf32>, vector<16xi1>
        %mul3A_275 = arith.constant 128 : i32
        %mul3A_276 = arith.muli %scan3A_62, %mul3A_275 : i32
        %add3A_277 = arith.constant 112 : i32
        %add3A_278 = arith.addi %mul3A_276, %add3A_277 : i32
        %add3A_279 = vector.broadcast %add3A_278 : i32 to vector<16xi32>
        %add3A_280 = arith.addi %iota3A, %add3A_279 : vector<16xi32>
        tpu.vector_store_idx %arg13[%min3A_274], %add3A_280 masked %ge3A_166 : memref<272xi32, #tpu.memory_space<vmem>>[vector<16xi32>], vector<16xi32>, vector<16xi1>
        %add3A_281 = arith.addi %add3A_267, %all_reduce_population_count3A_171 : vector<16xi32>
        scf.yield %add3A_281 : vector<16xi32>
      }
      %scan3A_36 = arith.constant 40 : i32
      %reduce_max3A = arith.constant true
      %reduce_max3A_37 = vector.broadcast %reduce_max3A : i1 to vector<16xi1>
      %reduce_max3A_38 = arith.constant -2147483648 : i32
      %reduce_max3A_39 = vector.broadcast %reduce_max3A_38 : i32 to vector<16xi32>
      %reduce_max3A_40 = arith.xori %scan3A_35, %reduce_max3A_39 : vector<16xi32>
      %reduce_max3A_41 = tpu.scan <max>, %reduce_max3A_40 masked %reduce_max3A_37 : vector<16xi32>, vector<16xi1> -> vector<16xi32>
      %reduce_max3A_42 = arith.xori %reduce_max3A_41, %reduce_max3A_39 : vector<16xi32>
      %reduce_max3A_43 = vector.extract %reduce_max3A_42[15] : i32 from vector<16xi32>
      %gt3A = arith.constant 256 : i32
      %gt3A_44 = arith.cmpi sgt, %reduce_max3A_43, %gt3A : i32
      %convert_element_type3A_45 = arith.extui %gt3A_44 : i1 to i32
      %cond3A_46 = arith.constant 0 : i32
      %cond3A_47 = arith.cmpi ne, %convert_element_type3A_45, %cond3A_46 : i32
      scf.if %cond3A_47 {
        %swap3A = arith.constant 0 : index
        %swap3A_62 = tpu.vector_load %arg14[%swap3A] {strides = array<i32>} : memref<272xf32, #tpu.memory_space<vmem>>, vector<16xf32>,
        tpu.vector_store %arg14[%swap3A], %broadcast_in_dim3A_5 {strides = array<i32>} : memref<272xf32, #tpu.memory_space<vmem>>, vector<16xf32>,
      } else {
      }
      %dma_start3A = arith.constant 0 : i32
      %dma_start3A_48 = tpu.memref_slice %arg3[%dma_start3A] : memref<5120xf32, #tpu.memory_space<hbm>> -> memref<5120xf32, #tpu.memory_space<hbm>>
      tpu.enqueue_indirect_dma source(%dma_start3A_48 : memref<5120xf32, #tpu.memory_space<hbm>>) target(%arg15 : memref<272xf32, #tpu.memory_space<vmem>>) offsets(%arg13 : memref<272xi32, #tpu.memory_space<vmem>>) semaphore(%arg19 : memref<!tpu.dma_semaphore, #tpu.memory_space<semaphore_mem>>)
      %dma_start3A_49 = arith.constant 0 : i32
      %dma_start3A_50 = tpu.memref_slice %arg4[%dma_start3A_49] : memref<5120xf32, #tpu.memory_space<hbm>> -> memref<5120xf32, #tpu.memory_space<hbm>>
      tpu.enqueue_indirect_dma source(%dma_start3A_50 : memref<5120xf32, #tpu.memory_space<hbm>>) target(%arg16 : memref<272xf32, #tpu.memory_space<vmem>>) offsets(%arg13 : memref<272xi32, #tpu.memory_space<vmem>>) semaphore(%arg19 : memref<!tpu.dma_semaphore, #tpu.memory_space<semaphore_mem>>)
      %dma_start3A_51 = arith.constant 0 : i32
      %dma_start3A_52 = tpu.memref_slice %arg5[%dma_start3A_51] : memref<5120xf32, #tpu.memory_space<hbm>> -> memref<5120xf32, #tpu.memory_space<hbm>>
      tpu.enqueue_indirect_dma source(%dma_start3A_52 : memref<5120xf32, #tpu.memory_space<hbm>>) target(%arg17 : memref<272xf32, #tpu.memory_space<vmem>>) offsets(%arg13 : memref<272xi32, #tpu.memory_space<vmem>>) semaphore(%arg19 : memref<!tpu.dma_semaphore, #tpu.memory_space<semaphore_mem>>)
      %dma_start3A_53 = arith.constant 0 : i32
      %dma_start3A_54 = tpu.memref_slice %arg6[%dma_start3A_53] : memref<5120xf32, #tpu.memory_space<hbm>> -> memref<5120xf32, #tpu.memory_space<hbm>>
      tpu.enqueue_indirect_dma source(%dma_start3A_54 : memref<5120xf32, #tpu.memory_space<hbm>>) target(%arg18 : memref<272xf32, #tpu.memory_space<vmem>>) offsets(%arg13 : memref<272xi32, #tpu.memory_space<vmem>>) semaphore(%arg19 : memref<!tpu.dma_semaphore, #tpu.memory_space<semaphore_mem>>)
      %dma_wait3A = arith.constant 0 : i32
      %dma_wait3A_55 = tpu.memref_slice %arg3[%dma_wait3A] : memref<5120xf32, #tpu.memory_space<hbm>> -> memref<5120xf32, #tpu.memory_space<hbm>>
      tpu.wait_indirect_dma semaphore(%arg19 : memref<!tpu.dma_semaphore, #tpu.memory_space<semaphore_mem>>) src(%dma_wait3A_55 : memref<5120xf32, #tpu.memory_space<hbm>>) dst(%arg15 : memref<272xf32, #tpu.memory_space<vmem>>)
      %dma_wait3A_56 = arith.constant 0 : i32
      %dma_wait3A_57 = tpu.memref_slice %arg4[%dma_wait3A_56] : memref<5120xf32, #tpu.memory_space<hbm>> -> memref<5120xf32, #tpu.memory_space<hbm>>
      tpu.wait_indirect_dma semaphore(%arg19 : memref<!tpu.dma_semaphore, #tpu.memory_space<semaphore_mem>>) src(%dma_wait3A_57 : memref<5120xf32, #tpu.memory_space<hbm>>) dst(%arg16 : memref<272xf32, #tpu.memory_space<vmem>>)
      %dma_wait3A_58 = arith.constant 0 : i32
      %dma_wait3A_59 = tpu.memref_slice %arg5[%dma_wait3A_58] : memref<5120xf32, #tpu.memory_space<hbm>> -> memref<5120xf32, #tpu.memory_space<hbm>>
      tpu.wait_indirect_dma semaphore(%arg19 : memref<!tpu.dma_semaphore, #tpu.memory_space<semaphore_mem>>) src(%dma_wait3A_59 : memref<5120xf32, #tpu.memory_space<hbm>>) dst(%arg17 : memref<272xf32, #tpu.memory_space<vmem>>)
      %dma_wait3A_60 = arith.constant 0 : i32
      %dma_wait3A_61 = tpu.memref_slice %arg6[%dma_wait3A_60] : memref<5120xf32, #tpu.memory_space<hbm>> -> memref<5120xf32, #tpu.memory_space<hbm>>
      tpu.wait_indirect_dma semaphore(%arg19 : memref<!tpu.dma_semaphore, #tpu.memory_space<semaphore_mem>>) src(%dma_wait3A_61 : memref<5120xf32, #tpu.memory_space<hbm>>) dst(%arg18 : memref<272xf32, #tpu.memory_space<vmem>>)
      "tpu.region"() ({
        %run_scoped3A = tpu.sem_alloc : memref<!tpu.dma_semaphore, #tpu.memory_space<semaphore_mem>>
        %dma_start3A_62 = arith.constant 0 : i32
        %dma_start3A_63 = tpu.memref_slice %arg7[%add3A_11, %dma_start3A_62] : memref<80x272xf32, #tpu.memory_space<hbm>> -> memref<1x272xf32, #tpu.memory_space<hbm>>
        %dma_start3A_64 = tpu.memref_squeeze %dma_start3A_63 : memref<1x272xf32, #tpu.memory_space<hbm>> -> memref<272xf32, #tpu.memory_space<hbm>>
        %dma_start3A_65 = arith.constant 0 : i32
        %dma_start3A_66 = tpu.memref_slice %arg7[%add3A_11, %dma_start3A_65] : memref<80x272xf32, #tpu.memory_space<hbm>> -> memref<1x272xf32, #tpu.memory_space<hbm>>
        %dma_start3A_67 = tpu.memref_squeeze %dma_start3A_66 : memref<1x272xf32, #tpu.memory_space<hbm>> -> memref<272xf32, #tpu.memory_space<hbm>>
        tpu.enqueue_dma source(%arg14 : memref<272xf32, #tpu.memory_space<vmem>>) target(%dma_start3A_67 : memref<272xf32, #tpu.memory_space<hbm>>) target_semaphore(%run_scoped3A : memref<!tpu.dma_semaphore, #tpu.memory_space<semaphore_mem>>)
        %dma_wait3A_68 = arith.constant 0 : i32
        %dma_wait3A_69 = tpu.memref_slice %arg7[%add3A_11, %dma_wait3A_68] : memref<80x272xf32, #tpu.memory_space<hbm>> -> memref<1x272xf32, #tpu.memory_space<hbm>>
        %dma_wait3A_70 = tpu.memref_squeeze %dma_wait3A_69 : memref<1x272xf32, #tpu.memory_space<hbm>> -> memref<272xf32, #tpu.memory_space<hbm>>
        %dma_wait3A_71 = arith.constant 0 : i32
        %dma_wait3A_72 = tpu.memref_slice %arg7[%add3A_11, %dma_wait3A_71] : memref<80x272xf32, #tpu.memory_space<hbm>> -> memref<1x272xf32, #tpu.memory_space<hbm>>
        %dma_wait3A_73 = tpu.memref_squeeze %dma_wait3A_72 : memref<1x272xf32, #tpu.memory_space<hbm>> -> memref<272xf32, #tpu.memory_space<hbm>>
        tpu.wait_dma2 semaphore(%run_scoped3A : memref<!tpu.dma_semaphore, #tpu.memory_space<semaphore_mem>>) src(%arg14 : memref<272xf32, #tpu.memory_space<vmem>>) dst(%dma_wait3A_73 : memref<272xf32, #tpu.memory_space<hbm>>)
        tpu.yield
      }) : () -> ()
      "tpu.region"() ({
        %run_scoped3A = tpu.sem_alloc : memref<!tpu.dma_semaphore, #tpu.memory_space<semaphore_mem>>
        %dma_start3A_62 = arith.constant 0 : i32
        %dma_start3A_63 = tpu.memref_slice %arg8[%add3A_11, %dma_start3A_62] : memref<80x272xf32, #tpu.memory_space<hbm>> -> memref<1x272xf32, #tpu.memory_space<hbm>>
        %dma_start3A_64 = tpu.memref_squeeze %dma_start3A_63 : memref<1x272xf32, #tpu.memory_space<hbm>> -> memref<272xf32, #tpu.memory_space<hbm>>
        %dma_start3A_65 = arith.constant 0 : i32
        %dma_start3A_66 = tpu.memref_slice %arg8[%add3A_11, %dma_start3A_65] : memref<80x272xf32, #tpu.memory_space<hbm>> -> memref<1x272xf32, #tpu.memory_space<hbm>>
        %dma_start3A_67 = tpu.memref_squeeze %dma_start3A_66 : memref<1x272xf32, #tpu.memory_space<hbm>> -> memref<272xf32, #tpu.memory_space<hbm>>
        tpu.enqueue_dma source(%arg15 : memref<272xf32, #tpu.memory_space<vmem>>) target(%dma_start3A_67 : memref<272xf32, #tpu.memory_space<hbm>>) target_semaphore(%run_scoped3A : memref<!tpu.dma_semaphore, #tpu.memory_space<semaphore_mem>>)
        %dma_wait3A_68 = arith.constant 0 : i32
        %dma_wait3A_69 = tpu.memref_slice %arg8[%add3A_11, %dma_wait3A_68] : memref<80x272xf32, #tpu.memory_space<hbm>> -> memref<1x272xf32, #tpu.memory_space<hbm>>
        %dma_wait3A_70 = tpu.memref_squeeze %dma_wait3A_69 : memref<1x272xf32, #tpu.memory_space<hbm>> -> memref<272xf32, #tpu.memory_space<hbm>>
        %dma_wait3A_71 = arith.constant 0 : i32
        %dma_wait3A_72 = tpu.memref_slice %arg8[%add3A_11, %dma_wait3A_71] : memref<80x272xf32, #tpu.memory_space<hbm>> -> memref<1x272xf32, #tpu.memory_space<hbm>>
        %dma_wait3A_73 = tpu.memref_squeeze %dma_wait3A_72 : memref<1x272xf32, #tpu.memory_space<hbm>> -> memref<272xf32, #tpu.memory_space<hbm>>
        tpu.wait_dma2 semaphore(%run_scoped3A : memref<!tpu.dma_semaphore, #tpu.memory_space<semaphore_mem>>) src(%arg15 : memref<272xf32, #tpu.memory_space<vmem>>) dst(%dma_wait3A_73 : memref<272xf32, #tpu.memory_space<hbm>>)
        tpu.yield
      }) : () -> ()
      "tpu.region"() ({
        %run_scoped3A = tpu.sem_alloc : memref<!tpu.dma_semaphore, #tpu.memory_space<semaphore_mem>>
        %dma_start3A_62 = arith.constant 0 : i32
        %dma_start3A_63 = tpu.memref_slice %arg9[%add3A_11, %dma_start3A_62] : memref<80x272xf32, #tpu.memory_space<hbm>> -> memref<1x272xf32, #tpu.memory_space<hbm>>
        %dma_start3A_64 = tpu.memref_squeeze %dma_start3A_63 : memref<1x272xf32, #tpu.memory_space<hbm>> -> memref<272xf32, #tpu.memory_space<hbm>>
        %dma_start3A_65 = arith.constant 0 : i32
        %dma_start3A_66 = tpu.memref_slice %arg9[%add3A_11, %dma_start3A_65] : memref<80x272xf32, #tpu.memory_space<hbm>> -> memref<1x272xf32, #tpu.memory_space<hbm>>
        %dma_start3A_67 = tpu.memref_squeeze %dma_start3A_66 : memref<1x272xf32, #tpu.memory_space<hbm>> -> memref<272xf32, #tpu.memory_space<hbm>>
        tpu.enqueue_dma source(%arg16 : memref<272xf32, #tpu.memory_space<vmem>>) target(%dma_start3A_67 : memref<272xf32, #tpu.memory_space<hbm>>) target_semaphore(%run_scoped3A : memref<!tpu.dma_semaphore, #tpu.memory_space<semaphore_mem>>)
        %dma_wait3A_68 = arith.constant 0 : i32
        %dma_wait3A_69 = tpu.memref_slice %arg9[%add3A_11, %dma_wait3A_68] : memref<80x272xf32, #tpu.memory_space<hbm>> -> memref<1x272xf32, #tpu.memory_space<hbm>>
        %dma_wait3A_70 = tpu.memref_squeeze %dma_wait3A_69 : memref<1x272xf32, #tpu.memory_space<hbm>> -> memref<272xf32, #tpu.memory_space<hbm>>
        %dma_wait3A_71 = arith.constant 0 : i32
        %dma_wait3A_72 = tpu.memref_slice %arg9[%add3A_11, %dma_wait3A_71] : memref<80x272xf32, #tpu.memory_space<hbm>> -> memref<1x272xf32, #tpu.memory_space<hbm>>
        %dma_wait3A_73 = tpu.memref_squeeze %dma_wait3A_72 : memref<1x272xf32, #tpu.memory_space<hbm>> -> memref<272xf32, #tpu.memory_space<hbm>>
        tpu.wait_dma2 semaphore(%run_scoped3A : memref<!tpu.dma_semaphore, #tpu.memory_space<semaphore_mem>>) src(%arg16 : memref<272xf32, #tpu.memory_space<vmem>>) dst(%dma_wait3A_73 : memref<272xf32, #tpu.memory_space<hbm>>)
        tpu.yield
      }) : () -> ()
      "tpu.region"() ({
        %run_scoped3A = tpu.sem_alloc : memref<!tpu.dma_semaphore, #tpu.memory_space<semaphore_mem>>
        %dma_start3A_62 = arith.constant 0 : i32
        %dma_start3A_63 = tpu.memref_slice %arg10[%add3A_11, %dma_start3A_62] : memref<80x272xf32, #tpu.memory_space<hbm>> -> memref<1x272xf32, #tpu.memory_space<hbm>>
        %dma_start3A_64 = tpu.memref_squeeze %dma_start3A_63 : memref<1x272xf32, #tpu.memory_space<hbm>> -> memref<272xf32, #tpu.memory_space<hbm>>
        %dma_start3A_65 = arith.constant 0 : i32
        %dma_start3A_66 = tpu.memref_slice %arg10[%add3A_11, %dma_start3A_65] : memref<80x272xf32, #tpu.memory_space<hbm>> -> memref<1x272xf32, #tpu.memory_space<hbm>>
        %dma_start3A_67 = tpu.memref_squeeze %dma_start3A_66 : memref<1x272xf32, #tpu.memory_space<hbm>> -> memref<272xf32, #tpu.memory_space<hbm>>
        tpu.enqueue_dma source(%arg17 : memref<272xf32, #tpu.memory_space<vmem>>) target(%dma_start3A_67 : memref<272xf32, #tpu.memory_space<hbm>>) target_semaphore(%run_scoped3A : memref<!tpu.dma_semaphore, #tpu.memory_space<semaphore_mem>>)
        %dma_wait3A_68 = arith.constant 0 : i32
        %dma_wait3A_69 = tpu.memref_slice %arg10[%add3A_11, %dma_wait3A_68] : memref<80x272xf32, #tpu.memory_space<hbm>> -> memref<1x272xf32, #tpu.memory_space<hbm>>
        %dma_wait3A_70 = tpu.memref_squeeze %dma_wait3A_69 : memref<1x272xf32, #tpu.memory_space<hbm>> -> memref<272xf32, #tpu.memory_space<hbm>>
        %dma_wait3A_71 = arith.constant 0 : i32
        %dma_wait3A_72 = tpu.memref_slice %arg10[%add3A_11, %dma_wait3A_71] : memref<80x272xf32, #tpu.memory_space<hbm>> -> memref<1x272xf32, #tpu.memory_space<hbm>>
        %dma_wait3A_73 = tpu.memref_squeeze %dma_wait3A_72 : memref<1x272xf32, #tpu.memory_space<hbm>> -> memref<272xf32, #tpu.memory_space<hbm>>
        tpu.wait_dma2 semaphore(%run_scoped3A : memref<!tpu.dma_semaphore, #tpu.memory_space<semaphore_mem>>) src(%arg17 : memref<272xf32, #tpu.memory_space<vmem>>) dst(%dma_wait3A_73 : memref<272xf32, #tpu.memory_space<hbm>>)
        tpu.yield
      }) : () -> ()
      "tpu.region"() ({
        %run_scoped3A = tpu.sem_alloc : memref<!tpu.dma_semaphore, #tpu.memory_space<semaphore_mem>>
        %dma_start3A_62 = arith.constant 0 : i32
        %dma_start3A_63 = tpu.memref_slice %arg11[%add3A_11, %dma_start3A_62] : memref<80x272xf32, #tpu.memory_space<hbm>> -> memref<1x272xf32, #tpu.memory_space<hbm>>
        %dma_start3A_64 = tpu.memref_squeeze %dma_start3A_63 : memref<1x272xf32, #tpu.memory_space<hbm>> -> memref<272xf32, #tpu.memory_space<hbm>>
        %dma_start3A_65 = arith.constant 0 : i32
        %dma_start3A_66 = tpu.memref_slice %arg11[%add3A_11, %dma_start3A_65] : memref<80x272xf32, #tpu.memory_space<hbm>> -> memref<1x272xf32, #tpu.memory_space<hbm>>
        %dma_start3A_67 = tpu.memref_squeeze %dma_start3A_66 : memref<1x272xf32, #tpu.memory_space<hbm>> -> memref<272xf32, #tpu.memory_space<hbm>>
        tpu.enqueue_dma source(%arg18 : memref<272xf32, #tpu.memory_space<vmem>>) target(%dma_start3A_67 : memref<272xf32, #tpu.memory_space<hbm>>) target_semaphore(%run_scoped3A : memref<!tpu.dma_semaphore, #tpu.memory_space<semaphore_mem>>)
        %dma_wait3A_68 = arith.constant 0 : i32
        %dma_wait3A_69 = tpu.memref_slice %arg11[%add3A_11, %dma_wait3A_68] : memref<80x272xf32, #tpu.memory_space<hbm>> -> memref<1x272xf32, #tpu.memory_space<hbm>>
        %dma_wait3A_70 = tpu.memref_squeeze %dma_wait3A_69 : memref<1x272xf32, #tpu.memory_space<hbm>> -> memref<272xf32, #tpu.memory_space<hbm>>
        %dma_wait3A_71 = arith.constant 0 : i32
        %dma_wait3A_72 = tpu.memref_slice %arg11[%add3A_11, %dma_wait3A_71] : memref<80x272xf32, #tpu.memory_space<hbm>> -> memref<1x272xf32, #tpu.memory_space<hbm>>
        %dma_wait3A_73 = tpu.memref_squeeze %dma_wait3A_72 : memref<1x272xf32, #tpu.memory_space<hbm>> -> memref<272xf32, #tpu.memory_space<hbm>>
        tpu.wait_dma2 semaphore(%run_scoped3A : memref<!tpu.dma_semaphore, #tpu.memory_space<semaphore_mem>>) src(%arg18 : memref<272xf32, #tpu.memory_space<vmem>>) dst(%dma_wait3A_73 : memref<272xf32, #tpu.memory_space<hbm>>)
        tpu.yield
      }) : () -> ()
    } else {
    }
    %add3A_17 = arith.constant 64 : i32
    %add3A_18 = arith.addi %add3A, %add3A_17 : i32
    %lt3A_19 = arith.constant 80 : i32
    %lt3A_20 = arith.cmpi slt, %add3A_18, %lt3A_19 : i32
    %convert_element_type3A_21 = arith.extui %lt3A_20 : i1 to i32
    %cond3A_22 = arith.constant 0 : i32
    %cond3A_23 = arith.cmpi ne, %convert_element_type3A_21, %cond3A_22 : i32
    scf.if %cond3A_23 {
      "tpu.region"() ({
        %run_scoped3A = tpu.sem_alloc : memref<!tpu.dma_semaphore, #tpu.memory_space<semaphore_mem>>
        %dma_start3A_62 = arith.constant 0 : i32
        %dma_start3A_63 = tpu.memref_slice %arg2[%add3A_18, %dma_start3A_62] : memref<80x5120xf32, #tpu.memory_space<hbm>> -> memref<1x5120xf32, #tpu.memory_space<hbm>>
        %dma_start3A_64 = tpu.memref_squeeze %dma_start3A_63 : memref<1x5120xf32, #tpu.memory_space<hbm>> -> memref<5120xf32, #tpu.memory_space<hbm>>
        %dma_start3A_65 = arith.constant 0 : i32
        %dma_start3A_66 = tpu.memref_slice %arg2[%add3A_18, %dma_start3A_65] : memref<80x5120xf32, #tpu.memory_space<hbm>> -> memref<1x5120xf32, #tpu.memory_space<hbm>>
        %dma_start3A_67 = tpu.memref_squeeze %dma_start3A_66 : memref<1x5120xf32, #tpu.memory_space<hbm>> -> memref<5120xf32, #tpu.memory_space<hbm>>
        tpu.enqueue_dma source(%dma_start3A_67 : memref<5120xf32, #tpu.memory_space<hbm>>) target(%arg12 : memref<5120xf32, #tpu.memory_space<vmem>>) target_semaphore(%run_scoped3A : memref<!tpu.dma_semaphore, #tpu.memory_space<semaphore_mem>>)
        %dma_wait3A_68 = arith.constant 0 : i32
        %dma_wait3A_69 = tpu.memref_slice %arg2[%add3A_18, %dma_wait3A_68] : memref<80x5120xf32, #tpu.memory_space<hbm>> -> memref<1x5120xf32, #tpu.memory_space<hbm>>
        %dma_wait3A_70 = tpu.memref_squeeze %dma_wait3A_69 : memref<1x5120xf32, #tpu.memory_space<hbm>> -> memref<5120xf32, #tpu.memory_space<hbm>>
        %dma_wait3A_71 = arith.constant 0 : i32
        %dma_wait3A_72 = tpu.memref_slice %arg2[%add3A_18, %dma_wait3A_71] : memref<80x5120xf32, #tpu.memory_space<hbm>> -> memref<1x5120xf32, #tpu.memory_space<hbm>>
        %dma_wait3A_73 = tpu.memref_squeeze %dma_wait3A_72 : memref<1x5120xf32, #tpu.memory_space<hbm>> -> memref<5120xf32, #tpu.memory_space<hbm>>
        tpu.wait_dma2 semaphore(%run_scoped3A : memref<!tpu.dma_semaphore, #tpu.memory_space<semaphore_mem>>) src(%dma_wait3A_73 : memref<5120xf32, #tpu.memory_space<hbm>>) dst(%arg12 : memref<5120xf32, #tpu.memory_space<vmem>>)
        tpu.yield
      }) : () -> ()
      %scan3A = arith.constant 0 : i32
      %scan3A_24 = arith.constant 0 : i32
      %scan3A_25 = arith.constant 17 : i32
      %scan3A_26 = arith.addi %scan3A_24, %scan3A_25 : i32
      %scan3A_27 = arith.constant 1 : i32
      scf.for %scan3A_62 = %scan3A_24 to %scan3A_26 step %scan3A_27  : i32 {
        %mul3A_63 = arith.constant 16 : i32
        %mul3A_64 = arith.muli %scan3A_62, %mul3A_63 : i32
        %swap3A = arith.index_cast %mul3A_64 : i32 to index
        %swap3A_65 = tpu.vector_load %arg13[%swap3A] {strides = array<i32>} : memref<272xi32, #tpu.memory_space<vmem>>, vector<16xi32>,
        tpu.vector_store %arg13[%swap3A], %broadcast_in_dim3A_1 {strides = array<i32>} : memref<272xi32, #tpu.memory_space<vmem>>, vector<16xi32>,
        %mul3A_66 = arith.constant 16 : i32
        %mul3A_67 = arith.muli %scan3A_62, %mul3A_66 : i32
        %swap3A_68 = arith.index_cast %mul3A_67 : i32 to index
        %swap3A_69 = tpu.vector_load %arg14[%swap3A_68] {strides = array<i32>} : memref<272xf32, #tpu.memory_space<vmem>>, vector<16xf32>,
        tpu.vector_store %arg14[%swap3A_68], %broadcast_in_dim3A_3 {strides = array<i32>} : memref<272xf32, #tpu.memory_space<vmem>>, vector<16xf32>,
      }
      %scan3A_28 = arith.constant 17 : i32
      %broadcast_in_dim3A_29 = arith.constant 0 : i32
      %broadcast_in_dim3A_30 = vector.broadcast %broadcast_in_dim3A_29 : i32 to vector<16xi32>
      %scan3A_31 = arith.constant 0 : i32
      %scan3A_32 = arith.constant 40 : i32
      %scan3A_33 = arith.addi %scan3A_31, %scan3A_32 : i32
      %scan3A_34 = arith.constant 1 : i32
      %scan3A_35 = scf.for %scan3A_62 = %scan3A_31 to %scan3A_33 step %scan3A_34 iter_args(%scan3A_63 = %broadcast_in_dim3A_30) -> (vector<16xi32>)  : i32 {
        %mul3A_64 = arith.constant 128 : i32
        %mul3A_65 = arith.muli %scan3A_62, %mul3A_64 : i32
        %add3A_66 = arith.constant 0 : i32
        %add3A_67 = arith.addi %mul3A_65, %add3A_66 : i32
        %get3A = arith.index_cast %add3A_67 : i32 to index
        %get3A_68 = tpu.vector_load %arg12[%get3A] {strides = array<i32>} : memref<5120xf32, #tpu.memory_space<vmem>>, vector<16xf32>,
        %ge3A = arith.constant 0.964999973 : f32
        %ge3A_69 = vector.broadcast %ge3A : f32 to vector<16xf32>
        %ge3A_70 = arith.cmpf oge, %get3A_68, %ge3A_69 : vector<16xf32>
        %convert_element_type3A_71 = arith.extui %ge3A_70 : vector<16xi1> to vector<16xi32>
        %broadcast_in_dim3A_72 = arith.constant true
        %broadcast_in_dim3A_73 = vector.broadcast %broadcast_in_dim3A_72 : i1 to vector<16xi1>
        %masked_cumsum3A = tpu.scan <sum>, %convert_element_type3A_71 masked %broadcast_in_dim3A_73 : vector<16xi32>, vector<16xi1> -> vector<16xi32>
        %all_reduce_population_count3A = tpu.all_reduce %ge3A_70 {dim = 0 : i64, kind = #tpu.reduction_kind<sum>} : vector<16xi1> -> vector<16xi32>
        %mul3A_74 = arith.constant 128 : i32
        %mul3A_75 = arith.muli %scan3A_62, %mul3A_74 : i32
        %add3A_76 = arith.constant 16 : i32
        %add3A_77 = arith.addi %mul3A_75, %add3A_76 : i32
        %get3A_78 = arith.index_cast %add3A_77 : i32 to index
        %get3A_79 = tpu.vector_load %arg12[%get3A_78] {strides = array<i32>} : memref<5120xf32, #tpu.memory_space<vmem>>, vector<16xf32>,
        %ge3A_80 = arith.constant 0.964999973 : f32
        %ge3A_81 = vector.broadcast %ge3A_80 : f32 to vector<16xf32>
        %ge3A_82 = arith.cmpf oge, %get3A_79, %ge3A_81 : vector<16xf32>
        %convert_element_type3A_83 = arith.extui %ge3A_82 : vector<16xi1> to vector<16xi32>
        %broadcast_in_dim3A_84 = arith.constant true
        %broadcast_in_dim3A_85 = vector.broadcast %broadcast_in_dim3A_84 : i1 to vector<16xi1>
        %masked_cumsum3A_86 = tpu.scan <sum>, %convert_element_type3A_83 masked %broadcast_in_dim3A_85 : vector<16xi32>, vector<16xi1> -> vector<16xi32>
        %all_reduce_population_count3A_87 = tpu.all_reduce %ge3A_82 {dim = 0 : i64, kind = #tpu.reduction_kind<sum>} : vector<16xi1> -> vector<16xi32>
        %mul3A_88 = arith.constant 128 : i32
        %mul3A_89 = arith.muli %scan3A_62, %mul3A_88 : i32
        %add3A_90 = arith.constant 32 : i32
        %add3A_91 = arith.addi %mul3A_89, %add3A_90 : i32
        %get3A_92 = arith.index_cast %add3A_91 : i32 to index
        %get3A_93 = tpu.vector_load %arg12[%get3A_92] {strides = array<i32>} : memref<5120xf32, #tpu.memory_space<vmem>>, vector<16xf32>,
        %ge3A_94 = arith.constant 0.964999973 : f32
        %ge3A_95 = vector.broadcast %ge3A_94 : f32 to vector<16xf32>
        %ge3A_96 = arith.cmpf oge, %get3A_93, %ge3A_95 : vector<16xf32>
        %convert_element_type3A_97 = arith.extui %ge3A_96 : vector<16xi1> to vector<16xi32>
        %broadcast_in_dim3A_98 = arith.constant true
        %broadcast_in_dim3A_99 = vector.broadcast %broadcast_in_dim3A_98 : i1 to vector<16xi1>
        %masked_cumsum3A_100 = tpu.scan <sum>, %convert_element_type3A_97 masked %broadcast_in_dim3A_99 : vector<16xi32>, vector<16xi1> -> vector<16xi32>
        %all_reduce_population_count3A_101 = tpu.all_reduce %ge3A_96 {dim = 0 : i64, kind = #tpu.reduction_kind<sum>} : vector<16xi1> -> vector<16xi32>
        %mul3A_102 = arith.constant 128 : i32
        %mul3A_103 = arith.muli %scan3A_62, %mul3A_102 : i32
        %add3A_104 = arith.constant 48 : i32
        %add3A_105 = arith.addi %mul3A_103, %add3A_104 : i32
        %get3A_106 = arith.index_cast %add3A_105 : i32 to index
        %get3A_107 = tpu.vector_load %arg12[%get3A_106] {strides = array<i32>} : memref<5120xf32, #tpu.memory_space<vmem>>, vector<16xf32>,
        %ge3A_108 = arith.constant 0.964999973 : f32
        %ge3A_109 = vector.broadcast %ge3A_108 : f32 to vector<16xf32>
        %ge3A_110 = arith.cmpf oge, %get3A_107, %ge3A_109 : vector<16xf32>
        %convert_element_type3A_111 = arith.extui %ge3A_110 : vector<16xi1> to vector<16xi32>
        %broadcast_in_dim3A_112 = arith.constant true
        %broadcast_in_dim3A_113 = vector.broadcast %broadcast_in_dim3A_112 : i1 to vector<16xi1>
        %masked_cumsum3A_114 = tpu.scan <sum>, %convert_element_type3A_111 masked %broadcast_in_dim3A_113 : vector<16xi32>, vector<16xi1> -> vector<16xi32>
        %all_reduce_population_count3A_115 = tpu.all_reduce %ge3A_110 {dim = 0 : i64, kind = #tpu.reduction_kind<sum>} : vector<16xi1> -> vector<16xi32>
        %mul3A_116 = arith.constant 128 : i32
        %mul3A_117 = arith.muli %scan3A_62, %mul3A_116 : i32
        %add3A_118 = arith.constant 64 : i32
        %add3A_119 = arith.addi %mul3A_117, %add3A_118 : i32
        %get3A_120 = arith.index_cast %add3A_119 : i32 to index
        %get3A_121 = tpu.vector_load %arg12[%get3A_120] {strides = array<i32>} : memref<5120xf32, #tpu.memory_space<vmem>>, vector<16xf32>,
        %ge3A_122 = arith.constant 0.964999973 : f32
        %ge3A_123 = vector.broadcast %ge3A_122 : f32 to vector<16xf32>
        %ge3A_124 = arith.cmpf oge, %get3A_121, %ge3A_123 : vector<16xf32>
        %convert_element_type3A_125 = arith.extui %ge3A_124 : vector<16xi1> to vector<16xi32>
        %broadcast_in_dim3A_126 = arith.constant true
        %broadcast_in_dim3A_127 = vector.broadcast %broadcast_in_dim3A_126 : i1 to vector<16xi1>
        %masked_cumsum3A_128 = tpu.scan <sum>, %convert_element_type3A_125 masked %broadcast_in_dim3A_127 : vector<16xi32>, vector<16xi1> -> vector<16xi32>
        %all_reduce_population_count3A_129 = tpu.all_reduce %ge3A_124 {dim = 0 : i64, kind = #tpu.reduction_kind<sum>} : vector<16xi1> -> vector<16xi32>
        %mul3A_130 = arith.constant 128 : i32
        %mul3A_131 = arith.muli %scan3A_62, %mul3A_130 : i32
        %add3A_132 = arith.constant 80 : i32
        %add3A_133 = arith.addi %mul3A_131, %add3A_132 : i32
        %get3A_134 = arith.index_cast %add3A_133 : i32 to index
        %get3A_135 = tpu.vector_load %arg12[%get3A_134] {strides = array<i32>} : memref<5120xf32, #tpu.memory_space<vmem>>, vector<16xf32>,
        %ge3A_136 = arith.constant 0.964999973 : f32
        %ge3A_137 = vector.broadcast %ge3A_136 : f32 to vector<16xf32>
        %ge3A_138 = arith.cmpf oge, %get3A_135, %ge3A_137 : vector<16xf32>
        %convert_element_type3A_139 = arith.extui %ge3A_138 : vector<16xi1> to vector<16xi32>
        %broadcast_in_dim3A_140 = arith.constant true
        %broadcast_in_dim3A_141 = vector.broadcast %broadcast_in_dim3A_140 : i1 to vector<16xi1>
        %masked_cumsum3A_142 = tpu.scan <sum>, %convert_element_type3A_139 masked %broadcast_in_dim3A_141 : vector<16xi32>, vector<16xi1> -> vector<16xi32>
        %all_reduce_population_count3A_143 = tpu.all_reduce %ge3A_138 {dim = 0 : i64, kind = #tpu.reduction_kind<sum>} : vector<16xi1> -> vector<16xi32>
        %mul3A_144 = arith.constant 128 : i32
        %mul3A_145 = arith.muli %scan3A_62, %mul3A_144 : i32
        %add3A_146 = arith.constant 96 : i32
        %add3A_147 = arith.addi %mul3A_145, %add3A_146 : i32
        %get3A_148 = arith.index_cast %add3A_147 : i32 to index
        %get3A_149 = tpu.vector_load %arg12[%get3A_148] {strides = array<i32>} : memref<5120xf32, #tpu.memory_space<vmem>>, vector<16xf32>,
        %ge3A_150 = arith.constant 0.964999973 : f32
        %ge3A_151 = vector.broadcast %ge3A_150 : f32 to vector<16xf32>
        %ge3A_152 = arith.cmpf oge, %get3A_149, %ge3A_151 : vector<16xf32>
        %convert_element_type3A_153 = arith.extui %ge3A_152 : vector<16xi1> to vector<16xi32>
        %broadcast_in_dim3A_154 = arith.constant true
        %broadcast_in_dim3A_155 = vector.broadcast %broadcast_in_dim3A_154 : i1 to vector<16xi1>
        %masked_cumsum3A_156 = tpu.scan <sum>, %convert_element_type3A_153 masked %broadcast_in_dim3A_155 : vector<16xi32>, vector<16xi1> -> vector<16xi32>
        %all_reduce_population_count3A_157 = tpu.all_reduce %ge3A_152 {dim = 0 : i64, kind = #tpu.reduction_kind<sum>} : vector<16xi1> -> vector<16xi32>
        %mul3A_158 = arith.constant 128 : i32
        %mul3A_159 = arith.muli %scan3A_62, %mul3A_158 : i32
        %add3A_160 = arith.constant 112 : i32
        %add3A_161 = arith.addi %mul3A_159, %add3A_160 : i32
        %get3A_162 = arith.index_cast %add3A_161 : i32 to index
        %get3A_163 = tpu.vector_load %arg12[%get3A_162] {strides = array<i32>} : memref<5120xf32, #tpu.memory_space<vmem>>, vector<16xf32>,
        %ge3A_164 = arith.constant 0.964999973 : f32
        %ge3A_165 = vector.broadcast %ge3A_164 : f32 to vector<16xf32>
        %ge3A_166 = arith.cmpf oge, %get3A_163, %ge3A_165 : vector<16xf32>
        %convert_element_type3A_167 = arith.extui %ge3A_166 : vector<16xi1> to vector<16xi32>
        %broadcast_in_dim3A_168 = arith.constant true
        %broadcast_in_dim3A_169 = vector.broadcast %broadcast_in_dim3A_168 : i1 to vector<16xi1>
        %masked_cumsum3A_170 = tpu.scan <sum>, %convert_element_type3A_167 masked %broadcast_in_dim3A_169 : vector<16xi32>, vector<16xi1> -> vector<16xi32>
        %all_reduce_population_count3A_171 = tpu.all_reduce %ge3A_166 {dim = 0 : i64, kind = #tpu.reduction_kind<sum>} : vector<16xi1> -> vector<16xi32>
        %add3A_172 = arith.addi %scan3A_63, %masked_cumsum3A : vector<16xi32>
        %sub3A = arith.constant 1 : i32
        %sub3A_173 = vector.broadcast %sub3A : i32 to vector<16xi32>
        %sub3A_174 = arith.subi %add3A_172, %sub3A_173 : vector<16xi32>
        %min3A = arith.constant 271 : i32
        %min3A_175 = vector.broadcast %min3A : i32 to vector<16xi32>
        %min3A_176 = arith.minsi %sub3A_174, %min3A_175 : vector<16xi32>
        tpu.vector_store_idx %arg14[%min3A_176], %get3A_68 masked %ge3A_70 : memref<272xf32, #tpu.memory_space<vmem>>[vector<16xi32>], vector<16xf32>, vector<16xi1>
        %mul3A_177 = arith.constant 128 : i32
        %mul3A_178 = arith.muli %scan3A_62, %mul3A_177 : i32
        %add3A_179 = arith.constant 0 : i32
        %add3A_180 = arith.addi %mul3A_178, %add3A_179 : i32
        %add3A_181 = vector.broadcast %add3A_180 : i32 to vector<16xi32>
        %add3A_182 = arith.addi %iota3A, %add3A_181 : vector<16xi32>
        tpu.vector_store_idx %arg13[%min3A_176], %add3A_182 masked %ge3A_70 : memref<272xi32, #tpu.memory_space<vmem>>[vector<16xi32>], vector<16xi32>, vector<16xi1>
        %add3A_183 = arith.addi %scan3A_63, %all_reduce_population_count3A : vector<16xi32>
        %add3A_184 = arith.addi %add3A_183, %masked_cumsum3A_86 : vector<16xi32>
        %sub3A_185 = arith.constant 1 : i32
        %sub3A_186 = vector.broadcast %sub3A_185 : i32 to vector<16xi32>
        %sub3A_187 = arith.subi %add3A_184, %sub3A_186 : vector<16xi32>
        %min3A_188 = arith.constant 271 : i32
        %min3A_189 = vector.broadcast %min3A_188 : i32 to vector<16xi32>
        %min3A_190 = arith.minsi %sub3A_187, %min3A_189 : vector<16xi32>
        tpu.vector_store_idx %arg14[%min3A_190], %get3A_79 masked %ge3A_82 : memref<272xf32, #tpu.memory_space<vmem>>[vector<16xi32>], vector<16xf32>, vector<16xi1>
        %mul3A_191 = arith.constant 128 : i32
        %mul3A_192 = arith.muli %scan3A_62, %mul3A_191 : i32
        %add3A_193 = arith.constant 16 : i32
        %add3A_194 = arith.addi %mul3A_192, %add3A_193 : i32
        %add3A_195 = vector.broadcast %add3A_194 : i32 to vector<16xi32>
        %add3A_196 = arith.addi %iota3A, %add3A_195 : vector<16xi32>
        tpu.vector_store_idx %arg13[%min3A_190], %add3A_196 masked %ge3A_82 : memref<272xi32, #tpu.memory_space<vmem>>[vector<16xi32>], vector<16xi32>, vector<16xi1>
        %add3A_197 = arith.addi %add3A_183, %all_reduce_population_count3A_87 : vector<16xi32>
        %add3A_198 = arith.addi %add3A_197, %masked_cumsum3A_100 : vector<16xi32>
        %sub3A_199 = arith.constant 1 : i32
        %sub3A_200 = vector.broadcast %sub3A_199 : i32 to vector<16xi32>
        %sub3A_201 = arith.subi %add3A_198, %sub3A_200 : vector<16xi32>
        %min3A_202 = arith.constant 271 : i32
        %min3A_203 = vector.broadcast %min3A_202 : i32 to vector<16xi32>
        %min3A_204 = arith.minsi %sub3A_201, %min3A_203 : vector<16xi32>
        tpu.vector_store_idx %arg14[%min3A_204], %get3A_93 masked %ge3A_96 : memref<272xf32, #tpu.memory_space<vmem>>[vector<16xi32>], vector<16xf32>, vector<16xi1>
        %mul3A_205 = arith.constant 128 : i32
        %mul3A_206 = arith.muli %scan3A_62, %mul3A_205 : i32
        %add3A_207 = arith.constant 32 : i32
        %add3A_208 = arith.addi %mul3A_206, %add3A_207 : i32
        %add3A_209 = vector.broadcast %add3A_208 : i32 to vector<16xi32>
        %add3A_210 = arith.addi %iota3A, %add3A_209 : vector<16xi32>
        tpu.vector_store_idx %arg13[%min3A_204], %add3A_210 masked %ge3A_96 : memref<272xi32, #tpu.memory_space<vmem>>[vector<16xi32>], vector<16xi32>, vector<16xi1>
        %add3A_211 = arith.addi %add3A_197, %all_reduce_population_count3A_101 : vector<16xi32>
        %add3A_212 = arith.addi %add3A_211, %masked_cumsum3A_114 : vector<16xi32>
        %sub3A_213 = arith.constant 1 : i32
        %sub3A_214 = vector.broadcast %sub3A_213 : i32 to vector<16xi32>
        %sub3A_215 = arith.subi %add3A_212, %sub3A_214 : vector<16xi32>
        %min3A_216 = arith.constant 271 : i32
        %min3A_217 = vector.broadcast %min3A_216 : i32 to vector<16xi32>
        %min3A_218 = arith.minsi %sub3A_215, %min3A_217 : vector<16xi32>
        tpu.vector_store_idx %arg14[%min3A_218], %get3A_107 masked %ge3A_110 : memref<272xf32, #tpu.memory_space<vmem>>[vector<16xi32>], vector<16xf32>, vector<16xi1>
        %mul3A_219 = arith.constant 128 : i32
        %mul3A_220 = arith.muli %scan3A_62, %mul3A_219 : i32
        %add3A_221 = arith.constant 48 : i32
        %add3A_222 = arith.addi %mul3A_220, %add3A_221 : i32
        %add3A_223 = vector.broadcast %add3A_222 : i32 to vector<16xi32>
        %add3A_224 = arith.addi %iota3A, %add3A_223 : vector<16xi32>
        tpu.vector_store_idx %arg13[%min3A_218], %add3A_224 masked %ge3A_110 : memref<272xi32, #tpu.memory_space<vmem>>[vector<16xi32>], vector<16xi32>, vector<16xi1>
        %add3A_225 = arith.addi %add3A_211, %all_reduce_population_count3A_115 : vector<16xi32>
        %add3A_226 = arith.addi %add3A_225, %masked_cumsum3A_128 : vector<16xi32>
        %sub3A_227 = arith.constant 1 : i32
        %sub3A_228 = vector.broadcast %sub3A_227 : i32 to vector<16xi32>
        %sub3A_229 = arith.subi %add3A_226, %sub3A_228 : vector<16xi32>
        %min3A_230 = arith.constant 271 : i32
        %min3A_231 = vector.broadcast %min3A_230 : i32 to vector<16xi32>
        %min3A_232 = arith.minsi %sub3A_229, %min3A_231 : vector<16xi32>
        tpu.vector_store_idx %arg14[%min3A_232], %get3A_121 masked %ge3A_124 : memref<272xf32, #tpu.memory_space<vmem>>[vector<16xi32>], vector<16xf32>, vector<16xi1>
        %mul3A_233 = arith.constant 128 : i32
        %mul3A_234 = arith.muli %scan3A_62, %mul3A_233 : i32
        %add3A_235 = arith.constant 64 : i32
        %add3A_236 = arith.addi %mul3A_234, %add3A_235 : i32
        %add3A_237 = vector.broadcast %add3A_236 : i32 to vector<16xi32>
        %add3A_238 = arith.addi %iota3A, %add3A_237 : vector<16xi32>
        tpu.vector_store_idx %arg13[%min3A_232], %add3A_238 masked %ge3A_124 : memref<272xi32, #tpu.memory_space<vmem>>[vector<16xi32>], vector<16xi32>, vector<16xi1>
        %add3A_239 = arith.addi %add3A_225, %all_reduce_population_count3A_129 : vector<16xi32>
        %add3A_240 = arith.addi %add3A_239, %masked_cumsum3A_142 : vector<16xi32>
        %sub3A_241 = arith.constant 1 : i32
        %sub3A_242 = vector.broadcast %sub3A_241 : i32 to vector<16xi32>
        %sub3A_243 = arith.subi %add3A_240, %sub3A_242 : vector<16xi32>
        %min3A_244 = arith.constant 271 : i32
        %min3A_245 = vector.broadcast %min3A_244 : i32 to vector<16xi32>
        %min3A_246 = arith.minsi %sub3A_243, %min3A_245 : vector<16xi32>
        tpu.vector_store_idx %arg14[%min3A_246], %get3A_135 masked %ge3A_138 : memref<272xf32, #tpu.memory_space<vmem>>[vector<16xi32>], vector<16xf32>, vector<16xi1>
        %mul3A_247 = arith.constant 128 : i32
        %mul3A_248 = arith.muli %scan3A_62, %mul3A_247 : i32
        %add3A_249 = arith.constant 80 : i32
        %add3A_250 = arith.addi %mul3A_248, %add3A_249 : i32
        %add3A_251 = vector.broadcast %add3A_250 : i32 to vector<16xi32>
        %add3A_252 = arith.addi %iota3A, %add3A_251 : vector<16xi32>
        tpu.vector_store_idx %arg13[%min3A_246], %add3A_252 masked %ge3A_138 : memref<272xi32, #tpu.memory_space<vmem>>[vector<16xi32>], vector<16xi32>, vector<16xi1>
        %add3A_253 = arith.addi %add3A_239, %all_reduce_population_count3A_143 : vector<16xi32>
        %add3A_254 = arith.addi %add3A_253, %masked_cumsum3A_156 : vector<16xi32>
        %sub3A_255 = arith.constant 1 : i32
        %sub3A_256 = vector.broadcast %sub3A_255 : i32 to vector<16xi32>
        %sub3A_257 = arith.subi %add3A_254, %sub3A_256 : vector<16xi32>
        %min3A_258 = arith.constant 271 : i32
        %min3A_259 = vector.broadcast %min3A_258 : i32 to vector<16xi32>
        %min3A_260 = arith.minsi %sub3A_257, %min3A_259 : vector<16xi32>
        tpu.vector_store_idx %arg14[%min3A_260], %get3A_149 masked %ge3A_152 : memref<272xf32, #tpu.memory_space<vmem>>[vector<16xi32>], vector<16xf32>, vector<16xi1>
        %mul3A_261 = arith.constant 128 : i32
        %mul3A_262 = arith.muli %scan3A_62, %mul3A_261 : i32
        %add3A_263 = arith.constant 96 : i32
        %add3A_264 = arith.addi %mul3A_262, %add3A_263 : i32
        %add3A_265 = vector.broadcast %add3A_264 : i32 to vector<16xi32>
        %add3A_266 = arith.addi %iota3A, %add3A_265 : vector<16xi32>
        tpu.vector_store_idx %arg13[%min3A_260], %add3A_266 masked %ge3A_152 : memref<272xi32, #tpu.memory_space<vmem>>[vector<16xi32>], vector<16xi32>, vector<16xi1>
        %add3A_267 = arith.addi %add3A_253, %all_reduce_population_count3A_157 : vector<16xi32>
        %add3A_268 = arith.addi %add3A_267, %masked_cumsum3A_170 : vector<16xi32>
        %sub3A_269 = arith.constant 1 : i32
        %sub3A_270 = vector.broadcast %sub3A_269 : i32 to vector<16xi32>
        %sub3A_271 = arith.subi %add3A_268, %sub3A_270 : vector<16xi32>
        %min3A_272 = arith.constant 271 : i32
        %min3A_273 = vector.broadcast %min3A_272 : i32 to vector<16xi32>
        %min3A_274 = arith.minsi %sub3A_271, %min3A_273 : vector<16xi32>
        tpu.vector_store_idx %arg14[%min3A_274], %get3A_163 masked %ge3A_166 : memref<272xf32, #tpu.memory_space<vmem>>[vector<16xi32>], vector<16xf32>, vector<16xi1>
        %mul3A_275 = arith.constant 128 : i32
        %mul3A_276 = arith.muli %scan3A_62, %mul3A_275 : i32
        %add3A_277 = arith.constant 112 : i32
        %add3A_278 = arith.addi %mul3A_276, %add3A_277 : i32
        %add3A_279 = vector.broadcast %add3A_278 : i32 to vector<16xi32>
        %add3A_280 = arith.addi %iota3A, %add3A_279 : vector<16xi32>
        tpu.vector_store_idx %arg13[%min3A_274], %add3A_280 masked %ge3A_166 : memref<272xi32, #tpu.memory_space<vmem>>[vector<16xi32>], vector<16xi32>, vector<16xi1>
        %add3A_281 = arith.addi %add3A_267, %all_reduce_population_count3A_171 : vector<16xi32>
        scf.yield %add3A_281 : vector<16xi32>
      }
      %scan3A_36 = arith.constant 40 : i32
      %reduce_max3A = arith.constant true
      %reduce_max3A_37 = vector.broadcast %reduce_max3A : i1 to vector<16xi1>
      %reduce_max3A_38 = arith.constant -2147483648 : i32
      %reduce_max3A_39 = vector.broadcast %reduce_max3A_38 : i32 to vector<16xi32>
      %reduce_max3A_40 = arith.xori %scan3A_35, %reduce_max3A_39 : vector<16xi32>
      %reduce_max3A_41 = tpu.scan <max>, %reduce_max3A_40 masked %reduce_max3A_37 : vector<16xi32>, vector<16xi1> -> vector<16xi32>
      %reduce_max3A_42 = arith.xori %reduce_max3A_41, %reduce_max3A_39 : vector<16xi32>
      %reduce_max3A_43 = vector.extract %reduce_max3A_42[15] : i32 from vector<16xi32>
      %gt3A = arith.constant 256 : i32
      %gt3A_44 = arith.cmpi sgt, %reduce_max3A_43, %gt3A : i32
      %convert_element_type3A_45 = arith.extui %gt3A_44 : i1 to i32
      %cond3A_46 = arith.constant 0 : i32
      %cond3A_47 = arith.cmpi ne, %convert_element_type3A_45, %cond3A_46 : i32
      scf.if %cond3A_47 {
        %swap3A = arith.constant 0 : index
        %swap3A_62 = tpu.vector_load %arg14[%swap3A] {strides = array<i32>} : memref<272xf32, #tpu.memory_space<vmem>>, vector<16xf32>,
        tpu.vector_store %arg14[%swap3A], %broadcast_in_dim3A_5 {strides = array<i32>} : memref<272xf32, #tpu.memory_space<vmem>>, vector<16xf32>,
      } else {
      }
      %dma_start3A = arith.constant 0 : i32
      %dma_start3A_48 = tpu.memref_slice %arg3[%dma_start3A] : memref<5120xf32, #tpu.memory_space<hbm>> -> memref<5120xf32, #tpu.memory_space<hbm>>
      tpu.enqueue_indirect_dma source(%dma_start3A_48 : memref<5120xf32, #tpu.memory_space<hbm>>) target(%arg15 : memref<272xf32, #tpu.memory_space<vmem>>) offsets(%arg13 : memref<272xi32, #tpu.memory_space<vmem>>) semaphore(%arg19 : memref<!tpu.dma_semaphore, #tpu.memory_space<semaphore_mem>>)
      %dma_start3A_49 = arith.constant 0 : i32
      %dma_start3A_50 = tpu.memref_slice %arg4[%dma_start3A_49] : memref<5120xf32, #tpu.memory_space<hbm>> -> memref<5120xf32, #tpu.memory_space<hbm>>
      tpu.enqueue_indirect_dma source(%dma_start3A_50 : memref<5120xf32, #tpu.memory_space<hbm>>) target(%arg16 : memref<272xf32, #tpu.memory_space<vmem>>) offsets(%arg13 : memref<272xi32, #tpu.memory_space<vmem>>) semaphore(%arg19 : memref<!tpu.dma_semaphore, #tpu.memory_space<semaphore_mem>>)
      %dma_start3A_51 = arith.constant 0 : i32
      %dma_start3A_52 = tpu.memref_slice %arg5[%dma_start3A_51] : memref<5120xf32, #tpu.memory_space<hbm>> -> memref<5120xf32, #tpu.memory_space<hbm>>
      tpu.enqueue_indirect_dma source(%dma_start3A_52 : memref<5120xf32, #tpu.memory_space<hbm>>) target(%arg17 : memref<272xf32, #tpu.memory_space<vmem>>) offsets(%arg13 : memref<272xi32, #tpu.memory_space<vmem>>) semaphore(%arg19 : memref<!tpu.dma_semaphore, #tpu.memory_space<semaphore_mem>>)
      %dma_start3A_53 = arith.constant 0 : i32
      %dma_start3A_54 = tpu.memref_slice %arg6[%dma_start3A_53] : memref<5120xf32, #tpu.memory_space<hbm>> -> memref<5120xf32, #tpu.memory_space<hbm>>
      tpu.enqueue_indirect_dma source(%dma_start3A_54 : memref<5120xf32, #tpu.memory_space<hbm>>) target(%arg18 : memref<272xf32, #tpu.memory_space<vmem>>) offsets(%arg13 : memref<272xi32, #tpu.memory_space<vmem>>) semaphore(%arg19 : memref<!tpu.dma_semaphore, #tpu.memory_space<semaphore_mem>>)
      %dma_wait3A = arith.constant 0 : i32
      %dma_wait3A_55 = tpu.memref_slice %arg3[%dma_wait3A] : memref<5120xf32, #tpu.memory_space<hbm>> -> memref<5120xf32, #tpu.memory_space<hbm>>
      tpu.wait_indirect_dma semaphore(%arg19 : memref<!tpu.dma_semaphore, #tpu.memory_space<semaphore_mem>>) src(%dma_wait3A_55 : memref<5120xf32, #tpu.memory_space<hbm>>) dst(%arg15 : memref<272xf32, #tpu.memory_space<vmem>>)
      %dma_wait3A_56 = arith.constant 0 : i32
      %dma_wait3A_57 = tpu.memref_slice %arg4[%dma_wait3A_56] : memref<5120xf32, #tpu.memory_space<hbm>> -> memref<5120xf32, #tpu.memory_space<hbm>>
      tpu.wait_indirect_dma semaphore(%arg19 : memref<!tpu.dma_semaphore, #tpu.memory_space<semaphore_mem>>) src(%dma_wait3A_57 : memref<5120xf32, #tpu.memory_space<hbm>>) dst(%arg16 : memref<272xf32, #tpu.memory_space<vmem>>)
      %dma_wait3A_58 = arith.constant 0 : i32
      %dma_wait3A_59 = tpu.memref_slice %arg5[%dma_wait3A_58] : memref<5120xf32, #tpu.memory_space<hbm>> -> memref<5120xf32, #tpu.memory_space<hbm>>
      tpu.wait_indirect_dma semaphore(%arg19 : memref<!tpu.dma_semaphore, #tpu.memory_space<semaphore_mem>>) src(%dma_wait3A_59 : memref<5120xf32, #tpu.memory_space<hbm>>) dst(%arg17 : memref<272xf32, #tpu.memory_space<vmem>>)
      %dma_wait3A_60 = arith.constant 0 : i32
      %dma_wait3A_61 = tpu.memref_slice %arg6[%dma_wait3A_60] : memref<5120xf32, #tpu.memory_space<hbm>> -> memref<5120xf32, #tpu.memory_space<hbm>>
      tpu.wait_indirect_dma semaphore(%arg19 : memref<!tpu.dma_semaphore, #tpu.memory_space<semaphore_mem>>) src(%dma_wait3A_61 : memref<5120xf32, #tpu.memory_space<hbm>>) dst(%arg18 : memref<272xf32, #tpu.memory_space<vmem>>)
      "tpu.region"() ({
        %run_scoped3A = tpu.sem_alloc : memref<!tpu.dma_semaphore, #tpu.memory_space<semaphore_mem>>
        %dma_start3A_62 = arith.constant 0 : i32
        %dma_start3A_63 = tpu.memref_slice %arg7[%add3A_18, %dma_start3A_62] : memref<80x272xf32, #tpu.memory_space<hbm>> -> memref<1x272xf32, #tpu.memory_space<hbm>>
        %dma_start3A_64 = tpu.memref_squeeze %dma_start3A_63 : memref<1x272xf32, #tpu.memory_space<hbm>> -> memref<272xf32, #tpu.memory_space<hbm>>
        %dma_start3A_65 = arith.constant 0 : i32
        %dma_start3A_66 = tpu.memref_slice %arg7[%add3A_18, %dma_start3A_65] : memref<80x272xf32, #tpu.memory_space<hbm>> -> memref<1x272xf32, #tpu.memory_space<hbm>>
        %dma_start3A_67 = tpu.memref_squeeze %dma_start3A_66 : memref<1x272xf32, #tpu.memory_space<hbm>> -> memref<272xf32, #tpu.memory_space<hbm>>
        tpu.enqueue_dma source(%arg14 : memref<272xf32, #tpu.memory_space<vmem>>) target(%dma_start3A_67 : memref<272xf32, #tpu.memory_space<hbm>>) target_semaphore(%run_scoped3A : memref<!tpu.dma_semaphore, #tpu.memory_space<semaphore_mem>>)
        %dma_wait3A_68 = arith.constant 0 : i32
        %dma_wait3A_69 = tpu.memref_slice %arg7[%add3A_18, %dma_wait3A_68] : memref<80x272xf32, #tpu.memory_space<hbm>> -> memref<1x272xf32, #tpu.memory_space<hbm>>
        %dma_wait3A_70 = tpu.memref_squeeze %dma_wait3A_69 : memref<1x272xf32, #tpu.memory_space<hbm>> -> memref<272xf32, #tpu.memory_space<hbm>>
        %dma_wait3A_71 = arith.constant 0 : i32
        %dma_wait3A_72 = tpu.memref_slice %arg7[%add3A_18, %dma_wait3A_71] : memref<80x272xf32, #tpu.memory_space<hbm>> -> memref<1x272xf32, #tpu.memory_space<hbm>>
        %dma_wait3A_73 = tpu.memref_squeeze %dma_wait3A_72 : memref<1x272xf32, #tpu.memory_space<hbm>> -> memref<272xf32, #tpu.memory_space<hbm>>
        tpu.wait_dma2 semaphore(%run_scoped3A : memref<!tpu.dma_semaphore, #tpu.memory_space<semaphore_mem>>) src(%arg14 : memref<272xf32, #tpu.memory_space<vmem>>) dst(%dma_wait3A_73 : memref<272xf32, #tpu.memory_space<hbm>>)
        tpu.yield
      }) : () -> ()
      "tpu.region"() ({
        %run_scoped3A = tpu.sem_alloc : memref<!tpu.dma_semaphore, #tpu.memory_space<semaphore_mem>>
        %dma_start3A_62 = arith.constant 0 : i32
        %dma_start3A_63 = tpu.memref_slice %arg8[%add3A_18, %dma_start3A_62] : memref<80x272xf32, #tpu.memory_space<hbm>> -> memref<1x272xf32, #tpu.memory_space<hbm>>
        %dma_start3A_64 = tpu.memref_squeeze %dma_start3A_63 : memref<1x272xf32, #tpu.memory_space<hbm>> -> memref<272xf32, #tpu.memory_space<hbm>>
        %dma_start3A_65 = arith.constant 0 : i32
        %dma_start3A_66 = tpu.memref_slice %arg8[%add3A_18, %dma_start3A_65] : memref<80x272xf32, #tpu.memory_space<hbm>> -> memref<1x272xf32, #tpu.memory_space<hbm>>
        %dma_start3A_67 = tpu.memref_squeeze %dma_start3A_66 : memref<1x272xf32, #tpu.memory_space<hbm>> -> memref<272xf32, #tpu.memory_space<hbm>>
        tpu.enqueue_dma source(%arg15 : memref<272xf32, #tpu.memory_space<vmem>>) target(%dma_start3A_67 : memref<272xf32, #tpu.memory_space<hbm>>) target_semaphore(%run_scoped3A : memref<!tpu.dma_semaphore, #tpu.memory_space<semaphore_mem>>)
        %dma_wait3A_68 = arith.constant 0 : i32
        %dma_wait3A_69 = tpu.memref_slice %arg8[%add3A_18, %dma_wait3A_68] : memref<80x272xf32, #tpu.memory_space<hbm>> -> memref<1x272xf32, #tpu.memory_space<hbm>>
        %dma_wait3A_70 = tpu.memref_squeeze %dma_wait3A_69 : memref<1x272xf32, #tpu.memory_space<hbm>> -> memref<272xf32, #tpu.memory_space<hbm>>
        %dma_wait3A_71 = arith.constant 0 : i32
        %dma_wait3A_72 = tpu.memref_slice %arg8[%add3A_18, %dma_wait3A_71] : memref<80x272xf32, #tpu.memory_space<hbm>> -> memref<1x272xf32, #tpu.memory_space<hbm>>
        %dma_wait3A_73 = tpu.memref_squeeze %dma_wait3A_72 : memref<1x272xf32, #tpu.memory_space<hbm>> -> memref<272xf32, #tpu.memory_space<hbm>>
        tpu.wait_dma2 semaphore(%run_scoped3A : memref<!tpu.dma_semaphore, #tpu.memory_space<semaphore_mem>>) src(%arg15 : memref<272xf32, #tpu.memory_space<vmem>>) dst(%dma_wait3A_73 : memref<272xf32, #tpu.memory_space<hbm>>)
        tpu.yield
      }) : () -> ()
      "tpu.region"() ({
        %run_scoped3A = tpu.sem_alloc : memref<!tpu.dma_semaphore, #tpu.memory_space<semaphore_mem>>
        %dma_start3A_62 = arith.constant 0 : i32
        %dma_start3A_63 = tpu.memref_slice %arg9[%add3A_18, %dma_start3A_62] : memref<80x272xf32, #tpu.memory_space<hbm>> -> memref<1x272xf32, #tpu.memory_space<hbm>>
        %dma_start3A_64 = tpu.memref_squeeze %dma_start3A_63 : memref<1x272xf32, #tpu.memory_space<hbm>> -> memref<272xf32, #tpu.memory_space<hbm>>
        %dma_start3A_65 = arith.constant 0 : i32
        %dma_start3A_66 = tpu.memref_slice %arg9[%add3A_18, %dma_start3A_65] : memref<80x272xf32, #tpu.memory_space<hbm>> -> memref<1x272xf32, #tpu.memory_space<hbm>>
        %dma_start3A_67 = tpu.memref_squeeze %dma_start3A_66 : memref<1x272xf32, #tpu.memory_space<hbm>> -> memref<272xf32, #tpu.memory_space<hbm>>
        tpu.enqueue_dma source(%arg16 : memref<272xf32, #tpu.memory_space<vmem>>) target(%dma_start3A_67 : memref<272xf32, #tpu.memory_space<hbm>>) target_semaphore(%run_scoped3A : memref<!tpu.dma_semaphore, #tpu.memory_space<semaphore_mem>>)
        %dma_wait3A_68 = arith.constant 0 : i32
        %dma_wait3A_69 = tpu.memref_slice %arg9[%add3A_18, %dma_wait3A_68] : memref<80x272xf32, #tpu.memory_space<hbm>> -> memref<1x272xf32, #tpu.memory_space<hbm>>
        %dma_wait3A_70 = tpu.memref_squeeze %dma_wait3A_69 : memref<1x272xf32, #tpu.memory_space<hbm>> -> memref<272xf32, #tpu.memory_space<hbm>>
        %dma_wait3A_71 = arith.constant 0 : i32
        %dma_wait3A_72 = tpu.memref_slice %arg9[%add3A_18, %dma_wait3A_71] : memref<80x272xf32, #tpu.memory_space<hbm>> -> memref<1x272xf32, #tpu.memory_space<hbm>>
        %dma_wait3A_73 = tpu.memref_squeeze %dma_wait3A_72 : memref<1x272xf32, #tpu.memory_space<hbm>> -> memref<272xf32, #tpu.memory_space<hbm>>
        tpu.wait_dma2 semaphore(%run_scoped3A : memref<!tpu.dma_semaphore, #tpu.memory_space<semaphore_mem>>) src(%arg16 : memref<272xf32, #tpu.memory_space<vmem>>) dst(%dma_wait3A_73 : memref<272xf32, #tpu.memory_space<hbm>>)
        tpu.yield
      }) : () -> ()
      "tpu.region"() ({
        %run_scoped3A = tpu.sem_alloc : memref<!tpu.dma_semaphore, #tpu.memory_space<semaphore_mem>>
        %dma_start3A_62 = arith.constant 0 : i32
        %dma_start3A_63 = tpu.memref_slice %arg10[%add3A_18, %dma_start3A_62] : memref<80x272xf32, #tpu.memory_space<hbm>> -> memref<1x272xf32, #tpu.memory_space<hbm>>
        %dma_start3A_64 = tpu.memref_squeeze %dma_start3A_63 : memref<1x272xf32, #tpu.memory_space<hbm>> -> memref<272xf32, #tpu.memory_space<hbm>>
        %dma_start3A_65 = arith.constant 0 : i32
        %dma_start3A_66 = tpu.memref_slice %arg10[%add3A_18, %dma_start3A_65] : memref<80x272xf32, #tpu.memory_space<hbm>> -> memref<1x272xf32, #tpu.memory_space<hbm>>
        %dma_start3A_67 = tpu.memref_squeeze %dma_start3A_66 : memref<1x272xf32, #tpu.memory_space<hbm>> -> memref<272xf32, #tpu.memory_space<hbm>>
        tpu.enqueue_dma source(%arg17 : memref<272xf32, #tpu.memory_space<vmem>>) target(%dma_start3A_67 : memref<272xf32, #tpu.memory_space<hbm>>) target_semaphore(%run_scoped3A : memref<!tpu.dma_semaphore, #tpu.memory_space<semaphore_mem>>)
        %dma_wait3A_68 = arith.constant 0 : i32
        %dma_wait3A_69 = tpu.memref_slice %arg10[%add3A_18, %dma_wait3A_68] : memref<80x272xf32, #tpu.memory_space<hbm>> -> memref<1x272xf32, #tpu.memory_space<hbm>>
        %dma_wait3A_70 = tpu.memref_squeeze %dma_wait3A_69 : memref<1x272xf32, #tpu.memory_space<hbm>> -> memref<272xf32, #tpu.memory_space<hbm>>
        %dma_wait3A_71 = arith.constant 0 : i32
        %dma_wait3A_72 = tpu.memref_slice %arg10[%add3A_18, %dma_wait3A_71] : memref<80x272xf32, #tpu.memory_space<hbm>> -> memref<1x272xf32, #tpu.memory_space<hbm>>
        %dma_wait3A_73 = tpu.memref_squeeze %dma_wait3A_72 : memref<1x272xf32, #tpu.memory_space<hbm>> -> memref<272xf32, #tpu.memory_space<hbm>>
        tpu.wait_dma2 semaphore(%run_scoped3A : memref<!tpu.dma_semaphore, #tpu.memory_space<semaphore_mem>>) src(%arg17 : memref<272xf32, #tpu.memory_space<vmem>>) dst(%dma_wait3A_73 : memref<272xf32, #tpu.memory_space<hbm>>)
        tpu.yield
      }) : () -> ()
      "tpu.region"() ({
        %run_scoped3A = tpu.sem_alloc : memref<!tpu.dma_semaphore, #tpu.memory_space<semaphore_mem>>
        %dma_start3A_62 = arith.constant 0 : i32
        %dma_start3A_63 = tpu.memref_slice %arg11[%add3A_18, %dma_start3A_62] : memref<80x272xf32, #tpu.memory_space<hbm>> -> memref<1x272xf32, #tpu.memory_space<hbm>>
        %dma_start3A_64 = tpu.memref_squeeze %dma_start3A_63 : memref<1x272xf32, #tpu.memory_space<hbm>> -> memref<272xf32, #tpu.memory_space<hbm>>
        %dma_start3A_65 = arith.constant 0 : i32
        %dma_start3A_66 = tpu.memref_slice %arg11[%add3A_18, %dma_start3A_65] : memref<80x272xf32, #tpu.memory_space<hbm>> -> memref<1x272xf32, #tpu.memory_space<hbm>>
        %dma_start3A_67 = tpu.memref_squeeze %dma_start3A_66 : memref<1x272xf32, #tpu.memory_space<hbm>> -> memref<272xf32, #tpu.memory_space<hbm>>
        tpu.enqueue_dma source(%arg18 : memref<272xf32, #tpu.memory_space<vmem>>) target(%dma_start3A_67 : memref<272xf32, #tpu.memory_space<hbm>>) target_semaphore(%run_scoped3A : memref<!tpu.dma_semaphore, #tpu.memory_space<semaphore_mem>>)
        %dma_wait3A_68 = arith.constant 0 : i32
        %dma_wait3A_69 = tpu.memref_slice %arg11[%add3A_18, %dma_wait3A_68] : memref<80x272xf32, #tpu.memory_space<hbm>> -> memref<1x272xf32, #tpu.memory_space<hbm>>
        %dma_wait3A_70 = tpu.memref_squeeze %dma_wait3A_69 : memref<1x272xf32, #tpu.memory_space<hbm>> -> memref<272xf32, #tpu.memory_space<hbm>>
        %dma_wait3A_71 = arith.constant 0 : i32
        %dma_wait3A_72 = tpu.memref_slice %arg11[%add3A_18, %dma_wait3A_71] : memref<80x272xf32, #tpu.memory_space<hbm>> -> memref<1x272xf32, #tpu.memory_space<hbm>>
        %dma_wait3A_73 = tpu.memref_squeeze %dma_wait3A_72 : memref<1x272xf32, #tpu.memory_space<hbm>> -> memref<272xf32, #tpu.memory_space<hbm>>
        tpu.wait_dma2 semaphore(%run_scoped3A : memref<!tpu.dma_semaphore, #tpu.memory_space<semaphore_mem>>) src(%arg18 : memref<272xf32, #tpu.memory_space<vmem>>) dst(%dma_wait3A_73 : memref<272xf32, #tpu.memory_space<hbm>>)
        tpu.yield
      }) : () -> ()
    } else {
    }
    return
  }
}

module attributes {stable_mosaic.version = 14 : i64} {
  func.func @_tc_kernel(%arg0: memref<4x5120xf32, #tpu.memory_space<vmem>>, %arg1: memref<80x5120xf32, #tpu.memory_space<vmem>>, %arg2: memref<80x272xf32, #tpu.memory_space<vmem>>, %arg3: memref<80x272xf32, #tpu.memory_space<vmem>>, %arg4: memref<80x272xf32, #tpu.memory_space<vmem>>, %arg5: memref<80x272xf32, #tpu.memory_space<vmem>>, %arg6: memref<80x272xf32, #tpu.memory_space<vmem>>, %arg7: memref<50x1xf32, #tpu.memory_space<vmem>>, %arg8: memref<50x1xf32, #tpu.memory_space<vmem>>, %arg9: memref<50x1xf32, #tpu.memory_space<vmem>>, %arg10: memref<50x1xf32, #tpu.memory_space<vmem>>, %arg11: memref<50x1xf32, #tpu.memory_space<vmem>>, %arg12: memref<50x1xf32, #tpu.memory_space<vmem>>, %arg13: memref<1x1xi32, #tpu.memory_space<vmem>>) attributes {dimension_semantics = [], scalar_prefetch = 0 : i64, scratch_operands = 0 : i64, tpu.core_type = #tpu.core_type<tc>} {
    %get3A = arith.constant 0 : index
    %get3A_0 = arith.constant 0 : index
    %get3A_1 = vector.load %arg2[%get3A, %get3A_0] : memref<80x272xf32, #tpu.memory_space<vmem>>, vector<80x256xf32>
    %get3A_2 = arith.constant 0 : index
    %get3A_3 = arith.constant 0 : index
    %get3A_4 = vector.load %arg3[%get3A_2, %get3A_3] : memref<80x272xf32, #tpu.memory_space<vmem>>, vector<80x256xf32>
    %get3A_5 = arith.constant 0 : index
    %get3A_6 = arith.constant 0 : index
    %get3A_7 = vector.load %arg4[%get3A_5, %get3A_6] : memref<80x272xf32, #tpu.memory_space<vmem>>, vector<80x256xf32>
    %get3A_8 = arith.constant 0 : index
    %get3A_9 = arith.constant 0 : index
    %get3A_10 = vector.load %arg5[%get3A_8, %get3A_9] : memref<80x272xf32, #tpu.memory_space<vmem>>, vector<80x256xf32>
    %get3A_11 = arith.constant 0 : index
    %get3A_12 = arith.constant 0 : index
    %get3A_13 = vector.load %arg6[%get3A_11, %get3A_12] : memref<80x272xf32, #tpu.memory_space<vmem>>, vector<80x256xf32>
    %div3A = arith.constant 2.000000e+00 : f32
    %div3A_14 = vector.broadcast %div3A : f32 to vector<80x256xf32>
    %div3A_15 = arith.divf %get3A_13, %div3A_14 : vector<80x256xf32>
    %div3A_16 = arith.constant 2.000000e+00 : f32
    %div3A_17 = vector.broadcast %div3A_16 : f32 to vector<80x256xf32>
    %div3A_18 = arith.divf %get3A_10, %div3A_17 : vector<80x256xf32>
    %sub3A = arith.subf %get3A_7, %div3A_15 : vector<80x256xf32>
    %div3A_19 = arith.constant 2.560000e+02 : f32
    %div3A_20 = vector.broadcast %div3A_19 : f32 to vector<80x256xf32>
    %div3A_21 = arith.divf %sub3A, %div3A_20 : vector<80x256xf32>
    %sub3A_22 = arith.subf %get3A_4, %div3A_18 : vector<80x256xf32>
    %div3A_23 = arith.constant 2.560000e+02 : f32
    %div3A_24 = vector.broadcast %div3A_23 : f32 to vector<80x256xf32>
    %div3A_25 = arith.divf %sub3A_22, %div3A_24 : vector<80x256xf32>
    %add3A = arith.addf %get3A_7, %div3A_15 : vector<80x256xf32>
    %div3A_26 = arith.constant 2.560000e+02 : f32
    %div3A_27 = vector.broadcast %div3A_26 : f32 to vector<80x256xf32>
    %div3A_28 = arith.divf %add3A, %div3A_27 : vector<80x256xf32>
    %add3A_29 = arith.addf %get3A_4, %div3A_18 : vector<80x256xf32>
    %div3A_30 = arith.constant 2.560000e+02 : f32
    %div3A_31 = vector.broadcast %div3A_30 : f32 to vector<80x256xf32>
    %div3A_32 = arith.divf %add3A_29, %div3A_31 : vector<80x256xf32>
    %sub3A_33 = arith.subf %div3A_28, %div3A_21 : vector<80x256xf32>
    %sub3A_34 = arith.subf %div3A_32, %div3A_25 : vector<80x256xf32>
    %mul3A = arith.mulf %sub3A_33, %sub3A_34 : vector<80x256xf32>
    %ge3A = arith.constant 4.000000e-01 : f32
    %ge3A_35 = vector.broadcast %ge3A : f32 to vector<80x256xf32>
    %ge3A_36 = arith.cmpf oge, %get3A_1, %ge3A_35 : vector<80x256xf32>
    %jit3A = arith.constant -1.000000e+00 : f32
    %broadcast_in_dim3A = vector.broadcast %jit3A : f32 to vector<80x256xf32>
    %select_n3A = arith.select %ge3A_36, %get3A_1, %broadcast_in_dim3A : vector<80x256xi1>, vector<80x256xf32>
    %iota3A = tpu.iota {dimensions = array<i32: 1>} : vector<80x256xi32>
    %iota3A_37 = tpu.iota {dimensions = array<i32: 1>} : vector<80x50xi32>
    %broadcast_in_dim3A_38 = arith.constant 0.000000e+00 : f32
    %broadcast_in_dim3A_39 = vector.broadcast %broadcast_in_dim3A_38 : f32 to vector<80x50xf32>
    %broadcast_in_dim3A_40 = arith.constant -1.000000e+00 : f32
    %broadcast_in_dim3A_41 = vector.broadcast %broadcast_in_dim3A_40 : f32 to vector<80x50xf32>
    %scan3A = arith.constant 0x7F800000 : f32
    %scan3A_42 = arith.constant 0 : i32
    %scan3A_43 = arith.constant 50 : i32
    %scan3A_44 = arith.addi %scan3A_42, %scan3A_43 : i32
    %scan3A_45 = arith.constant 1 : i32
    %scan3A_46:6 = scf.for %scan3A_174 = %scan3A_42 to %scan3A_44 step %scan3A_45 iter_args(%scan3A_175 = %select_n3A, %scan3A_176 = %broadcast_in_dim3A_41, %scan3A_177 = %broadcast_in_dim3A_39, %scan3A_178 = %broadcast_in_dim3A_39, %scan3A_179 = %broadcast_in_dim3A_39, %scan3A_180 = %broadcast_in_dim3A_39) -> (vector<80x256xf32>, vector<80x50xf32>, vector<80x50xf32>, vector<80x50xf32>, vector<80x50xf32>, vector<80x50xf32>)  : i32 {
      %reduce_max3A = arith.constant dense<0xFF800000> : vector<80xf32>
      %reduce_max3A_181 = vector.multi_reduction <maximumf>, %scan3A_175, %reduce_max3A [1] : vector<80x256xf32> to vector<80xf32>
      %broadcast_in_dim3A_182 = vector.shape_cast %reduce_max3A_181 : vector<80xf32> to vector<80x1xf32>
      %eq3A = vector.broadcast %broadcast_in_dim3A_182 : vector<80x1xf32> to vector<80x256xf32>
      %eq3A_183 = arith.cmpf oeq, %scan3A_175, %eq3A : vector<80x256xf32>
      %jit3A_184 = arith.constant 256 : i32
      %broadcast_in_dim3A_185 = vector.broadcast %jit3A_184 : i32 to vector<80x256xi32>
      %select_n3A_186 = arith.select %eq3A_183, %iota3A, %broadcast_in_dim3A_185 : vector<80x256xi1>, vector<80x256xi32>
      %reduce_min3A = arith.constant dense<2147483647> : vector<80xi32>
      %reduce_min3A_187 = vector.multi_reduction <minsi>, %select_n3A_186, %reduce_min3A [1] : vector<80x256xi32> to vector<80xi32>
      %broadcast_in_dim3A_188 = vector.shape_cast %reduce_min3A_187 : vector<80xi32> to vector<80x1xi32>
      %eq3A_189 = vector.broadcast %broadcast_in_dim3A_188 : vector<80x1xi32> to vector<80x256xi32>
      %eq3A_190 = arith.cmpi eq, %iota3A, %eq3A_189 : vector<80x256xi32>
      %jit3A_191 = arith.constant 0.000000e+00 : f32
      %broadcast_in_dim3A_192 = vector.broadcast %jit3A_191 : f32 to vector<80x256xf32>
      %select_n3A_193 = arith.select %eq3A_190, %div3A_21, %broadcast_in_dim3A_192 : vector<80x256xi1>, vector<80x256xf32>
      %reduce_sum3A_194 = arith.constant dense<0.000000e+00> : vector<80xf32>
      %reduce_sum3A_195 = vector.multi_reduction <add>, %select_n3A_193, %reduce_sum3A_194 [1] : vector<80x256xf32> to vector<80xf32>
      %broadcast_in_dim3A_196 = vector.shape_cast %reduce_sum3A_195 : vector<80xf32> to vector<80x1xf32>
      %jit3A_197 = arith.constant 0.000000e+00 : f32
      %broadcast_in_dim3A_198 = vector.broadcast %jit3A_197 : f32 to vector<80x256xf32>
      %select_n3A_199 = arith.select %eq3A_190, %div3A_25, %broadcast_in_dim3A_198 : vector<80x256xi1>, vector<80x256xf32>
      %reduce_sum3A_200 = arith.constant dense<0.000000e+00> : vector<80xf32>
      %reduce_sum3A_201 = vector.multi_reduction <add>, %select_n3A_199, %reduce_sum3A_200 [1] : vector<80x256xf32> to vector<80xf32>
      %broadcast_in_dim3A_202 = vector.shape_cast %reduce_sum3A_201 : vector<80xf32> to vector<80x1xf32>
      %jit3A_203 = arith.constant 0.000000e+00 : f32
      %broadcast_in_dim3A_204 = vector.broadcast %jit3A_203 : f32 to vector<80x256xf32>
      %select_n3A_205 = arith.select %eq3A_190, %div3A_28, %broadcast_in_dim3A_204 : vector<80x256xi1>, vector<80x256xf32>
      %reduce_sum3A_206 = arith.constant dense<0.000000e+00> : vector<80xf32>
      %reduce_sum3A_207 = vector.multi_reduction <add>, %select_n3A_205, %reduce_sum3A_206 [1] : vector<80x256xf32> to vector<80xf32>
      %broadcast_in_dim3A_208 = vector.shape_cast %reduce_sum3A_207 : vector<80xf32> to vector<80x1xf32>
      %jit3A_209 = arith.constant 0.000000e+00 : f32
      %broadcast_in_dim3A_210 = vector.broadcast %jit3A_209 : f32 to vector<80x256xf32>
      %select_n3A_211 = arith.select %eq3A_190, %div3A_32, %broadcast_in_dim3A_210 : vector<80x256xi1>, vector<80x256xf32>
      %reduce_sum3A_212 = arith.constant dense<0.000000e+00> : vector<80xf32>
      %reduce_sum3A_213 = vector.multi_reduction <add>, %select_n3A_211, %reduce_sum3A_212 [1] : vector<80x256xf32> to vector<80xf32>
      %broadcast_in_dim3A_214 = vector.shape_cast %reduce_sum3A_213 : vector<80xf32> to vector<80x1xf32>
      %max3A = vector.broadcast %broadcast_in_dim3A_196 : vector<80x1xf32> to vector<80x256xf32>
      %max3A_215 = arith.maximumf %max3A, %div3A_21 : vector<80x256xf32>
      %max3A_216 = vector.broadcast %broadcast_in_dim3A_202 : vector<80x1xf32> to vector<80x256xf32>
      %max3A_217 = arith.maximumf %max3A_216, %div3A_25 : vector<80x256xf32>
      %min3A = vector.broadcast %broadcast_in_dim3A_208 : vector<80x1xf32> to vector<80x256xf32>
      %min3A_218 = arith.minimumf %min3A, %div3A_28 : vector<80x256xf32>
      %min3A_219 = vector.broadcast %broadcast_in_dim3A_214 : vector<80x1xf32> to vector<80x256xf32>
      %min3A_220 = arith.minimumf %min3A_219, %div3A_32 : vector<80x256xf32>
      %sub3A_221 = arith.subf %min3A_218, %max3A_215 : vector<80x256xf32>
      %jit3A_222 = arith.constant 0.000000e+00 : f32
      %max3A_223 = vector.broadcast %jit3A_222 : f32 to vector<80x256xf32>
      %max3A_224 = arith.maximumf %max3A_223, %sub3A_221 : vector<80x256xf32>
      %sub3A_225 = arith.subf %min3A_220, %max3A_217 : vector<80x256xf32>
      %jit3A_226 = arith.constant 0.000000e+00 : f32
      %max3A_227 = vector.broadcast %jit3A_226 : f32 to vector<80x256xf32>
      %max3A_228 = arith.maximumf %max3A_227, %sub3A_225 : vector<80x256xf32>
      %mul3A_229 = arith.mulf %max3A_224, %max3A_228 : vector<80x256xf32>
      %sub3A_230 = arith.subf %broadcast_in_dim3A_208, %broadcast_in_dim3A_196 : vector<80x1xf32>
      %sub3A_231 = arith.subf %broadcast_in_dim3A_214, %broadcast_in_dim3A_202 : vector<80x1xf32>
      %mul3A_232 = arith.mulf %sub3A_230, %sub3A_231 : vector<80x1xf32>
      %add3A_233 = vector.broadcast %mul3A_232 : vector<80x1xf32> to vector<80x256xf32>
      %add3A_234 = arith.addf %add3A_233, %mul3A : vector<80x256xf32>
      %sub3A_235 = arith.subf %add3A_234, %mul3A_229 : vector<80x256xf32>
      %add3A_236 = arith.constant 9.99999993E-9 : f32
      %add3A_237 = vector.broadcast %add3A_236 : f32 to vector<80x256xf32>
      %add3A_238 = arith.addf %sub3A_235, %add3A_237 : vector<80x256xf32>
      %div3A_239 = arith.divf %mul3A_229, %add3A_238 : vector<80x256xf32>
      %gt3A_240 = arith.constant 0.000000e+00 : f32
      %gt3A_241 = vector.broadcast %gt3A_240 : f32 to vector<80x1xf32>
      %gt3A_242 = arith.cmpf ogt, %broadcast_in_dim3A_182, %gt3A_241 : vector<80x1xf32>
      %jit3A_243 = arith.constant 4.500000e-01 : f32
      %broadcast_in_dim3A_244 = vector.broadcast %jit3A_243 : f32 to vector<80x1xf32>
      %broadcast_in_dim3A_245 = vector.broadcast %scan3A : f32 to vector<80x1xf32>
      %select_n3A_246 = arith.select %gt3A_242, %broadcast_in_dim3A_244, %broadcast_in_dim3A_245 : vector<80x1xi1>, vector<80x1xf32>
      %gt3A_247 = vector.broadcast %select_n3A_246 : vector<80x1xf32> to vector<80x256xf32>
      %gt3A_248 = arith.cmpf ogt, %div3A_239, %gt3A_247 : vector<80x256xf32>
      %jit3A_249 = arith.constant -1.000000e+00 : f32
      %broadcast_in_dim3A_250 = vector.broadcast %jit3A_249 : f32 to vector<80x256xf32>
      %select_n3A_251 = arith.select %gt3A_248, %broadcast_in_dim3A_250, %scan3A_175 : vector<80x256xi1>, vector<80x256xf32>
      %eq3A_252 = vector.broadcast %scan3A_174 : i32 to vector<80x50xi32>
      %eq3A_253 = arith.cmpi eq, %iota3A_37, %eq3A_252 : vector<80x50xi32>
      %broadcast_in_dim3A_254 = vector.shape_cast %broadcast_in_dim3A_182 : vector<80x1xf32> to vector<80x1xf32>
      %broadcast_in_dim3A_255 = vector.broadcast %broadcast_in_dim3A_254 : vector<80x1xf32> to vector<80x50xf32>
      %select_n3A_256 = arith.select %eq3A_253, %broadcast_in_dim3A_255, %scan3A_176 : vector<80x50xi1>, vector<80x50xf32>
      %broadcast_in_dim3A_257 = vector.shape_cast %broadcast_in_dim3A_196 : vector<80x1xf32> to vector<80x1xf32>
      %broadcast_in_dim3A_258 = vector.broadcast %broadcast_in_dim3A_257 : vector<80x1xf32> to vector<80x50xf32>
      %select_n3A_259 = arith.select %eq3A_253, %broadcast_in_dim3A_258, %scan3A_177 : vector<80x50xi1>, vector<80x50xf32>
      %broadcast_in_dim3A_260 = vector.shape_cast %broadcast_in_dim3A_202 : vector<80x1xf32> to vector<80x1xf32>
      %broadcast_in_dim3A_261 = vector.broadcast %broadcast_in_dim3A_260 : vector<80x1xf32> to vector<80x50xf32>
      %select_n3A_262 = arith.select %eq3A_253, %broadcast_in_dim3A_261, %scan3A_178 : vector<80x50xi1>, vector<80x50xf32>
      %broadcast_in_dim3A_263 = vector.shape_cast %broadcast_in_dim3A_208 : vector<80x1xf32> to vector<80x1xf32>
      %broadcast_in_dim3A_264 = vector.broadcast %broadcast_in_dim3A_263 : vector<80x1xf32> to vector<80x50xf32>
      %select_n3A_265 = arith.select %eq3A_253, %broadcast_in_dim3A_264, %scan3A_179 : vector<80x50xi1>, vector<80x50xf32>
      %broadcast_in_dim3A_266 = vector.shape_cast %broadcast_in_dim3A_214 : vector<80x1xf32> to vector<80x1xf32>
      %broadcast_in_dim3A_267 = vector.broadcast %broadcast_in_dim3A_266 : vector<80x1xf32> to vector<80x50xf32>
      %select_n3A_268 = arith.select %eq3A_253, %broadcast_in_dim3A_267, %scan3A_180 : vector<80x50xi1>, vector<80x50xf32>
      scf.yield %select_n3A_251, %select_n3A_256, %select_n3A_259, %select_n3A_262, %select_n3A_265, %select_n3A_268 : vector<80x256xf32>, vector<80x50xf32>, vector<80x50xf32>, vector<80x50xf32>, vector<80x50xf32>, vector<80x50xf32>
    }
    %scan3A_47 = arith.constant 50 : i32
    %gt3A = arith.constant 0.000000e+00 : f32
    %gt3A_48 = vector.broadcast %gt3A : f32 to vector<80x50xf32>
    %gt3A_49 = arith.cmpf ogt, %scan3A_46#1, %gt3A_48 : vector<80x50xf32>
    %convert_element_type3A = arith.extui %gt3A_49 : vector<80x50xi1> to vector<80x50xi32>
    %reduce_sum3A = arith.constant dense<0> : vector<80xi32>
    %reduce_sum3A_50 = vector.multi_reduction <add>, %convert_element_type3A, %reduce_sum3A [1] : vector<80x50xi32> to vector<80xi32>
    %broadcast_in_dim3A_51 = vector.shape_cast %reduce_sum3A_50 : vector<80xi32> to vector<80x1xi32>
    %get3A_52 = arith.constant 0 : index
    %get3A_53 = arith.constant 0 : index
    %get3A_54 = vector.load %arg2[%get3A_52, %get3A_53] : memref<80x272xf32, #tpu.memory_space<vmem>>, vector<80x1xf32>
    %gt3A_55 = arith.constant 1.000000e+00 : f32
    %gt3A_56 = vector.broadcast %gt3A_55 : f32 to vector<80x1xf32>
    %gt3A_57 = arith.cmpf ogt, %get3A_54, %gt3A_56 : vector<80x1xf32>
    %lt3A = arith.constant 50 : i32
    %lt3A_58 = vector.broadcast %lt3A : i32 to vector<80x1xi32>
    %lt3A_59 = arith.cmpi slt, %broadcast_in_dim3A_51, %lt3A_58 : vector<80x1xi32>
    %or3A = arith.ori %lt3A_59, %gt3A_57 : vector<80x1xi1>
    %reduce_or3A = arith.constant 1.000000e+00 : f32
    %reduce_or3A_60 = arith.constant 0.000000e+00 : f32
    %reduce_or3A_61 = vector.broadcast %reduce_or3A : f32 to vector<80x1xf32>
    %reduce_or3A_62 = vector.broadcast %reduce_or3A_60 : f32 to vector<80x1xf32>
    %reduce_or3A_63 = arith.select %or3A, %reduce_or3A_61, %reduce_or3A_62 : vector<80x1xi1>, vector<80x1xf32>
    %reduce_or3A_64 = vector.shape_cast %reduce_or3A_63 : vector<80x1xf32> to vector<1x80x1xf32>
    %reduce_or3A_65 = arith.constant dense<0xFF800000> : vector<1xf32>
    %reduce_or3A_66 = vector.multi_reduction <maximumf>, %reduce_or3A_64, %reduce_or3A_65 [1, 2] : vector<1x80x1xf32> to vector<1xf32>
    %reduce_or3A_67 = vector.shape_cast %reduce_or3A_66 : vector<1xf32> to vector<1x1x1xf32>
    %reduce_or3A_68 = vector.extract %reduce_or3A_67[0, 0, 0] : f32 from vector<1x1x1xf32>
    %reduce_or3A_69 = arith.constant 0.000000e+00 : f32
    %reduce_or3A_70 = arith.cmpf ogt, %reduce_or3A_68, %reduce_or3A_69 : f32
    %convert_element_type3A_71 = arith.extui %reduce_or3A_70 : i1 to i32
    %cond3A = arith.constant 0 : i32
    %cond3A_72 = arith.cmpi ne, %convert_element_type3A_71, %cond3A : i32
    %cond3A_73:5 = scf.if %cond3A_72 -> (vector<80x50xf32>, vector<80x50xf32>, vector<80x50xf32>, vector<80x50xf32>, vector<80x50xf32>) {
      %get3A_174 = arith.constant 0 : index
      %get3A_175 = arith.constant 0 : index
      %get3A_176 = vector.load %arg0[%get3A_174, %get3A_175] : memref<4x5120xf32, #tpu.memory_space<vmem>>, vector<1x5120xf32>
      %get3A_177 = arith.constant 1 : index
      %get3A_178 = arith.constant 0 : index
      %get3A_179 = vector.load %arg0[%get3A_177, %get3A_178] : memref<4x5120xf32, #tpu.memory_space<vmem>>, vector<1x5120xf32>
      %get3A_180 = arith.constant 2 : index
      %get3A_181 = arith.constant 0 : index
      %get3A_182 = vector.load %arg0[%get3A_180, %get3A_181] : memref<4x5120xf32, #tpu.memory_space<vmem>>, vector<1x5120xf32>
      %get3A_183 = arith.constant 3 : index
      %get3A_184 = arith.constant 0 : index
      %get3A_185 = vector.load %arg0[%get3A_183, %get3A_184] : memref<4x5120xf32, #tpu.memory_space<vmem>>, vector<1x5120xf32>
      %div3A_186 = arith.constant 2.000000e+00 : f32
      %div3A_187 = vector.broadcast %div3A_186 : f32 to vector<1x5120xf32>
      %div3A_188 = arith.divf %get3A_185, %div3A_187 : vector<1x5120xf32>
      %div3A_189 = arith.constant 2.000000e+00 : f32
      %div3A_190 = vector.broadcast %div3A_189 : f32 to vector<1x5120xf32>
      %div3A_191 = arith.divf %get3A_182, %div3A_190 : vector<1x5120xf32>
      %sub3A_192 = arith.subf %get3A_179, %div3A_188 : vector<1x5120xf32>
      %div3A_193 = arith.constant 2.560000e+02 : f32
      %div3A_194 = vector.broadcast %div3A_193 : f32 to vector<1x5120xf32>
      %div3A_195 = arith.divf %sub3A_192, %div3A_194 : vector<1x5120xf32>
      %sub3A_196 = arith.subf %get3A_176, %div3A_191 : vector<1x5120xf32>
      %div3A_197 = arith.constant 2.560000e+02 : f32
      %div3A_198 = vector.broadcast %div3A_197 : f32 to vector<1x5120xf32>
      %div3A_199 = arith.divf %sub3A_196, %div3A_198 : vector<1x5120xf32>
      %add3A_200 = arith.addf %get3A_179, %div3A_188 : vector<1x5120xf32>
      %div3A_201 = arith.constant 2.560000e+02 : f32
      %div3A_202 = vector.broadcast %div3A_201 : f32 to vector<1x5120xf32>
      %div3A_203 = arith.divf %add3A_200, %div3A_202 : vector<1x5120xf32>
      %add3A_204 = arith.addf %get3A_176, %div3A_191 : vector<1x5120xf32>
      %div3A_205 = arith.constant 2.560000e+02 : f32
      %div3A_206 = vector.broadcast %div3A_205 : f32 to vector<1x5120xf32>
      %div3A_207 = arith.divf %add3A_204, %div3A_206 : vector<1x5120xf32>
      %sub3A_208 = arith.subf %div3A_203, %div3A_195 : vector<1x5120xf32>
      %sub3A_209 = arith.subf %div3A_207, %div3A_199 : vector<1x5120xf32>
      %mul3A_210 = arith.mulf %sub3A_208, %sub3A_209 : vector<1x5120xf32>
      %get3A_211 = arith.constant 0 : index
      %get3A_212 = arith.constant 0 : index
      %get3A_213 = vector.load %arg1[%get3A_211, %get3A_212] : memref<80x5120xf32, #tpu.memory_space<vmem>>, vector<80x5120xf32>
      %ge3A_214 = arith.constant 4.000000e-01 : f32
      %ge3A_215 = vector.broadcast %ge3A_214 : f32 to vector<80x5120xf32>
      %ge3A_216 = arith.cmpf oge, %get3A_213, %ge3A_215 : vector<80x5120xf32>
      %get3A_217 = arith.constant 0 : index
      %get3A_218 = arith.constant 0 : index
      %get3A_219 = vector.load %arg1[%get3A_217, %get3A_218] : memref<80x5120xf32, #tpu.memory_space<vmem>>, vector<80x5120xf32>
      %jit3A_220 = arith.constant -1.000000e+00 : f32
      %broadcast_in_dim3A_221 = vector.broadcast %jit3A_220 : f32 to vector<80x5120xf32>
      %select_n3A_222 = arith.select %ge3A_216, %get3A_219, %broadcast_in_dim3A_221 : vector<80x5120xi1>, vector<80x5120xf32>
      %iota3A_223 = tpu.iota {dimensions = array<i32: 1>} : vector<80x5120xi32>
      %iota3A_224 = tpu.iota {dimensions = array<i32: 1>} : vector<80x50xi32>
      %broadcast_in_dim3A_225 = arith.constant 0.000000e+00 : f32
      %broadcast_in_dim3A_226 = vector.broadcast %broadcast_in_dim3A_225 : f32 to vector<80x50xf32>
      %broadcast_in_dim3A_227 = arith.constant -1.000000e+00 : f32
      %broadcast_in_dim3A_228 = vector.broadcast %broadcast_in_dim3A_227 : f32 to vector<80x50xf32>
      %scan3A_229 = arith.constant 0x7F800000 : f32
      %scan3A_230 = arith.constant 0 : i32
      %scan3A_231 = arith.constant 50 : i32
      %scan3A_232 = arith.addi %scan3A_230, %scan3A_231 : i32
      %scan3A_233 = arith.constant 1 : i32
      %scan3A_234:6 = scf.for %scan3A_236 = %scan3A_230 to %scan3A_232 step %scan3A_233 iter_args(%scan3A_237 = %select_n3A_222, %scan3A_238 = %broadcast_in_dim3A_228, %scan3A_239 = %broadcast_in_dim3A_226, %scan3A_240 = %broadcast_in_dim3A_226, %scan3A_241 = %broadcast_in_dim3A_226, %scan3A_242 = %broadcast_in_dim3A_226) -> (vector<80x5120xf32>, vector<80x50xf32>, vector<80x50xf32>, vector<80x50xf32>, vector<80x50xf32>, vector<80x50xf32>)  : i32 {
        %reduce_max3A = arith.constant dense<0xFF800000> : vector<80xf32>
        %reduce_max3A_243 = vector.multi_reduction <maximumf>, %scan3A_237, %reduce_max3A [1] : vector<80x5120xf32> to vector<80xf32>
        %broadcast_in_dim3A_244 = vector.shape_cast %reduce_max3A_243 : vector<80xf32> to vector<80x1xf32>
        %eq3A = vector.broadcast %broadcast_in_dim3A_244 : vector<80x1xf32> to vector<80x5120xf32>
        %eq3A_245 = arith.cmpf oeq, %scan3A_237, %eq3A : vector<80x5120xf32>
        %jit3A_246 = arith.constant 5120 : i32
        %broadcast_in_dim3A_247 = vector.broadcast %jit3A_246 : i32 to vector<80x5120xi32>
        %select_n3A_248 = arith.select %eq3A_245, %iota3A_223, %broadcast_in_dim3A_247 : vector<80x5120xi1>, vector<80x5120xi32>
        %reduce_min3A = arith.constant dense<2147483647> : vector<80xi32>
        %reduce_min3A_249 = vector.multi_reduction <minsi>, %select_n3A_248, %reduce_min3A [1] : vector<80x5120xi32> to vector<80xi32>
        %broadcast_in_dim3A_250 = vector.shape_cast %reduce_min3A_249 : vector<80xi32> to vector<80x1xi32>
        %eq3A_251 = vector.broadcast %broadcast_in_dim3A_250 : vector<80x1xi32> to vector<80x5120xi32>
        %eq3A_252 = arith.cmpi eq, %iota3A_223, %eq3A_251 : vector<80x5120xi32>
        %jit3A_253 = arith.constant 0.000000e+00 : f32
        %broadcast_in_dim3A_254 = vector.shape_cast %div3A_195 : vector<1x5120xf32> to vector<1x5120xf32>
        %broadcast_in_dim3A_255 = vector.broadcast %broadcast_in_dim3A_254 : vector<1x5120xf32> to vector<80x5120xf32>
        %broadcast_in_dim3A_256 = vector.broadcast %jit3A_253 : f32 to vector<80x5120xf32>
        %select_n3A_257 = arith.select %eq3A_252, %broadcast_in_dim3A_255, %broadcast_in_dim3A_256 : vector<80x5120xi1>, vector<80x5120xf32>
        %reduce_sum3A_258 = arith.constant dense<0.000000e+00> : vector<80xf32>
        %reduce_sum3A_259 = vector.multi_reduction <add>, %select_n3A_257, %reduce_sum3A_258 [1] : vector<80x5120xf32> to vector<80xf32>
        %broadcast_in_dim3A_260 = vector.shape_cast %reduce_sum3A_259 : vector<80xf32> to vector<80x1xf32>
        %jit3A_261 = arith.constant 0.000000e+00 : f32
        %broadcast_in_dim3A_262 = vector.shape_cast %div3A_199 : vector<1x5120xf32> to vector<1x5120xf32>
        %broadcast_in_dim3A_263 = vector.broadcast %broadcast_in_dim3A_262 : vector<1x5120xf32> to vector<80x5120xf32>
        %broadcast_in_dim3A_264 = vector.broadcast %jit3A_261 : f32 to vector<80x5120xf32>
        %select_n3A_265 = arith.select %eq3A_252, %broadcast_in_dim3A_263, %broadcast_in_dim3A_264 : vector<80x5120xi1>, vector<80x5120xf32>
        %reduce_sum3A_266 = arith.constant dense<0.000000e+00> : vector<80xf32>
        %reduce_sum3A_267 = vector.multi_reduction <add>, %select_n3A_265, %reduce_sum3A_266 [1] : vector<80x5120xf32> to vector<80xf32>
        %broadcast_in_dim3A_268 = vector.shape_cast %reduce_sum3A_267 : vector<80xf32> to vector<80x1xf32>
        %jit3A_269 = arith.constant 0.000000e+00 : f32
        %broadcast_in_dim3A_270 = vector.shape_cast %div3A_203 : vector<1x5120xf32> to vector<1x5120xf32>
        %broadcast_in_dim3A_271 = vector.broadcast %broadcast_in_dim3A_270 : vector<1x5120xf32> to vector<80x5120xf32>
        %broadcast_in_dim3A_272 = vector.broadcast %jit3A_269 : f32 to vector<80x5120xf32>
        %select_n3A_273 = arith.select %eq3A_252, %broadcast_in_dim3A_271, %broadcast_in_dim3A_272 : vector<80x5120xi1>, vector<80x5120xf32>
        %reduce_sum3A_274 = arith.constant dense<0.000000e+00> : vector<80xf32>
        %reduce_sum3A_275 = vector.multi_reduction <add>, %select_n3A_273, %reduce_sum3A_274 [1] : vector<80x5120xf32> to vector<80xf32>
        %broadcast_in_dim3A_276 = vector.shape_cast %reduce_sum3A_275 : vector<80xf32> to vector<80x1xf32>
        %jit3A_277 = arith.constant 0.000000e+00 : f32
        %broadcast_in_dim3A_278 = vector.shape_cast %div3A_207 : vector<1x5120xf32> to vector<1x5120xf32>
        %broadcast_in_dim3A_279 = vector.broadcast %broadcast_in_dim3A_278 : vector<1x5120xf32> to vector<80x5120xf32>
        %broadcast_in_dim3A_280 = vector.broadcast %jit3A_277 : f32 to vector<80x5120xf32>
        %select_n3A_281 = arith.select %eq3A_252, %broadcast_in_dim3A_279, %broadcast_in_dim3A_280 : vector<80x5120xi1>, vector<80x5120xf32>
        %reduce_sum3A_282 = arith.constant dense<0.000000e+00> : vector<80xf32>
        %reduce_sum3A_283 = vector.multi_reduction <add>, %select_n3A_281, %reduce_sum3A_282 [1] : vector<80x5120xf32> to vector<80xf32>
        %broadcast_in_dim3A_284 = vector.shape_cast %reduce_sum3A_283 : vector<80xf32> to vector<80x1xf32>
        %max3A = vector.broadcast %broadcast_in_dim3A_260 : vector<80x1xf32> to vector<80x5120xf32>
        %max3A_285 = vector.broadcast %div3A_195 : vector<1x5120xf32> to vector<80x5120xf32>
        %max3A_286 = arith.maximumf %max3A, %max3A_285 : vector<80x5120xf32>
        %max3A_287 = vector.broadcast %broadcast_in_dim3A_268 : vector<80x1xf32> to vector<80x5120xf32>
        %max3A_288 = vector.broadcast %div3A_199 : vector<1x5120xf32> to vector<80x5120xf32>
        %max3A_289 = arith.maximumf %max3A_287, %max3A_288 : vector<80x5120xf32>
        %min3A = vector.broadcast %broadcast_in_dim3A_276 : vector<80x1xf32> to vector<80x5120xf32>
        %min3A_290 = vector.broadcast %div3A_203 : vector<1x5120xf32> to vector<80x5120xf32>
        %min3A_291 = arith.minimumf %min3A, %min3A_290 : vector<80x5120xf32>
        %min3A_292 = vector.broadcast %broadcast_in_dim3A_284 : vector<80x1xf32> to vector<80x5120xf32>
        %min3A_293 = vector.broadcast %div3A_207 : vector<1x5120xf32> to vector<80x5120xf32>
        %min3A_294 = arith.minimumf %min3A_292, %min3A_293 : vector<80x5120xf32>
        %sub3A_295 = arith.subf %min3A_291, %max3A_286 : vector<80x5120xf32>
        %jit3A_296 = arith.constant 0.000000e+00 : f32
        %max3A_297 = vector.broadcast %jit3A_296 : f32 to vector<80x5120xf32>
        %max3A_298 = arith.maximumf %max3A_297, %sub3A_295 : vector<80x5120xf32>
        %sub3A_299 = arith.subf %min3A_294, %max3A_289 : vector<80x5120xf32>
        %jit3A_300 = arith.constant 0.000000e+00 : f32
        %max3A_301 = vector.broadcast %jit3A_300 : f32 to vector<80x5120xf32>
        %max3A_302 = arith.maximumf %max3A_301, %sub3A_299 : vector<80x5120xf32>
        %mul3A_303 = arith.mulf %max3A_298, %max3A_302 : vector<80x5120xf32>
        %sub3A_304 = arith.subf %broadcast_in_dim3A_276, %broadcast_in_dim3A_260 : vector<80x1xf32>
        %sub3A_305 = arith.subf %broadcast_in_dim3A_284, %broadcast_in_dim3A_268 : vector<80x1xf32>
        %mul3A_306 = arith.mulf %sub3A_304, %sub3A_305 : vector<80x1xf32>
        %add3A_307 = vector.broadcast %mul3A_306 : vector<80x1xf32> to vector<80x5120xf32>
        %add3A_308 = vector.broadcast %mul3A_210 : vector<1x5120xf32> to vector<80x5120xf32>
        %add3A_309 = arith.addf %add3A_307, %add3A_308 : vector<80x5120xf32>
        %sub3A_310 = arith.subf %add3A_309, %mul3A_303 : vector<80x5120xf32>
        %add3A_311 = arith.constant 9.99999993E-9 : f32
        %add3A_312 = vector.broadcast %add3A_311 : f32 to vector<80x5120xf32>
        %add3A_313 = arith.addf %sub3A_310, %add3A_312 : vector<80x5120xf32>
        %div3A_314 = arith.divf %mul3A_303, %add3A_313 : vector<80x5120xf32>
        %gt3A_315 = arith.constant 0.000000e+00 : f32
        %gt3A_316 = vector.broadcast %gt3A_315 : f32 to vector<80x1xf32>
        %gt3A_317 = arith.cmpf ogt, %broadcast_in_dim3A_244, %gt3A_316 : vector<80x1xf32>
        %jit3A_318 = arith.constant 4.500000e-01 : f32
        %broadcast_in_dim3A_319 = vector.broadcast %jit3A_318 : f32 to vector<80x1xf32>
        %broadcast_in_dim3A_320 = vector.broadcast %scan3A_229 : f32 to vector<80x1xf32>
        %select_n3A_321 = arith.select %gt3A_317, %broadcast_in_dim3A_319, %broadcast_in_dim3A_320 : vector<80x1xi1>, vector<80x1xf32>
        %gt3A_322 = vector.broadcast %select_n3A_321 : vector<80x1xf32> to vector<80x5120xf32>
        %gt3A_323 = arith.cmpf ogt, %div3A_314, %gt3A_322 : vector<80x5120xf32>
        %jit3A_324 = arith.constant -1.000000e+00 : f32
        %broadcast_in_dim3A_325 = vector.broadcast %jit3A_324 : f32 to vector<80x5120xf32>
        %select_n3A_326 = arith.select %gt3A_323, %broadcast_in_dim3A_325, %scan3A_237 : vector<80x5120xi1>, vector<80x5120xf32>
        %eq3A_327 = vector.broadcast %scan3A_236 : i32 to vector<80x50xi32>
        %eq3A_328 = arith.cmpi eq, %iota3A_224, %eq3A_327 : vector<80x50xi32>
        %broadcast_in_dim3A_329 = vector.shape_cast %broadcast_in_dim3A_244 : vector<80x1xf32> to vector<80x1xf32>
        %broadcast_in_dim3A_330 = vector.broadcast %broadcast_in_dim3A_329 : vector<80x1xf32> to vector<80x50xf32>
        %select_n3A_331 = arith.select %eq3A_328, %broadcast_in_dim3A_330, %scan3A_238 : vector<80x50xi1>, vector<80x50xf32>
        %broadcast_in_dim3A_332 = vector.shape_cast %broadcast_in_dim3A_260 : vector<80x1xf32> to vector<80x1xf32>
        %broadcast_in_dim3A_333 = vector.broadcast %broadcast_in_dim3A_332 : vector<80x1xf32> to vector<80x50xf32>
        %select_n3A_334 = arith.select %eq3A_328, %broadcast_in_dim3A_333, %scan3A_239 : vector<80x50xi1>, vector<80x50xf32>
        %broadcast_in_dim3A_335 = vector.shape_cast %broadcast_in_dim3A_268 : vector<80x1xf32> to vector<80x1xf32>
        %broadcast_in_dim3A_336 = vector.broadcast %broadcast_in_dim3A_335 : vector<80x1xf32> to vector<80x50xf32>
        %select_n3A_337 = arith.select %eq3A_328, %broadcast_in_dim3A_336, %scan3A_240 : vector<80x50xi1>, vector<80x50xf32>
        %broadcast_in_dim3A_338 = vector.shape_cast %broadcast_in_dim3A_276 : vector<80x1xf32> to vector<80x1xf32>
        %broadcast_in_dim3A_339 = vector.broadcast %broadcast_in_dim3A_338 : vector<80x1xf32> to vector<80x50xf32>
        %select_n3A_340 = arith.select %eq3A_328, %broadcast_in_dim3A_339, %scan3A_241 : vector<80x50xi1>, vector<80x50xf32>
        %broadcast_in_dim3A_341 = vector.shape_cast %broadcast_in_dim3A_284 : vector<80x1xf32> to vector<80x1xf32>
        %broadcast_in_dim3A_342 = vector.broadcast %broadcast_in_dim3A_341 : vector<80x1xf32> to vector<80x50xf32>
        %select_n3A_343 = arith.select %eq3A_328, %broadcast_in_dim3A_342, %scan3A_242 : vector<80x50xi1>, vector<80x50xf32>
        scf.yield %select_n3A_326, %select_n3A_331, %select_n3A_334, %select_n3A_337, %select_n3A_340, %select_n3A_343 : vector<80x5120xf32>, vector<80x50xf32>, vector<80x50xf32>, vector<80x50xf32>, vector<80x50xf32>, vector<80x50xf32>
      }
      %scan3A_235 = arith.constant 50 : i32
      scf.yield %scan3A_234#1, %scan3A_234#2, %scan3A_234#3, %scan3A_234#4, %scan3A_234#5 : vector<80x50xf32>, vector<80x50xf32>, vector<80x50xf32>, vector<80x50xf32>, vector<80x50xf32>
    } else {
      scf.yield %scan3A_46#1, %scan3A_46#2, %scan3A_46#3, %scan3A_46#4, %scan3A_46#5 : vector<80x50xf32>, vector<80x50xf32>, vector<80x50xf32>, vector<80x50xf32>, vector<80x50xf32>
    }
    %iota3A_74 = tpu.iota {dimensions = array<i32: 1>} : vector<80x50xi32>
    %iota3A_75 = tpu.iota {dimensions = array<i32: 0>} : vector<80x50xi32>
    %mul3A_76 = arith.constant 64 : i32
    %mul3A_77 = vector.broadcast %mul3A_76 : i32 to vector<80x50xi32>
    %mul3A_78 = arith.muli %iota3A_75, %mul3A_77 : vector<80x50xi32>
    %add3A_79 = arith.addi %mul3A_78, %iota3A_74 : vector<80x50xi32>
    %iota3A_80 = tpu.iota {dimensions = array<i32: 0>} : vector<50x80xi32>
    %iota3A_81 = tpu.iota {dimensions = array<i32: 1>} : vector<50x80xi32>
    %iota3A_82 = tpu.iota {dimensions = array<i32: 0>} : vector<50x50xi32>
    %iota3A_83 = tpu.iota {dimensions = array<i32: 1>} : vector<50x50xi32>
    %broadcast_in_dim3A_84 = arith.constant 0.000000e+00 : f32
    %broadcast_in_dim3A_85 = vector.broadcast %broadcast_in_dim3A_84 : f32 to vector<50x80xf32>
    %broadcast_in_dim3A_86 = arith.constant 0.000000e+00 : f32
    %broadcast_in_dim3A_87 = vector.broadcast %broadcast_in_dim3A_86 : f32 to vector<50x50xf32>
    %scan3A_88 = arith.constant 0 : i32
    %scan3A_89 = arith.constant 50 : i32
    %scan3A_90 = arith.addi %scan3A_88, %scan3A_89 : i32
    %scan3A_91 = arith.constant 1 : i32
    %scan3A_92:3 = scf.for %scan3A_174 = %scan3A_88 to %scan3A_90 step %scan3A_91 iter_args(%scan3A_175 = %cond3A_73#0, %scan3A_176 = %broadcast_in_dim3A_85, %scan3A_177 = %broadcast_in_dim3A_87) -> (vector<80x50xf32>, vector<50x80xf32>, vector<50x50xf32>)  : i32 {
      %reduce_max3A = vector.shape_cast %scan3A_175 : vector<80x50xf32> to vector<1x80x50xf32>
      %reduce_max3A_178 = arith.constant dense<0xFF800000> : vector<1xf32>
      %reduce_max3A_179 = vector.multi_reduction <maximumf>, %reduce_max3A, %reduce_max3A_178 [1, 2] : vector<1x80x50xf32> to vector<1xf32>
      %reduce_max3A_180 = vector.shape_cast %reduce_max3A_179 : vector<1xf32> to vector<1x1x1xf32>
      %reduce_max3A_181 = vector.extract %reduce_max3A_180[0, 0, 0] : f32 from vector<1x1x1xf32>
      %eq3A = vector.broadcast %reduce_max3A_181 : f32 to vector<80x50xf32>
      %eq3A_182 = arith.cmpf oeq, %scan3A_175, %eq3A : vector<80x50xf32>
      %jit3A_183 = arith.constant 5120 : i32
      %broadcast_in_dim3A_184 = vector.broadcast %jit3A_183 : i32 to vector<80x50xi32>
      %select_n3A_185 = arith.select %eq3A_182, %add3A_79, %broadcast_in_dim3A_184 : vector<80x50xi1>, vector<80x50xi32>
      %reduce_min3A = vector.shape_cast %select_n3A_185 : vector<80x50xi32> to vector<1x80x50xi32>
      %reduce_min3A_186 = arith.constant dense<2147483647> : vector<1xi32>
      %reduce_min3A_187 = vector.multi_reduction <minsi>, %reduce_min3A, %reduce_min3A_186 [1, 2] : vector<1x80x50xi32> to vector<1xi32>
      %reduce_min3A_188 = vector.shape_cast %reduce_min3A_187 : vector<1xi32> to vector<1x1x1xi32>
      %reduce_min3A_189 = vector.extract %reduce_min3A_188[0, 0, 0] : i32 from vector<1x1x1xi32>
      %shift_right_logical3A = arith.constant 6 : i32
      %shift_right_logical3A_190 = arith.shrui %reduce_min3A_189, %shift_right_logical3A : i32
      %and3A = arith.constant 63 : i32
      %and3A_191 = arith.andi %reduce_min3A_189, %and3A : i32
      %eq3A_192 = vector.broadcast %reduce_min3A_189 : i32 to vector<80x50xi32>
      %eq3A_193 = arith.cmpi eq, %add3A_79, %eq3A_192 : vector<80x50xi32>
      %jit3A_194 = arith.constant -2.000000e+00 : f32
      %broadcast_in_dim3A_195 = vector.broadcast %jit3A_194 : f32 to vector<80x50xf32>
      %select_n3A_196 = arith.select %eq3A_193, %broadcast_in_dim3A_195, %scan3A_175 : vector<80x50xi1>, vector<80x50xf32>
      %eq3A_197 = vector.broadcast %scan3A_174 : i32 to vector<50x80xi32>
      %eq3A_198 = arith.cmpi eq, %iota3A_80, %eq3A_197 : vector<50x80xi32>
      %eq3A_199 = vector.broadcast %shift_right_logical3A_190 : i32 to vector<50x80xi32>
      %eq3A_200 = arith.cmpi eq, %iota3A_81, %eq3A_199 : vector<50x80xi32>
      %and3A_201 = arith.andi %eq3A_198, %eq3A_200 : vector<50x80xi1>
      %jit3A_202 = arith.constant 1.000000e+00 : f32
      %broadcast_in_dim3A_203 = vector.broadcast %jit3A_202 : f32 to vector<50x80xf32>
      %select_n3A_204 = arith.select %and3A_201, %broadcast_in_dim3A_203, %scan3A_176 : vector<50x80xi1>, vector<50x80xf32>
      %eq3A_205 = vector.broadcast %scan3A_174 : i32 to vector<50x50xi32>
      %eq3A_206 = arith.cmpi eq, %iota3A_82, %eq3A_205 : vector<50x50xi32>
      %eq3A_207 = vector.broadcast %and3A_191 : i32 to vector<50x50xi32>
      %eq3A_208 = arith.cmpi eq, %iota3A_83, %eq3A_207 : vector<50x50xi32>
      %and3A_209 = arith.andi %eq3A_206, %eq3A_208 : vector<50x50xi1>
      %jit3A_210 = arith.constant 1.000000e+00 : f32
      %broadcast_in_dim3A_211 = vector.broadcast %jit3A_210 : f32 to vector<50x50xf32>
      %select_n3A_212 = arith.select %and3A_209, %broadcast_in_dim3A_211, %scan3A_177 : vector<50x50xi1>, vector<50x50xf32>
      scf.yield %select_n3A_196, %select_n3A_204, %select_n3A_212 : vector<80x50xf32>, vector<50x80xf32>, vector<50x50xf32>
    }
    %scan3A_93 = arith.constant 50 : i32
    %dot_general3A = arith.constant dense<0.000000e+00> : vector<50x50xf32>
    %dot_general3A_94 = tpu.matmul %scan3A_92#1, %cond3A_73#0, %dot_general3A {dimension_numbers = #tpu.dot_dimension_numbers<[1], [0], [0], [1], [0, 0, 1, 1], [], []>, precision = #tpu.contract_precision<fp32>, transpose_lhs_hint = false} : vector<50x80xf32>, vector<80x50xf32>, vector<50x50xf32> -> vector<50x50xf32>
    %mul3A_95 = arith.mulf %dot_general3A_94, %scan3A_92#2 : vector<50x50xf32>
    %reduce_sum3A_96 = arith.constant dense<0.000000e+00> : vector<50xf32>
    %reduce_sum3A_97 = vector.multi_reduction <add>, %mul3A_95, %reduce_sum3A_96 [1] : vector<50x50xf32> to vector<50xf32>
    %broadcast_in_dim3A_98 = vector.shape_cast %reduce_sum3A_97 : vector<50xf32> to vector<50x1xf32>
    %ge3A_99 = arith.constant 4.000000e-01 : f32
    %ge3A_100 = vector.broadcast %ge3A_99 : f32 to vector<50x1xf32>
    %ge3A_101 = arith.cmpf oge, %broadcast_in_dim3A_98, %ge3A_100 : vector<50x1xf32>
    %convert_element_type3A_102 = arith.extui %ge3A_101 : vector<50x1xi1> to vector<50x1xi32>
    %reduce_sum3A_103 = arith.constant dense<0> : vector<1xi32>
    %reduce_sum3A_104 = vector.multi_reduction <add>, %convert_element_type3A_102, %reduce_sum3A_103 [0] : vector<50x1xi32> to vector<1xi32>
    %broadcast_in_dim3A_105 = vector.shape_cast %reduce_sum3A_104 : vector<1xi32> to vector<1x1xi32>
    %swap3A = arith.constant 0 : index
    %swap3A_106 = arith.constant 0 : index
    %swap3A_107 = vector.load %arg13[%swap3A, %swap3A_106] : memref<1x1xi32, #tpu.memory_space<vmem>>, vector<1x1xi32>
    tpu.vector_store %arg13[%swap3A, %swap3A_106], %broadcast_in_dim3A_105 {strides = array<i32>} : memref<1x1xi32, #tpu.memory_space<vmem>>, vector<1x1xi32>,
    %jit3A_108 = arith.constant 0.000000e+00 : f32
    %broadcast_in_dim3A_109 = vector.broadcast %jit3A_108 : f32 to vector<50x1xf32>
    %select_n3A_110 = arith.select %ge3A_101, %broadcast_in_dim3A_98, %broadcast_in_dim3A_109 : vector<50x1xi1>, vector<50x1xf32>
    %swap3A_111 = arith.constant 0 : index
    %swap3A_112 = arith.constant 0 : index
    %swap3A_113 = vector.load %arg7[%swap3A_111, %swap3A_112] : memref<50x1xf32, #tpu.memory_space<vmem>>, vector<50x1xf32>
    tpu.vector_store %arg7[%swap3A_111, %swap3A_112], %select_n3A_110 {strides = array<i32>} : memref<50x1xf32, #tpu.memory_space<vmem>>, vector<50x1xf32>,
    %iota3A_114 = tpu.iota {dimensions = array<i32: 1>} : vector<50x80xi32>
    %convert_element_type3A_115 = arith.sitofp %iota3A_114 : vector<50x80xi32> to vector<50x80xf32>
    %mul3A_116 = arith.mulf %scan3A_92#1, %convert_element_type3A_115 : vector<50x80xf32>
    %reduce_sum3A_117 = arith.constant dense<0.000000e+00> : vector<50xf32>
    %reduce_sum3A_118 = vector.multi_reduction <add>, %mul3A_116, %reduce_sum3A_117 [1] : vector<50x80xf32> to vector<50xf32>
    %broadcast_in_dim3A_119 = vector.shape_cast %reduce_sum3A_118 : vector<50xf32> to vector<50x1xf32>
    %jit3A_120 = arith.constant 0.000000e+00 : f32
    %broadcast_in_dim3A_121 = vector.broadcast %jit3A_120 : f32 to vector<50x1xf32>
    %select_n3A_122 = arith.select %ge3A_101, %broadcast_in_dim3A_119, %broadcast_in_dim3A_121 : vector<50x1xi1>, vector<50x1xf32>
    %swap3A_123 = arith.constant 0 : index
    %swap3A_124 = arith.constant 0 : index
    %swap3A_125 = vector.load %arg8[%swap3A_123, %swap3A_124] : memref<50x1xf32, #tpu.memory_space<vmem>>, vector<50x1xf32>
    tpu.vector_store %arg8[%swap3A_123, %swap3A_124], %select_n3A_122 {strides = array<i32>} : memref<50x1xf32, #tpu.memory_space<vmem>>, vector<50x1xf32>,
    %dot_general3A_126 = arith.constant dense<0.000000e+00> : vector<50x50xf32>
    %dot_general3A_127 = tpu.matmul %scan3A_92#1, %cond3A_73#1, %dot_general3A_126 {dimension_numbers = #tpu.dot_dimension_numbers<[1], [0], [0], [1], [0, 0, 1, 1], [], []>, precision = #tpu.contract_precision<fp32>, transpose_lhs_hint = false} : vector<50x80xf32>, vector<80x50xf32>, vector<50x50xf32> -> vector<50x50xf32>
    %mul3A_128 = arith.mulf %dot_general3A_127, %scan3A_92#2 : vector<50x50xf32>
    %reduce_sum3A_129 = arith.constant dense<0.000000e+00> : vector<50xf32>
    %reduce_sum3A_130 = vector.multi_reduction <add>, %mul3A_128, %reduce_sum3A_129 [1] : vector<50x50xf32> to vector<50xf32>
    %broadcast_in_dim3A_131 = vector.shape_cast %reduce_sum3A_130 : vector<50xf32> to vector<50x1xf32>
    %jit3A_132 = arith.constant 0.000000e+00 : f32
    %broadcast_in_dim3A_133 = vector.broadcast %jit3A_132 : f32 to vector<50x1xf32>
    %select_n3A_134 = arith.select %ge3A_101, %broadcast_in_dim3A_131, %broadcast_in_dim3A_133 : vector<50x1xi1>, vector<50x1xf32>
    %swap3A_135 = arith.constant 0 : index
    %swap3A_136 = arith.constant 0 : index
    %swap3A_137 = vector.load %arg9[%swap3A_135, %swap3A_136] : memref<50x1xf32, #tpu.memory_space<vmem>>, vector<50x1xf32>
    tpu.vector_store %arg9[%swap3A_135, %swap3A_136], %select_n3A_134 {strides = array<i32>} : memref<50x1xf32, #tpu.memory_space<vmem>>, vector<50x1xf32>,
    %dot_general3A_138 = arith.constant dense<0.000000e+00> : vector<50x50xf32>
    %dot_general3A_139 = tpu.matmul %scan3A_92#1, %cond3A_73#2, %dot_general3A_138 {dimension_numbers = #tpu.dot_dimension_numbers<[1], [0], [0], [1], [0, 0, 1, 1], [], []>, precision = #tpu.contract_precision<fp32>, transpose_lhs_hint = false} : vector<50x80xf32>, vector<80x50xf32>, vector<50x50xf32> -> vector<50x50xf32>
    %mul3A_140 = arith.mulf %dot_general3A_139, %scan3A_92#2 : vector<50x50xf32>
    %reduce_sum3A_141 = arith.constant dense<0.000000e+00> : vector<50xf32>
    %reduce_sum3A_142 = vector.multi_reduction <add>, %mul3A_140, %reduce_sum3A_141 [1] : vector<50x50xf32> to vector<50xf32>
    %broadcast_in_dim3A_143 = vector.shape_cast %reduce_sum3A_142 : vector<50xf32> to vector<50x1xf32>
    %jit3A_144 = arith.constant 0.000000e+00 : f32
    %broadcast_in_dim3A_145 = vector.broadcast %jit3A_144 : f32 to vector<50x1xf32>
    %select_n3A_146 = arith.select %ge3A_101, %broadcast_in_dim3A_143, %broadcast_in_dim3A_145 : vector<50x1xi1>, vector<50x1xf32>
    %swap3A_147 = arith.constant 0 : index
    %swap3A_148 = arith.constant 0 : index
    %swap3A_149 = vector.load %arg10[%swap3A_147, %swap3A_148] : memref<50x1xf32, #tpu.memory_space<vmem>>, vector<50x1xf32>
    tpu.vector_store %arg10[%swap3A_147, %swap3A_148], %select_n3A_146 {strides = array<i32>} : memref<50x1xf32, #tpu.memory_space<vmem>>, vector<50x1xf32>,
    %dot_general3A_150 = arith.constant dense<0.000000e+00> : vector<50x50xf32>
    %dot_general3A_151 = tpu.matmul %scan3A_92#1, %cond3A_73#3, %dot_general3A_150 {dimension_numbers = #tpu.dot_dimension_numbers<[1], [0], [0], [1], [0, 0, 1, 1], [], []>, precision = #tpu.contract_precision<fp32>, transpose_lhs_hint = false} : vector<50x80xf32>, vector<80x50xf32>, vector<50x50xf32> -> vector<50x50xf32>
    %mul3A_152 = arith.mulf %dot_general3A_151, %scan3A_92#2 : vector<50x50xf32>
    %reduce_sum3A_153 = arith.constant dense<0.000000e+00> : vector<50xf32>
    %reduce_sum3A_154 = vector.multi_reduction <add>, %mul3A_152, %reduce_sum3A_153 [1] : vector<50x50xf32> to vector<50xf32>
    %broadcast_in_dim3A_155 = vector.shape_cast %reduce_sum3A_154 : vector<50xf32> to vector<50x1xf32>
    %jit3A_156 = arith.constant 0.000000e+00 : f32
    %broadcast_in_dim3A_157 = vector.broadcast %jit3A_156 : f32 to vector<50x1xf32>
    %select_n3A_158 = arith.select %ge3A_101, %broadcast_in_dim3A_155, %broadcast_in_dim3A_157 : vector<50x1xi1>, vector<50x1xf32>
    %swap3A_159 = arith.constant 0 : index
    %swap3A_160 = arith.constant 0 : index
    %swap3A_161 = vector.load %arg11[%swap3A_159, %swap3A_160] : memref<50x1xf32, #tpu.memory_space<vmem>>, vector<50x1xf32>
    tpu.vector_store %arg11[%swap3A_159, %swap3A_160], %select_n3A_158 {strides = array<i32>} : memref<50x1xf32, #tpu.memory_space<vmem>>, vector<50x1xf32>,
    %dot_general3A_162 = arith.constant dense<0.000000e+00> : vector<50x50xf32>
    %dot_general3A_163 = tpu.matmul %scan3A_92#1, %cond3A_73#4, %dot_general3A_162 {dimension_numbers = #tpu.dot_dimension_numbers<[1], [0], [0], [1], [0, 0, 1, 1], [], []>, precision = #tpu.contract_precision<fp32>, transpose_lhs_hint = false} : vector<50x80xf32>, vector<80x50xf32>, vector<50x50xf32> -> vector<50x50xf32>
    %mul3A_164 = arith.mulf %dot_general3A_163, %scan3A_92#2 : vector<50x50xf32>
    %reduce_sum3A_165 = arith.constant dense<0.000000e+00> : vector<50xf32>
    %reduce_sum3A_166 = vector.multi_reduction <add>, %mul3A_164, %reduce_sum3A_165 [1] : vector<50x50xf32> to vector<50xf32>
    %broadcast_in_dim3A_167 = vector.shape_cast %reduce_sum3A_166 : vector<50xf32> to vector<50x1xf32>
    %jit3A_168 = arith.constant 0.000000e+00 : f32
    %broadcast_in_dim3A_169 = vector.broadcast %jit3A_168 : f32 to vector<50x1xf32>
    %select_n3A_170 = arith.select %ge3A_101, %broadcast_in_dim3A_167, %broadcast_in_dim3A_169 : vector<50x1xi1>, vector<50x1xf32>
    %swap3A_171 = arith.constant 0 : index
    %swap3A_172 = arith.constant 0 : index
    %swap3A_173 = vector.load %arg12[%swap3A_171, %swap3A_172] : memref<50x1xf32, #tpu.memory_space<vmem>>, vector<50x1xf32>
    tpu.vector_store %arg12[%swap3A_171, %swap3A_172], %select_n3A_170 {strides = array<i32>} : memref<50x1xf32, #tpu.memory_space<vmem>>, vector<50x1xf32>,
    return
  }
}

</mosaic_0001>

<sc_bundles>
// kernel: kernel.4.cloned.1.call-start
scs
__scs_entry_jumppad:
0x0: {  	(pc) =	sbr.rel $0x88, $3  }
0x1: {  	(tag) =	ssettag $0x0;
	lr =	simm.s32 $0x1  }
0x2: {  	[smem:$0x3F9F] =	sst lr;
	_ =	strace $0xD0000000  }
0x3: {  	_ = 	snop  }
0x4: {  	_ = 	snop  }
0x5: {  	_ = 	snop  }
0x6: {  	_ = 	snop  }
0x7: {  	_ = 	snop  }
__scs_overlays_trampoline_lowered:
0x8: {  	[smem:$0x3FAE] =	sst s0  }
0x9: {  	[smem:$0x3FAF] =	sst s1  }
0xa: {  	[smem:$0x3FB0] =	sst s2  }
0xb: {  	[smem:$0x3FB1] =	sst s3  }
0xc: {  	[smem:$0x3FB2] =	sst s4  }
0xd: {  	[smem:$0x3FB3] =	sst s5  }
0xe: {  	[smem:$0x3FB4] =	sst s6  }
0xf: {  	[smem:$0x3FB5] =	sst s7  }
0x10: {  	[smem:$0x3FB6] =	sst s8  }
0x11: {  	[smem:$0x3FB7] =	sst s9;
	s0 =	simm.s32 @!p0 $0x0  }
0x12: {  	s1 =	sld [smem:$0x3F9D];
	s0 =	simm.s32 @p0 $0x1  }
0x13: {  	[smem:$0x3FB8] =	sst s0;
	s0 =	simm.s32 @!p1 $0x0  }
0x14: {  	s2 =	sld [smem:$0x3F9C];
	s0 =	simm.s32 @p1 $0x1  }
0x15: {  	[smem:$0x3FB9] =	sst s0;
	s0 =	simm.s32 @!p2 $0x0  }
0x16: {  	s3 =	sld [smem:$0x3FDB];
	s0 =	simm.s32 @p2 $0x1  }
0x17: {  	s4 =	simm.s32 $0x1BF5;
	[smem:$0x3FBB] =	sst s0  }
0x18: {  	s0 =	sld [smem:$0x3F9E];
	_ =	swait.ge [sflag:s4], $0x0  }
0x19: {  	s7 =	sld [smem:$0x3F9F]  }
0x1a: {  	s8 =	sadd.s32 $0xFFFFE003, lr  }
0x1b: {  	s9 =	sadd.s32 $0xFFFFFEF7, lr;
	s5 =	simm.s32 $0xFFFFFFFF;
	p2 =	slt.u32 s8, $0xFFFFF086  }
0x1c: {  	p1 =	slt.u32 s9, $0xF7A;
	s5 =	simm.s32 @!p2 $0x0  }
0x1d: {  	s5 =	simm.s32 @p1 $0x1;
	p0 =	seq.s32 s7, s2  }
0x1e: {  	s7 =	smul.u32 @!p0 $0xF7A, s2;
	p2 =	seq.s32 @!p0 s5, $0x0  }
0x1f: {  	s9 =	smul.u32 $0xF7A, s1;
	s8 =	simm.s32 @!p0 $0x1BF5;
	p2 =	por !p2, p0  }
0x20: {  	[sflag:s8] =	ssyncset.s32 @!p0 $0xFFFFF086;
	s6 =	sadd.s32 @!p0 s3, s7;
	s7 =	simm.s32 @!p0 $0x108  }
0x21: {  	s3 =	sadd.s32 s3, s9;
	s6 =	sadd.s32 @!p0 $0x88, s6;
	s7 =	simm.s32 @p2 $0x1082  }
0x22: {  	[simem:s7], [sflag:s8] =	dma.local @!p0 [hbm:s6], $0xF7A  }
0x23: {  	s9 =	sor.u32 $0xD0000000, s2;
	s6 =	simm.s32 $0x108;
	_ =	swait.ge @!p0 [sflag:s8], $0x0  }
0x24: {  	s3 =	sadd.s32 $0x88, s3;
	s6 =	simm.s32 @!p1 $0x1082;
	[sflag:s4] =	ssyncset.s32 $0xFFFFF086  }
0x25: {  	[simem:s6], [sflag:s4] =	dma.local [hbm:s3], $0xF7A  }
0x26: {  	[smem:$0x3F9F] =	sst s1;
	(tag) =	ssettag s2;
	_ =	strace s9  }
0x27: {  	s1 =	sld [smem:$0x3FAF]  }
0x28: {  	s2 =	sld [smem:$0x3FB0]  }
0x29: {  	s4 =	sld [smem:$0x3FB2]  }
0x2a: {  	p0 =	seq.s32 s5, $0x0;
	s5 =	sld [smem:$0x3FB3]  }
0x2b: {  	s6 =	sld [smem:$0x3FB4]  }
0x2c: {  	s7 =	sld [smem:$0x3FB5]  }
0x2d: {  	s3 =	simm.s32 $0x108;
	s8 =	sld [smem:$0x3FB6]  }
0x2e: {  	s3 =	simm.s32 @!p0 $0x1082;
	s9 =	sld [smem:$0x3FB7]  }
0x2f: {  	lr =	sadd.s32 s0, s3;
	s0 =	sld [smem:$0x3FAE]  }
0x30: {  	s3 =	sld [smem:$0x3FB1]  }
0x31: {  	[smem:$0x3FBA] =	sst s10  }
0x32: {  	s10 =	sld [smem:$0x3FB8];
	_ =	sdelay $0x3  }
0x33: {  	p0 =	seq.s32 s10, $0x1;
	s10 =	sld [smem:$0x3FBA];
	_ =	sdelay $0x3  }
0x34: {  	[smem:$0x3FBA] =	sst s10  }
0x35: {  	s10 =	sld [smem:$0x3FB9];
	_ =	sdelay $0x3  }
0x36: {  	p1 =	seq.s32 s10, $0x1;
	s10 =	sld [smem:$0x3FBA];
	_ =	sdelay $0x3  }
0x37: {  	[smem:$0x3FBA] =	sst s10  }
0x38: {  	s10 =	sld [smem:$0x3FBB]  }
0x39: {  	_ = 	snop;
	(pc) =	sbr.ind lr, $3  }
0x3a: {  	_ = 	snop  }
0x3b: {  	_ = 	snop  }
0x3c: {  	p2 =	seq.s32 s10, $0x1;
	s10 =	sld [smem:$0x3FBA]  }
0x3d: {  	_ =	shalt  }
0x3e: {  	_ =	shalt  }
0x3f: {  	_ =	shalt  }
0x40: {  	_ =	shalt  }
0x41: {  	_ =	shalt  }
0x42: {  	_ =	shalt  }
0x43: {  	_ =	shalt  }
0x44: {  	_ =	shalt  }
0x45: {  	_ =	shalt  }
0x46: {  	_ =	shalt  }
0x47: {  	_ =	shalt  }
0x48: {  	_ =	shalt  }
0x49: {  	_ =	shalt  }
0x4a: {  	_ =	shalt  }
0x4b: {  	_ =	shalt  }
0x4c: {  	_ =	shalt  }
0x4d: {  	_ =	shalt  }
0x4e: {  	_ =	shalt  }
0x4f: {  	_ =	shalt  }
0x50: {  	_ =	shalt  }
0x51: {  	_ =	shalt  }
0x52: {  	_ =	shalt  }
0x53: {  	_ =	shalt  }
0x54: {  	_ =	shalt  }
0x55: {  	_ =	shalt  }
0x56: {  	_ =	shalt  }
0x57: {  	_ =	shalt  }
0x58: {  	_ =	shalt  }
0x59: {  	_ =	shalt  }
0x5a: {  	_ =	shalt  }
0x5b: {  	_ =	shalt  }
0x5c: {  	_ =	shalt  }
0x5d: {  	_ =	shalt  }
0x5e: {  	_ =	shalt  }
0x5f: {  	_ =	shalt  }
0x60: {  	_ =	shalt  }
0x61: {  	_ =	shalt  }
0x62: {  	_ =	shalt  }
0x63: {  	_ =	shalt  }
0x64: {  	_ =	shalt  }
0x65: {  	_ =	shalt  }
0x66: {  	_ =	shalt  }
0x67: {  	_ =	shalt  }
0x68: {  	_ =	shalt  }
0x69: {  	_ =	shalt  }
0x6a: {  	_ =	shalt  }
0x6b: {  	_ =	shalt  }
0x6c: {  	_ =	shalt  }
0x6d: {  	_ =	shalt  }
0x6e: {  	_ =	shalt  }
0x6f: {  	_ =	shalt  }
0x70: {  	_ =	shalt  }
0x71: {  	_ =	shalt  }
0x72: {  	_ =	shalt  }
0x73: {  	_ =	shalt  }
0x74: {  	_ =	shalt  }
0x75: {  	_ =	shalt  }
0x76: {  	_ =	shalt  }
0x77: {  	_ =	shalt  }
0x78: {  	_ =	shalt  }
0x79: {  	_ =	shalt  }
0x7a: {  	_ =	shalt  }
0x7b: {  	_ =	shalt  }
0x7c: {  	_ =	shalt  }
0x7d: {  	_ =	shalt  }
0x7e: {  	_ =	shalt  }
0x7f: {  	_ =	shalt  }
0x80: {  	_ =	shalt  }
0x81: {  	_ =	shalt  }
0x82: {  	_ =	shalt  }
0x83: {  	_ =	shalt  }
0x84: {  	_ =	shalt  }
0x85: {  	_ =	shalt  }
0x86: {  	_ =	shalt  }
0x87: {  	_ =	shalt  }
.Lfunc_end0:
.L_simem_size_0:
called_computation_lowered:
.L_overlay_start_0:
0x88: {  	s2 =	sld [smem:$0x3FD9]  }
0x89: {  	s3 =	sld [smem:$0x3FFE];
	_ =	sdelay $0x1  }
0x8a: {  	s1 =	srdreg.scid  }
0x8b: {  	s0 =	sand.u32 $0x1, s1  }
0x8c: {  	s16 =	sshll.u32 s0, $0xA;
	s2 =	sadd.s32 s3, s2  }
0x8d: {  	s2 =	sadd.s32 s2, s16  }
0x8e: {  	[smem:$0x3FC6] =	sst s2  }
0x8f: {  	_ = 	snop  }
0x90: {  	(tm) =	ssettm $0x1  }
0x91: {  	s17 =	sld [smem:$0x3FFB];
	_ =	sdelay $0x3  }
0x92: {  	_ =	strace s17  }
0x93: {  	s2 =	sld [smem:$0x3FFC];
	_ =	sdelay $0x3  }
0x94: {  	_ =	strace s2  }
0x95: {  	s2 =	sld [smem:$0x3FFD];
	_ =	sdelay $0x3  }
0x96: {  	_ =	strace s2  }
0x97: {  	_ =	strace $0x8FFFFFFF  }
0x98: {  	s18 =	sld [smem:$0x3FDB];
	_ =	sdelay $0x1  }
0x99: {  	s19 =	simm.s32 $_scs_section_size  }
0x9a: {  	s4 =	simm.s32 $_size__tile_overlayer_lowered;
	s5 =	simm.s32 $_tile_overlayer_lowered  }
0x9b: {  	s22 =	simm.s32 $0x1BFF;
	s21 =	sshll.u32 s5, $0x1;
	s2 =	sadd.s32 s19, s18  }
0x9c: {  	s6 =	simm.s32 $0x0;
	s20 =	sshll.u32 s4, $0x1;
	s4 =	sadd.s32 s21, s2  }
0x9d: {  	[timem:s6], [sflag:s22] =	dma.local [hbm:s4], s20  }
0x9e: {  	_ =	swait.ge [sflag:s22], s20  }
0x9f: {  	s3 =	ssub.s32 $0x0, s20;
	[sflag:s22] =	ssyncset.done $0x0  }
0xa0: {  	[sflag:s22] =	ssyncadd.s32 s3;
	_ =	sdelay $0x1  }
0xa1: {  	s23 =	simm.s32 $0x1B8B  }
0xa2: {  	_ =	swait.ge [sflag:s23], $0x1  }
0xa3: {  	[sflag:s23] =	ssyncset.done $0x0  }
0xa4: {  	s25 =	simm.s32 $0x1B8E;
	s24 =	sld [smem:$0x3FFE];
	[sflag:s23] =	ssyncadd.s32 $0xFFFFFFFF  }
0xa5: {  	s26 =	simm.s32 $execute0_lowered;
	[smem:$0x3FD2] =	sst s25  }
0xa6: {  	s4 =	sshll.u32 s26, $0x1;
	_ =	strace $0x80000046;
	[dreg:$0x1] =	wrdreg $0xFFFFFFFF  }
0xa7: {  	s28 =	simm.s32 $_size_execute0_lowered;
	s2 =	sadd.s32 s2, s4;
	[dreg:$0x0] =	wrdreg $0x0  }
0xa8: {  	s4 =	sshll.u32 s28, $0x1;
	[dreg:$0x2] =	wrdreg s2  }
0xa9: {  	[dreg:$0x3] =	wrdreg s4  }
0xaa: {  	[dreg:$0x4] =	wrdreg $0xC0  }
0xab: {  	_ =	task [dreg:s6], $0x5FFFF  }
0xac: {  	[dreg:$0x1] =	wrdreg $0xFFFFFFFF  }
0xad: {  	[dreg:$0x0] =	wrdreg $0x60  }
0xae: {  	[dreg:$0x2] =	wrdreg s24  }
0xaf: {  	[dreg:$0x3] =	wrdreg $0x9  }
0xb0: {  	_ =	task.clear_ibuf [dreg:s6], $0x4FFFF;
	_ =	strace $0x90000046  }
0xb1: {  	s29 =	simm.s32 $0x9;
	_ =	strace $0x80000048  }
0xb2: {  	_ =	swait.ge [sflag:s29], $0x1  }
0xb3: {  	[sflag:s29] =	ssyncadd.s32 $0xFFFFFFFF  }
0xb4: {  	_ =	strace $0x90000048  }
0xb5: {  	_ =	sfence  }
0xb6: {  	s30 =	sld [smem:$0x0];
	_ =	sdelay $0x2  }
0xb7: {  	s31 =	sshll.u32 s1, $0xD;
	s1 =	sshrl.u32 s1, $0x2  }
0xb8: {  	s3 =	sand.u32 $0x4000, s31;
	s1 =	sadd.s32 s1, s30  }
0xb9: {  	s0 =	sor.u32 s3, s0;
	s1 =	sshll.u32 s1, $0x11  }
0xba: {  	s0 =	sor.u32 s1, s0  }
0xbb: {  	s0 =	sadd.s32 $0x8F2B, s0  }
0xbc: {  	[sflag:s0] =	ssyncadd.remote.s32 $0x1  }
0xbd: {  	_ =	sfence.sel $0xFFFF  }
0xbe: {  	[dreg:$0x0] =	wrdreg $0xFFFFFFFF;
	(pc) =	sbr.abs _section_cstart, $3  }
0xbf: {  	[dreg:$0x1] =	wrdreg $0xFFFFFFFF  }
0xc0: {  	_ =	task.clear_ibuf [dreg:s6], $0x2FFFF;
	_ =	strace $0x9FFFFFFF  }
0xc1: {  	(tm) =	ssettm $0x7FFFFFFF  }
tec
execute0_lowered:
.L_overlay_start_1:
0x0: {  	(tag) =	ssettag $0x1  }
0x1: {  	s0 =	rddreg [dreg:$0x0]  }
0x2: {  	s1 =	simm.s32 $0x0;
	s8 =	srdreg.scid;
	s21 =	stileid.u32  }
0x3: {  	s28 =	simm.s32 $0x400;
	s29 =	simm.s32 $0x2;
	s30 =	simm.s32 $0x1580  }
0x4: {  	s31 =	simm.s32 $0x1400;
	[smem:$0x7FF] =	sst s1;
	s4 =	sadd.s32 $0x1E00, s0  }
0x5: {  	s2 =	sadd.s32 $0x1A00, s0;
	s3 =	sadd.s32 $0x1600, s0;
	s5 =	sadd.s32 $0xE600, s0  }
0x6: {  	s6 =	sadd.s32 $0xF600, s0;
	s7 =	sadd.s32 $0x10600, s0;
	s14 =	sadd.s32 $0x11600, s0  }
0x7: {  	s8 =	sand.u32 $0x1, s8;
	s10 =	sshrl.u32 s21, $0x2;
	s11 =	sshll.u32 s21, $0x8  }
0x8: {  	s18 =	sadd.s32 $0x12600, s0;
	p0 =	sgt.u32 s21, $0x7;
	s9 =	ssub.s32 $0x2, s8  }
0x9: {  	s8 =	sshll.u32 s8, $0x7;
	s11 =	sand.u32 $0x300, s11;
	s12 =	smul.u32 $0xA000, s10  }
0xa: {  	s17 =	sor.u32 $0x4, s10;
	s16 =	sor.u32 s8, s11;
	s11 =	smul.u32 $0xC00, s10  }
0xb: {  	s21 =	simm.s32 $0x0;
	s13 =	sshrl.u32 s9, $0x1;
	s22 =	smul.u32 $0xA000, s17  }
0xc: {  	_ =	strace $0x80000047;
	s19 =	ssub.s32 s9, s13;
	s15 =	sor.u32 s12, s16  }
0xd: {  	s9 =	sshrl.u32 s15, $0x3;
	s8 =	sor.u32 s11, s16;
	s25 =	sor.u32 s16, s22  }
0xe: {  	s15 =	smul.u32 $0xC00, s17;
	s17 =	sor.u32 $0x8, s10;
	s9 =	sadd.s32 s4, s9  }
0xf: {  	s20 =	sshrl.u32 s8, $0x3;
	s26 =	sshrl.u32 s25, $0x3;
	[dreg:$0x2] =	wrdreg s9  }
0x10: {  	s8 =	sadd.s32 s5, s20;
	s23 =	sadd.s32 s6, s20;
	s24 =	sadd.s32 s7, s20  }
0x11: {  	s9 =	sadd.s32 s14, s20;
	[dreg:$0x3] =	wrdreg s8;
	s8 =	smul.u32 $0xA000, s17  }
0x12: {  	s10 =	sadd.s32 s18, s20;
	s11 =	sadd.s32 s4, s26;
	s20 =	sor.u32 s16, s15  }
0x13: {  	[dreg:$0x4] =	wrdreg s23;
	s17 =	smul.u32 $0xC00, s17;
	s22 =	sor.u32 s16, s8  }
0x14: {  	[dreg:$0x5] =	wrdreg s24;
	s20 =	sshrl.u32 s20, $0x3;
	s15 =	sshrl.u32 s22, $0x3  }
0x15: {  	s12 =	sadd.s32 s5, s20;
	s23 =	sor.u32 s16, s17;
	s4 =	sadd.s32 s4, s15  }
0x16: {  	s13 =	sadd.s32 s6, s20;
	[dreg:$0x6] =	wrdreg s4;
	s4 =	sshrl.u32 s23, $0x3  }
0x17: {  	s16 =	sadd.s32 s14, s20;
	s17 =	sadd.s32 s18, s20;
	s5 =	sadd.s32 s5, s4  }
0x18: {  	s15 =	sadd.s32 s7, s20;
	s24 =	sadd.s32 s6, s4;
	[dreg:$0x7] =	wrdreg s5  }
0x19: {  	s20 =	simm.s32 $0x1;
	s25 =	sadd.s32 s7, s4;
	[dreg:$0x8] =	wrdreg s24  }
.Ltmp0:
0x1a: {  	s26 =	sadd.s32 s14, s4;
	[dreg:$0x9] =	wrdreg s25;
	(pc) =	sbr.rel .LBB2_1-.Ltmp0, $4  }
0x1b: {  	s23 =	sadd.s32 $0x1200, s0;
	s4 =	sadd.s32 s18, s4;
	[dreg:$0xa] =	wrdreg s26  }
0x1c: {  	s14 =	simm.s32 $0x1880;
	s18 =	simm.s32 $0x1A00;
	[dreg:$0xb] =	wrdreg s4  }
0x1d: {  	s24 =	sadd.s32 $0xE00, s0;
	s25 =	smax.u32 s19, $0x1;
	s26 =	simm.s32 $0x80  }
0x1e: {  	v0 =	vimm.f32 $-1.000000000e+00;
	v1 =	vimm.s32 $0x0;
	v2 =	vlaneseq.u32;
	s0 =	simm.s32 $0x110;
	s4 =	simm.s32 $0x1700;
	s19 =	simm.s32 $0x1B80  }
.LBB2_8:
0x1f: {  	v14 =	vadd.s32 v17, v14  }
0x20: {  	v13 =	vadd.s32 v14, v13  }
0x21: {  	v20 =	vmpcnt.ones.xlane vm1;
	v11 =	vadd.s32 v13, v11  }
0x22: {  	v12 =	vadd.s32 v11, v12  }
0x23: {  	v20 =	vadd.s32 v12, v20  }
0x24: {  	v20 =	vxor.u32 $0x80000000, v20  }
0x25: {  	(xrf0) =	vmax.scan.msk.u32 $0xffff, v20  }
0x26: {  	v51, _, _ =	vpop (xrf0)  }
0x27: {  	v21, _, _ =	vpop (xrf0)  }
0x28: {  	v22, _, _ =	vpop (xrf0)  }
0x29: {  	v15 =	vnsel vm8, $0x10F, v15;
	v23, _, _ =	vpop (xrf0)  }
0x2a: {  	v18 =	vadd.s32 v19, v18;
	vm13 =	vlt.s32 v16, $0x10F;
	v52, _, _ =	vpop (xrf0)  }
0x2b: {  	v18 =	vadd.s32 $0xFFFFFFFF, v18;
	v16 =	vnsel vm13, $0x10F, v16;
	v24, _, _ =	vpop (xrf0)  }
0x2c: {  	v53 =	vadd.s32 v21, v17;
	vm14 =	vlt.s32 v18, $0x10F;
	(v2sf) =	vpush v24, $0xF  }
0x2d: {  	s5 =	sadd.s32 $0xFFFFFF90, s22;
	v17 =	vadd.s32 $0xFFFFFFFF, v53;
	v18 =	vnsel vm14, $0x10F, v18  }
0x2e: {  	v54 =	vor.u32 s5, v2;
	v14 =	vadd.s32 v23, v14;
	vm15 =	vlt.s32 v17, $0x10F;
	[tilespmem:v15+s30+$0x0] =	vst.idx.msk vm7, v10  }
0x2f: {  	s8 =	sadd.s32 $0xFFFFFFA0, s22;
	v14 =	vadd.s32 $0xFFFFFFFF, v14;
	v55 =	vnsel vm15, $0x10F, v17;
	[tilespmem:v15+s31+$0x0] =	vst.idx.msk vm7, v54  }
0x30: {  	v56 =	vor.u32 s8, v2;
	v13 =	vadd.s32 v51, v13;
	vm12 =	vlt.s32 v14, $0x10F;
	[tilespmem:v16+s30+$0x0] =	vst.idx.msk vm6, v9  }
0x31: {  	s6 =	sadd.s32 $0xFFFFFFB0, s22;
	v13 =	vadd.s32 $0xFFFFFFFF, v13;
	v57 =	vnsel vm12, $0x10F, v14;
	[tilespmem:v16+s31+$0x0] =	vst.idx.msk vm6, v56  }
0x32: {  	v58 =	vor.u32 s6, v2;
	vm13 =	vlt.s32 v13, $0x10F;
	v11 =	vadd.s32 v52, v11;
	[tilespmem:v18+s30+$0x0] =	vst.idx.msk vm4, v8  }
0x33: {  	s7 =	sadd.s32 $0xFFFFFFC0, s22;
	v59 =	vnsel vm13, $0x10F, v13;
	v11 =	vadd.s32 $0xFFFFFFFF, v11;
	[tilespmem:v18+s31+$0x0] =	vst.idx.msk vm4, v58  }
0x34: {  	v60 =	vor.u32 s7, v2;
	v12 =	vadd.s32 v22, v12;
	vm14 =	vlt.s32 v11, $0x10F;
	[tilespmem:v55+s30+$0x0] =	vst.idx.msk vm5, v7  }
0x35: {  	s8 =	sadd.s32 $0xFFFFFFD0, s22;
	v12 =	vadd.s32 $0xFFFFFFFF, v12;
	v61 =	vnsel vm14, $0x10F, v11;
	[tilespmem:v55+s31+$0x0] =	vst.idx.msk vm5, v60  }
0x36: {  	v62 =	vor.u32 s8, v2;
	vm15 =	vlt.s32 v12, $0x10F;
	[tilespmem:v57+s30+$0x0] =	vst.idx.msk vm3, v6  }
0x37: {  	s6 =	sadd.s32 $0xFFFFFFE0, s22;
	v63 =	vnsel vm15, $0x10F, v12;
	[tilespmem:v57+s31+$0x0] =	vst.idx.msk vm3, v62  }
0x38: {  	[tilespmem:v59+s30+$0x0] =	vst.idx.msk vm0, v3;
	v3 =	vor.u32 s6, v2  }
0x39: {  	s7 =	sadd.s32 $0xFFFFFFF0, s22;
	[tilespmem:v59+s31+$0x0] =	vst.idx.msk vm0, v3  }
0x3a: {  	v3 =	vor.u32 s7, v2;
	[tilespmem:v61+s30+$0x0] =	vst.idx.msk vm2, v5  }
0x3b: {  	[tilespmem:v61+s31+$0x0] =	vst.idx.msk vm2, v3;
	s8 =	spop (v2sf)  }
0x3c: {  	v3 =	vor.u32 s22, v2;
	[tilespmem:v63+s30+$0x0] =	vst.idx.msk vm1, v4;
	p1 =	slt.u32 s8, $0x80000101  }
0x3d: {  	[tilespmem:v63+s31+$0x0] =	vst.idx.msk vm1, v3;
	v3 =	vimm.f32 @!p1 $2.000000000e+00  }
0x3e: {  	[tilespmem:$0x1580] =	vst @!p1 v3  }
0x3f: {  	[tilespmem:s4], [sflag:$0x1] =	stream.indirect.gather [hbm4b:s2+s0], $0x1, s31, s0, $0xb8;
	[tilespmem:$0x1D00] =	vst v63  }
0x40: {  	_ = 	snop  }
0x41: {  	[tilespmem:s14], [sflag:$0x1] =	stream.indirect.gather [hbm4b:s3+s0], $0x1, s31, s0, $0xb8;
	[tilespmem:$0x1D00] =	vst v63  }
0x42: {  	_ = 	snop  }
0x43: {  	[tilespmem:s18], [sflag:$0x1] =	stream.indirect.gather [hbm4b:s23+s0], $0x1, s31, s0, $0xb8;
	[tilespmem:$0x1D00] =	vst v63  }
0x44: {  	_ = 	snop  }
0x45: {  	[tilespmem:s19], [sflag:$0x1] =	stream.indirect.gather [hbm4b:s24+s0], $0x1, s31, s0, $0xb8;
	[tilespmem:$0x1D00] =	vst v63  }
0x46: {  	_ =	swait.ge [sflag:s20], $0x110  }
0x47: {  	[sflag:s20] =	ssyncset.done $0x0  }
0x48: {  	[sflag:s20] =	ssyncadd.s32 $0xFFFFFEF0  }
0x49: {  	_ =	swait.ge [sflag:s20], $0x110  }
0x4a: {  	[sflag:s20] =	ssyncset.done $0x0  }
0x4b: {  	[sflag:s20] =	ssyncadd.s32 $0xFFFFFEF0  }
0x4c: {  	_ =	swait.ge [sflag:s20], $0x110  }
0x4d: {  	[sflag:s20] =	ssyncset.done $0x0  }
0x4e: {  	[sflag:s20] =	ssyncadd.s32 $0xFFFFFEF0  }
0x4f: {  	_ =	swait.ge [sflag:s20], $0x110  }
0x50: {  	[sflag:s20] =	ssyncset.done $0x0  }
0x51: {  	s22 =	rddreg [dreg:$0x7];
	[sflag:s20] =	ssyncadd.s32 $0xFFFFFEF0  }
0x52: {  	[hbm4b:s22+s26] =	stream.strided.scatter [tilespmem:s30], [sflag:$0x2], $0x180, s28, s26, $0x38;
	[tilespmem:$0x1D00] =	vst v63  }
0x53: {  	_ =	swait.ge [sflag:s29], $0x180  }
0x54: {  	[sflag:s29] =	ssyncset.done $0x0  }
0x55: {  	s6 =	rddreg [dreg:$0x8];
	[sflag:s29] =	ssyncadd.s32 $0xFFFFFE80  }
0x56: {  	[hbm4b:s6+s26] =	stream.strided.scatter [tilespmem:s4], [sflag:$0x2], $0x180, s28, s26, $0x38;
	[tilespmem:$0x1D00] =	vst v63  }
0x57: {  	_ =	swait.ge [sflag:s29], $0x180  }
0x58: {  	[sflag:s29] =	ssyncset.done $0x0  }
0x59: {  	s7 =	rddreg [dreg:$0x9];
	[sflag:s29] =	ssyncadd.s32 $0xFFFFFE80  }
0x5a: {  	[hbm4b:s7+s26] =	stream.strided.scatter [tilespmem:s14], [sflag:$0x2], $0x180, s28, s26, $0x38;
	[tilespmem:$0x1D00] =	vst v63  }
0x5b: {  	_ =	swait.ge [sflag:s29], $0x180  }
0x5c: {  	[sflag:s29] =	ssyncset.done $0x0  }
0x5d: {  	s8 =	rddreg [dreg:$0xa];
	[sflag:s29] =	ssyncadd.s32 $0xFFFFFE80  }
0x5e: {  	[hbm4b:s8+s26] =	stream.strided.scatter [tilespmem:s18], [sflag:$0x2], $0x180, s28, s26, $0x38;
	[tilespmem:$0x1D00] =	vst v63  }
0x5f: {  	_ =	swait.ge [sflag:s29], $0x180  }
0x60: {  	[sflag:s29] =	ssyncset.done $0x0  }
0x61: {  	s22 =	rddreg [dreg:$0xb];
	[sflag:s29] =	ssyncadd.s32 $0xFFFFFE80  }
0x62: {  	[hbm4b:s22+s26] =	stream.strided.scatter [tilespmem:s19], [sflag:$0x2], $0x180, s28, s26, $0x38;
	[tilespmem:$0x1D00] =	vst v63  }
0x63: {  	_ =	swait.ge [sflag:s29], $0x180  }
0x64: {  	[sflag:s29] =	ssyncset.done $0x0  }
0x65: {  	[sflag:s29] =	ssyncadd.s32 $0xFFFFFE80  }
.LBB2_9:
0x66: {  	s21 =	sadd.s32 $0x1, s21  }
0x67: {  	p1 =	sne.s32 s21, s25  }
.Ltmp1:
0x68: {  	_ = 	snop;
	(pc) =	sbr.rel @!p1 .LBB2_10-.Ltmp1, $1  }
0x69: {  	_ =	sdelay $0x3  }
.LBB2_1:
0x6a: {  	s5 =	rddreg [dreg:$0x2]  }
0x6b: {  	[tilespmem:s1], [sflag:$0x2] =	stream.strided.gather [hbm4b:s5+s26], $0x1400, s28, s26, $0x38;
	[tilespmem:$0x1D00] =	vst v63  }
0x6c: {  	_ =	swait.ge [sflag:s29], $0x1400  }
0x6d: {  	[sflag:s29] =	ssyncset.done $0x0  }
0x6e: {  	[sflag:s29] =	ssyncadd.s32 $0xFFFFEC00  }
0x6f: {  	[tilespmem:$0x1400] =	vst v1  }
0x70: {  	[tilespmem:$0x1580] =	vst v0  }
0x71: {  	[tilespmem:$0x1410] =	vst v1  }
0x72: {  	[tilespmem:$0x1590] =	vst v0  }
0x73: {  	[tilespmem:$0x1420] =	vst v1  }
0x74: {  	[tilespmem:$0x15A0] =	vst v0  }
0x75: {  	[tilespmem:$0x1430] =	vst v1  }
0x76: {  	[tilespmem:$0x15B0] =	vst v0  }
0x77: {  	[tilespmem:$0x1440] =	vst v1  }
0x78: {  	[tilespmem:$0x15C0] =	vst v0  }
0x79: {  	[tilespmem:$0x1450] =	vst v1  }
0x7a: {  	[tilespmem:$0x15D0] =	vst v0  }
0x7b: {  	[tilespmem:$0x1460] =	vst v1  }
0x7c: {  	[tilespmem:$0x15E0] =	vst v0  }
0x7d: {  	[tilespmem:$0x1470] =	vst v1  }
0x7e: {  	[tilespmem:$0x15F0] =	vst v0  }
0x7f: {  	[tilespmem:$0x1480] =	vst v1  }
0x80: {  	[tilespmem:$0x1600] =	vst v0  }
0x81: {  	[tilespmem:$0x1490] =	vst v1  }
0x82: {  	[tilespmem:$0x1610] =	vst v0  }
0x83: {  	[tilespmem:$0x14A0] =	vst v1  }
0x84: {  	[tilespmem:$0x1620] =	vst v0  }
0x85: {  	[tilespmem:$0x14B0] =	vst v1  }
0x86: {  	[tilespmem:$0x1630] =	vst v0  }
0x87: {  	[tilespmem:$0x14C0] =	vst v1  }
0x88: {  	[tilespmem:$0x1640] =	vst v0  }
0x89: {  	[tilespmem:$0x14D0] =	vst v1  }
0x8a: {  	[tilespmem:$0x1650] =	vst v0  }
0x8b: {  	[tilespmem:$0x14E0] =	vst v1  }
0x8c: {  	[tilespmem:$0x1660] =	vst v0  }
0x8d: {  	[tilespmem:$0x14F0] =	vst v1  }
0x8e: {  	[tilespmem:$0x1670] =	vst v0  }
0x8f: {  	[tilespmem:$0x1500] =	vst v1  }
0x90: {  	s5 =	simm.s32 $0x40;
	[tilespmem:$0x1680] =	vst v0  }
0x91: {  	v10 =	vld [tilespmem:s5+$0xFFFFFFC0]  }
0x92: {  	v9 =	vld [tilespmem:s5+$0xFFFFFFD0]  }
0x93: {  	v8 =	vld [tilespmem:s5+$0xFFFFFFE0]  }
0x94: {  	v7 =	vld [tilespmem:s5+$0xFFFFFFF0]  }
0x95: {  	v3 =	vld [tilespmem:s5+$0x10]  }
0x96: {  	v6 =	vld [tilespmem:s5+$0x0]  }
0x97: {  	v5 =	vld [tilespmem:s5+$0x20]  }
0x98: {  	v4 =	vld [tilespmem:s5+$0x30];
	vm7 =	vge.f32 v10, $9.649999730e-01  }
0x99: {  	vm6 =	vge.f32 v9, $9.649999730e-01;
	v11 =	vsel vm7, $0x1, v1  }
0x9a: {  	v12 =	vsel vm6, $0x1, v1;
	(xrf0) =	vadd.scan.msk.s32 $0xffff, v11  }
0x9b: {  	vm4 =	vge.f32 v8, $9.649999730e-01;
	vm0 =	vge.f32 v3, $9.649999730e-01;
	vm5 =	vge.f32 v7, $9.649999730e-01;
	(xrf0) =	vadd.scan.msk.s32 $0xffff, v12  }
0x9c: {  	vm3 =	vge.f32 v6, $9.649999730e-01;
	vm2 =	vge.f32 v5, $9.649999730e-01;
	v11 =	vsel vm4, $0x1, v1  }
0x9d: {  	vm1 =	vge.f32 v4, $9.649999730e-01;
	v15 =	vmpcnt.ones.xlane vm7;
	v16 =	vmpcnt.ones.xlane vm6;
	(xrf0) =	vadd.scan.msk.s32 $0xffff, v11  }
0x9e: {  	v17 =	vmpcnt.ones.xlane vm4;
	v13 =	vsel vm5, $0x1, v1;
	v12 =	vsel vm0, $0x1, v1  }
0x9f: {  	v14 =	vmpcnt.ones.xlane vm5;
	v20 =	vsel vm2, $0x1, v1;
	v19 =	vsel vm3, $0x1, v1;
	(xrf0) =	vadd.scan.msk.s32 $0xffff, v12  }
0xa0: {  	v18 =	vsel vm1, $0x1, v1;
	v22 =	vadd.s32 v1, v15;
	v11 =	vmpcnt.ones.xlane vm0;
	(xrf0) =	vadd.scan.msk.s32 $0xffff, v13;
	v21, _, _ =	vpop (xrf0)  }
0xa1: {  	v12 =	vmpcnt.ones.xlane vm2;
	v13 =	vmpcnt.ones.xlane vm3;
	(xrf0) =	vadd.scan.msk.s32 $0xffff, v18;
	v21 =	vadd.s32 v21, v1;
	v23, _, _ =	vpop (xrf0)  }
0xa2: {  	v18 =	vadd.s32 v22, v16;
	(xrf0) =	vadd.scan.msk.s32 $0xffff, v19;
	v15 =	vadd.s32 $0xFFFFFFFF, v21;
	v63 =	vadd.s32 v23, v22  }
0xa3: {  	s22 =	simm.s32 $0x70;
	s6 =	simm.s32 $0xF0;
	v17 =	vadd.s32 v18, v17;
	v19, _, _ =	vpop (xrf0);
	(xrf0) =	vadd.scan.msk.s32 $0xffff, v20;
	vm8 =	vlt.s32 v15, $0x10F;
	v16 =	vadd.s32 $0xFFFFFFFF, v63  }
.LBB2_2:
0xa4: {  	p1 =	sne.s32 s6, $0x13F0  }
0xa5: {  	v18 =	vadd.s32 v19, v18;
	v14 =	vadd.s32 v17, v14;
	s5 =	sadd.s32 $0x80, s5;
	v19, _, _ =	vpop (xrf0);
	s7 =	smov.u32 s6;
	s6 =	sadd.s32 $0x80, s6  }
0xa6: {  	v20 =	vmpcnt.ones.xlane vm1;
	v15 =	vnsel vm8, $0x10F, v15;
	v18 =	vadd.s32 $0xFFFFFFFF, v18;
	v21, _, _ =	vpop (xrf0)  }
0xa7: {  	vm8 =	vlt.s32 v16, $0x10F;
	v22 =	vadd.s32 v14, v13;
	v17 =	vadd.s32 v21, v17  }
0xa8: {  	v16 =	vnsel vm8, $0x10F, v16;
	vm8 =	vlt.s32 v18, $0x10F;
	v17 =	vadd.s32 $0xFFFFFFFF, v17;
	v21, _, _ =	vpop (xrf0)  }
0xa9: {  	v23 =	vadd.s32 v19, v22;
	v11 =	vadd.s32 v22, v11;
	vm9 =	vlt.s32 v17, $0x10F;
	v13, _, _ =	vpop (xrf0)  }
0xaa: {  	s8 =	sadd.s32 $0xFFFFFF90, s22;
	v18 =	vnsel vm8, $0x10F, v18;
	v13 =	vadd.s32 v13, v14;
	v14 =	vadd.s32 $0xFFFFFFFF, v23;
	v19, _, _ =	vpop (xrf0)  }
0xab: {  	[tilespmem:v15+s30+$0x0] =	vst.idx.msk vm7, v10;
	v10 =	vor.u32 s8, v2;
	v13 =	vadd.s32 $0xFFFFFFFF, v13;
	v19 =	vadd.s32 v19, v11  }
0xac: {  	s8 =	sadd.s32 $0xFFFFFFA0, s22;
	v11 =	vadd.s32 v11, v12;
	[tilespmem:v15+s31+$0x0] =	vst.idx.msk vm7, v10;
	v10 =	vnsel vm9, $0x10F, v17;
	vm7 =	vlt.s32 v13, $0x10F  }
0xad: {  	v12 =	vadd.s32 $0xFFFFFFFF, v19;
	v15 =	vadd.s32 v21, v11;
	[tilespmem:v16+s30+$0x0] =	vst.idx.msk vm6, v9;
	v9 =	vor.u32 s8, v2  }
0xae: {  	s8 =	sadd.s32 $0xFFFFFFB0, s22;
	[tilespmem:v16+s31+$0x0] =	vst.idx.msk vm6, v9;
	v9 =	vnsel vm7, $0x10F, v13;
	vm6 =	vlt.s32 v12, $0x10F;
	v13 =	vadd.s32 $0xFFFFFFFF, v15  }
0xaf: {  	vm7 =	vlt.s32 v14, $0x10F;
	[tilespmem:v18+s30+$0x0] =	vst.idx.msk vm4, v8;
	v8 =	vor.u32 s8, v2;
	vm8 =	vlt.s32 v13, $0x10F  }
0xb0: {  	v15 =	vadd.s32 v11, v20;
	s8 =	sadd.s32 $0xFFFFFFC0, s22;
	[tilespmem:v18+s31+$0x0] =	vst.idx.msk vm4, v8;
	v8 =	vnsel vm7, $0x10F, v14  }
0xb1: {  	[tilespmem:v10+s30+$0x0] =	vst.idx.msk vm5, v7;
	v7 =	vor.u32 s8, v2  }
0xb2: {  	s8 =	sadd.s32 $0xFFFFFFD0, s22;
	[tilespmem:v10+s31+$0x0] =	vst.idx.msk vm5, v7;
	v7 =	vnsel vm6, $0x10F, v12  }
0xb3: {  	[tilespmem:v9+s30+$0x0] =	vst.idx.msk vm3, v6;
	v6 =	vor.u32 s8, v2  }
0xb4: {  	s8 =	sadd.s32 $0xFFFFFFE0, s22;
	[tilespmem:v9+s31+$0x0] =	vst.idx.msk vm3, v6;
	v6 =	vnsel vm8, $0x10F, v13  }
0xb5: {  	[tilespmem:v8+s30+$0x0] =	vst.idx.msk vm0, v3;
	v3 =	vor.u32 s8, v2  }
0xb6: {  	s8 =	sadd.s32 $0xFFFFFFF0, s22;
	[tilespmem:v8+s31+$0x0] =	vst.idx.msk vm0, v3  }
0xb7: {  	v3 =	vor.u32 s8, v2;
	[tilespmem:v7+s30+$0x0] =	vst.idx.msk vm2, v5  }
0xb8: {  	[tilespmem:v7+s31+$0x0] =	vst.idx.msk vm2, v3  }
0xb9: {  	v3 =	vor.u32 s22, v2;
	s22 =	smov.u32 s7;
	[tilespmem:v6+s30+$0x0] =	vst.idx.msk vm1, v4  }
0xba: {  	[tilespmem:v6+s31+$0x0] =	vst.idx.msk vm1, v3  }
0xbb: {  	v10 =	vld [tilespmem:s5+$0xFFFFFFC0]  }
0xbc: {  	v9 =	vld [tilespmem:s5+$0xFFFFFFD0]  }
0xbd: {  	v8 =	vld [tilespmem:s5+$0xFFFFFFE0]  }
0xbe: {  	v7 =	vld [tilespmem:s5+$0xFFFFFFF0]  }
0xbf: {  	v3 =	vld [tilespmem:s5+$0x10]  }
0xc0: {  	vm7 =	vge.f32 v10, $9.649999730e-01;
	v6 =	vld [tilespmem:s5+$0x0]  }
0xc1: {  	v11 =	vsel vm7, $0x1, v1;
	v16 =	vmpcnt.ones.xlane vm7;
	vm6 =	vge.f32 v9, $9.649999730e-01;
	v5 =	vld [tilespmem:s5+$0x20]  }
0xc2: {  	v12 =	vsel vm6, $0x1, v1;
	v17 =	vmpcnt.ones.xlane vm6;
	vm4 =	vge.f32 v8, $9.649999730e-01;
	v4 =	vld [tilespmem:s5+$0x30];
	(xrf0) =	vadd.scan.msk.s32 $0xffff, v11  }
0xc3: {  	v11 =	vsel vm4, $0x1, v1;
	(xrf0) =	vadd.scan.msk.s32 $0xffff, v12  }
0xc4: {  	v20 =	vmpcnt.ones.xlane vm4;
	vm0 =	vge.f32 v3, $9.649999730e-01;
	(xrf0) =	vadd.scan.msk.s32 $0xffff, v11  }
0xc5: {  	vm5 =	vge.f32 v7, $9.649999730e-01;
	v12 =	vsel vm0, $0x1, v1;
	v11 =	vmpcnt.ones.xlane vm0  }
0xc6: {  	v13 =	vsel vm5, $0x1, v1;
	vm3 =	vge.f32 v6, $9.649999730e-01;
	vm2 =	vge.f32 v5, $9.649999730e-01;
	(xrf0) =	vadd.scan.msk.s32 $0xffff, v12  }
.Ltmp2:
0xc7: {  	v14 =	vmpcnt.ones.xlane vm5;
	v21 =	vsel vm2, $0x1, v1;
	vm1 =	vge.f32 v4, $9.649999730e-01;
	(xrf0) =	vadd.scan.msk.s32 $0xffff, v13;
	(pc) =	sbr.rel @p1 .LBB2_2-.Ltmp2, $4  }
0xc8: {  	v22 =	vsel vm3, $0x1, v1;
	v13 =	vmpcnt.ones.xlane vm3;
	v18 =	vsel vm1, $0x1, v1;
	v19, _, _ =	vpop (xrf0)  }
0xc9: {  	v16 =	vadd.s32 v15, v16;
	v12 =	vmpcnt.ones.xlane vm2;
	v24 =	vadd.s32 v19, v15;
	v23, _, _ =	vpop (xrf0);
	(xrf0) =	vadd.scan.msk.s32 $0xffff, v18  }
0xca: {  	v18 =	vadd.s32 v16, v17;
	v15 =	vadd.s32 $0xFFFFFFFF, v24;
	v23 =	vadd.s32 v23, v16;
	v19, _, _ =	vpop (xrf0);
	(xrf0) =	vadd.scan.msk.s32 $0xffff, v22  }
0xcb: {  	v17 =	vadd.s32 v18, v20;
	vm8 =	vlt.s32 v15, $0x10F;
	v16 =	vadd.s32 $0xFFFFFFFF, v23;
	(xrf0) =	vadd.scan.msk.s32 $0xffff, v21  }
0xcc: {  	v14 =	vadd.s32 v17, v14  }
0xcd: {  	v13 =	vadd.s32 v14, v13  }
0xce: {  	v20 =	vmpcnt.ones.xlane vm1;
	v11 =	vadd.s32 v13, v11  }
0xcf: {  	v12 =	vadd.s32 v11, v12  }
0xd0: {  	v20 =	vadd.s32 v12, v20  }
0xd1: {  	v20 =	vxor.u32 $0x80000000, v20;
	_ =	sdelay $0x1  }
0xd2: {  	(xrf0) =	vmax.scan.msk.u32 $0xffff, v20  }
0xd3: {  	v20, _, _ =	vpop (xrf0)  }
0xd4: {  	v21, _, _ =	vpop (xrf0)  }
0xd5: {  	v22, _, _ =	vpop (xrf0)  }
0xd6: {  	v15 =	vnsel vm8, $0x10F, v15;
	v23, _, _ =	vpop (xrf0)  }
0xd7: {  	v18 =	vadd.s32 v19, v18;
	vm8 =	vlt.s32 v16, $0x10F;
	v19, _, _ =	vpop (xrf0)  }
0xd8: {  	v18 =	vadd.s32 $0xFFFFFFFF, v18;
	v16 =	vnsel vm8, $0x10F, v16;
	v24, _, _ =	vpop (xrf0)  }
0xd9: {  	vm8 =	vlt.s32 v18, $0x10F;
	v17 =	vadd.s32 v21, v17;
	(v2sf) =	vpush v24, $0xF  }
0xda: {  	s5 =	sadd.s32 $0xFFFFFF90, s22;
	v18 =	vnsel vm8, $0x10F, v18;
	v17 =	vadd.s32 $0xFFFFFFFF, v17  }
0xdb: {  	[tilespmem:v15+s30+$0x0] =	vst.idx.msk vm7, v10;
	v10 =	vor.u32 s5, v2;
	vm8 =	vlt.s32 v17, $0x10F;
	v14 =	vadd.s32 v23, v14  }
0xdc: {  	s6 =	sadd.s32 $0xFFFFFFA0, s22;
	[tilespmem:v15+s31+$0x0] =	vst.idx.msk vm7, v10;
	v14 =	vadd.s32 $0xFFFFFFFF, v14;
	v10 =	vnsel vm8, $0x10F, v17  }
0xdd: {  	[tilespmem:v16+s30+$0x0] =	vst.idx.msk vm6, v9;
	v9 =	vor.u32 s6, v2;
	v13 =	vadd.s32 v20, v13;
	vm7 =	vlt.s32 v14, $0x10F  }
0xde: {  	s7 =	sadd.s32 $0xFFFFFFB0, s22;
	[tilespmem:v16+s31+$0x0] =	vst.idx.msk vm6, v9;
	v13 =	vadd.s32 $0xFFFFFFFF, v13;
	v9 =	vnsel vm7, $0x10F, v14  }
0xdf: {  	[tilespmem:v18+s30+$0x0] =	vst.idx.msk vm4, v8;
	v8 =	vor.u32 s7, v2;
	vm6 =	vlt.s32 v13, $0x10F;
	v11 =	vadd.s32 v19, v11  }
0xe0: {  	s8 =	sadd.s32 $0xFFFFFFC0, s22;
	[tilespmem:v18+s31+$0x0] =	vst.idx.msk vm4, v8;
	v8 =	vnsel vm6, $0x10F, v13;
	v11 =	vadd.s32 $0xFFFFFFFF, v11  }
0xe1: {  	v12 =	vadd.s32 v22, v12;
	vm4 =	vlt.s32 v11, $0x10F;
	[tilespmem:v10+s30+$0x0] =	vst.idx.msk vm5, v7;
	v7 =	vor.u32 s8, v2  }
0xe2: {  	s6 =	sadd.s32 $0xFFFFFFD0, s22;
	v12 =	vadd.s32 $0xFFFFFFFF, v12;
	[tilespmem:v10+s31+$0x0] =	vst.idx.msk vm5, v7;
	v7 =	vnsel vm4, $0x10F, v11  }
0xe3: {  	vm4 =	vlt.s32 v12, $0x10F;
	[tilespmem:v9+s30+$0x0] =	vst.idx.msk vm3, v6;
	v6 =	vor.u32 s6, v2  }
0xe4: {  	s7 =	sadd.s32 $0xFFFFFFE0, s22;
	[tilespmem:v9+s31+$0x0] =	vst.idx.msk vm3, v6;
	v6 =	vnsel vm4, $0x10F, v12  }
0xe5: {  	[tilespmem:v8+s30+$0x0] =	vst.idx.msk vm0, v3;
	v3 =	vor.u32 s7, v2  }
0xe6: {  	s8 =	sadd.s32 $0xFFFFFFF0, s22;
	[tilespmem:v8+s31+$0x0] =	vst.idx.msk vm0, v3  }
0xe7: {  	v3 =	vor.u32 s8, v2;
	[tilespmem:v7+s30+$0x0] =	vst.idx.msk vm2, v5  }
0xe8: {  	[tilespmem:v7+s31+$0x0] =	vst.idx.msk vm2, v3;
	s6 =	spop (v2sf)  }
0xe9: {  	v3 =	vor.u32 s22, v2;
	[tilespmem:v6+s30+$0x0] =	vst.idx.msk vm1, v4;
	p1 =	slt.u32 s6, $0x80000101  }
0xea: {  	[tilespmem:v6+s31+$0x0] =	vst.idx.msk vm1, v3;
	v3 =	vimm.f32 @!p1 $2.000000000e+00  }
0xeb: {  	[tilespmem:$0x1580] =	vst @!p1 v3  }
0xec: {  	[tilespmem:s4], [sflag:$0x1] =	stream.indirect.gather [hbm4b:s2+s0], $0x1, s31, s0, $0xb8;
	[tilespmem:$0x1D00] =	vst v63  }
0xed: {  	_ = 	snop  }
0xee: {  	[tilespmem:s14], [sflag:$0x1] =	stream.indirect.gather [hbm4b:s3+s0], $0x1, s31, s0, $0xb8;
	[tilespmem:$0x1D00] =	vst v63  }
0xef: {  	_ = 	snop  }
0xf0: {  	[tilespmem:s18], [sflag:$0x1] =	stream.indirect.gather [hbm4b:s23+s0], $0x1, s31, s0, $0xb8;
	[tilespmem:$0x1D00] =	vst v63  }
0xf1: {  	_ = 	snop  }
0xf2: {  	[tilespmem:s19], [sflag:$0x1] =	stream.indirect.gather [hbm4b:s24+s0], $0x1, s31, s0, $0xb8;
	[tilespmem:$0x1D00] =	vst v63  }
0xf3: {  	_ =	swait.ge [sflag:s20], $0x110  }
0xf4: {  	[sflag:s20] =	ssyncset.done $0x0  }
0xf5: {  	[sflag:s20] =	ssyncadd.s32 $0xFFFFFEF0  }
0xf6: {  	_ =	swait.ge [sflag:s20], $0x110  }
0xf7: {  	[sflag:s20] =	ssyncset.done $0x0  }
0xf8: {  	[sflag:s20] =	ssyncadd.s32 $0xFFFFFEF0  }
0xf9: {  	_ =	swait.ge [sflag:s20], $0x110  }
0xfa: {  	[sflag:s20] =	ssyncset.done $0x0  }
0xfb: {  	[sflag:s20] =	ssyncadd.s32 $0xFFFFFEF0  }
0xfc: {  	_ =	swait.ge [sflag:s20], $0x110  }
0xfd: {  	[sflag:s20] =	ssyncset.done $0x0  }
0xfe: {  	s7 =	rddreg [dreg:$0x3];
	[sflag:s20] =	ssyncadd.s32 $0xFFFFFEF0  }
0xff: {  	[hbm4b:s7+s26] =	stream.strided.scatter [tilespmem:s30], [sflag:$0x2], $0x180, s28, s26, $0x38;
	[tilespmem:$0x1D00] =	vst v63  }
0x100: {  	_ =	swait.ge [sflag:s29], $0x180  }
0x101: {  	[sflag:s29] =	ssyncset.done $0x0  }
0x102: {  	s8 =	rddreg [dreg:$0x4];
	[sflag:s29] =	ssyncadd.s32 $0xFFFFFE80  }
0x103: {  	[hbm4b:s8+s26] =	stream.strided.scatter [tilespmem:s4], [sflag:$0x2], $0x180, s28, s26, $0x38;
	[tilespmem:$0x1D00] =	vst v63  }
0x104: {  	_ =	swait.ge [sflag:s29], $0x180  }
0x105: {  	[sflag:s29] =	ssyncset.done $0x0  }
0x106: {  	s22 =	rddreg [dreg:$0x5];
	[sflag:s29] =	ssyncadd.s32 $0xFFFFFE80  }
0x107: {  	[hbm4b:s22+s26] =	stream.strided.scatter [tilespmem:s14], [sflag:$0x2], $0x180, s28, s26, $0x38;
	[tilespmem:$0x1D00] =	vst v63  }
0x108: {  	_ =	swait.ge [sflag:s29], $0x180  }
0x109: {  	[sflag:s29] =	ssyncset.done $0x0  }
0x10a: {  	[sflag:s29] =	ssyncadd.s32 $0xFFFFFE80  }
0x10b: {  	[hbm4b:s9+s26] =	stream.strided.scatter [tilespmem:s18], [sflag:$0x2], $0x180, s28, s26, $0x38;
	[tilespmem:$0x1D00] =	vst v63  }
0x10c: {  	_ =	swait.ge [sflag:s29], $0x180  }
0x10d: {  	[sflag:s29] =	ssyncset.done $0x0  }
0x10e: {  	[sflag:s29] =	ssyncadd.s32 $0xFFFFFE80  }
0x10f: {  	[hbm4b:s10+s26] =	stream.strided.scatter [tilespmem:s19], [sflag:$0x2], $0x180, s28, s26, $0x38;
	[tilespmem:$0x1D00] =	vst v63  }
0x110: {  	_ =	swait.ge [sflag:s29], $0x180  }
0x111: {  	[sflag:s29] =	ssyncset.done $0x0  }
0x112: {  	[sflag:s29] =	ssyncadd.s32 $0xFFFFFE80  }
0x113: {  	[tilespmem:s1], [sflag:$0x2] =	stream.strided.gather [hbm4b:s11+s26], $0x1400, s28, s26, $0x38;
	[tilespmem:$0x1D00] =	vst v63  }
0x114: {  	_ =	swait.ge [sflag:s29], $0x1400  }
0x115: {  	[sflag:s29] =	ssyncset.done $0x0  }
0x116: {  	v15 =	vimm.s32 $0x0;
	[sflag:s29] =	ssyncadd.s32 $0xFFFFEC00  }
0x117: {  	[tilespmem:$0x1400] =	vst v15  }
0x118: {  	[tilespmem:$0x1580] =	vst v0  }
0x119: {  	[tilespmem:$0x1410] =	vst v15  }
0x11a: {  	[tilespmem:$0x1590] =	vst v0  }
0x11b: {  	[tilespmem:$0x1420] =	vst v15  }
0x11c: {  	[tilespmem:$0x15A0] =	vst v0  }
0x11d: {  	[tilespmem:$0x1430] =	vst v15  }
0x11e: {  	[tilespmem:$0x15B0] =	vst v0  }
0x11f: {  	[tilespmem:$0x1440] =	vst v15  }
0x120: {  	[tilespmem:$0x15C0] =	vst v0  }
0x121: {  	[tilespmem:$0x1450] =	vst v15  }
0x122: {  	[tilespmem:$0x15D0] =	vst v0  }
0x123: {  	[tilespmem:$0x1460] =	vst v15  }
0x124: {  	[tilespmem:$0x15E0] =	vst v0  }
0x125: {  	[tilespmem:$0x1470] =	vst v15  }
0x126: {  	[tilespmem:$0x15F0] =	vst v0  }
0x127: {  	[tilespmem:$0x1480] =	vst v15  }
0x128: {  	[tilespmem:$0x1600] =	vst v0  }
0x129: {  	[tilespmem:$0x1490] =	vst v15  }
0x12a: {  	[tilespmem:$0x1610] =	vst v0  }
0x12b: {  	[tilespmem:$0x14A0] =	vst v15  }
0x12c: {  	[tilespmem:$0x1620] =	vst v0  }
0x12d: {  	[tilespmem:$0x14B0] =	vst v15  }
0x12e: {  	[tilespmem:$0x1630] =	vst v0  }
0x12f: {  	[tilespmem:$0x14C0] =	vst v15  }
0x130: {  	[tilespmem:$0x1640] =	vst v0  }
0x131: {  	[tilespmem:$0x14D0] =	vst v15  }
0x132: {  	[tilespmem:$0x1650] =	vst v0  }
0x133: {  	[tilespmem:$0x14E0] =	vst v15  }
0x134: {  	[tilespmem:$0x1660] =	vst v0  }
0x135: {  	[tilespmem:$0x14F0] =	vst v15  }
0x136: {  	[tilespmem:$0x1670] =	vst v0  }
0x137: {  	[tilespmem:$0x1500] =	vst v15  }
0x138: {  	s5 =	simm.s32 $0x40;
	[tilespmem:$0x1680] =	vst v0  }
0x139: {  	v10 =	vld [tilespmem:s5+$0xFFFFFFC0]  }
0x13a: {  	v9 =	vld [tilespmem:s5+$0xFFFFFFD0]  }
0x13b: {  	v8 =	vld [tilespmem:s5+$0xFFFFFFE0]  }
0x13c: {  	v7 =	vld [tilespmem:s5+$0xFFFFFFF0]  }
0x13d: {  	v3 =	vld [tilespmem:s5+$0x10]  }
0x13e: {  	v6 =	vld [tilespmem:s5+$0x0]  }
0x13f: {  	v5 =	vld [tilespmem:s5+$0x20]  }
0x140: {  	v4 =	vld [tilespmem:s5+$0x30];
	vm7 =	vge.f32 v10, $9.649999730e-01  }
0x141: {  	vm6 =	vge.f32 v9, $9.649999730e-01;
	v11 =	vsel vm7, $0x1, v1  }
0x142: {  	v12 =	vsel vm6, $0x1, v1;
	(xrf0) =	vadd.scan.msk.s32 $0xffff, v11  }
0x143: {  	vm4 =	vge.f32 v8, $9.649999730e-01;
	vm0 =	vge.f32 v3, $9.649999730e-01;
	vm5 =	vge.f32 v7, $9.649999730e-01;
	(xrf0) =	vadd.scan.msk.s32 $0xffff, v12  }
0x144: {  	vm3 =	vge.f32 v6, $9.649999730e-01;
	vm2 =	vge.f32 v5, $9.649999730e-01;
	v11 =	vsel vm4, $0x1, v1  }
0x145: {  	vm1 =	vge.f32 v4, $9.649999730e-01;
	v16 =	vmpcnt.ones.xlane vm7;
	v17 =	vmpcnt.ones.xlane vm6;
	(xrf0) =	vadd.scan.msk.s32 $0xffff, v11  }
0x146: {  	v20 =	vmpcnt.ones.xlane vm4;
	v13 =	vsel vm5, $0x1, v1;
	v12 =	vsel vm0, $0x1, v1  }
0x147: {  	v14 =	vmpcnt.ones.xlane vm5;
	v60 =	vsel vm2, $0x1, v1;
	v19 =	vsel vm3, $0x1, v1;
	(xrf0) =	vadd.scan.msk.s32 $0xffff, v12  }
0x148: {  	v18 =	vsel vm1, $0x1, v1;
	v16 =	vadd.s32 v15, v16;
	v11 =	vmpcnt.ones.xlane vm0;
	(xrf0) =	vadd.scan.msk.s32 $0xffff, v13;
	v61, _, _ =	vpop (xrf0)  }
0x149: {  	v12 =	vmpcnt.ones.xlane vm2;
	v13 =	vmpcnt.ones.xlane vm3;
	(xrf0) =	vadd.scan.msk.s32 $0xffff, v18;
	v22 =	vadd.s32 v61, v15;
	v62, _, _ =	vpop (xrf0)  }
0x14a: {  	v18 =	vadd.s32 v16, v17;
	(xrf0) =	vadd.scan.msk.s32 $0xffff, v19;
	v15 =	vadd.s32 $0xFFFFFFFF, v22;
	v63 =	vadd.s32 v62, v16  }
0x14b: {  	s6 =	simm.s32 $0xF0;
	s22 =	simm.s32 $0x70;
	v17 =	vadd.s32 v18, v20;
	v19, _, _ =	vpop (xrf0);
	(xrf0) =	vadd.scan.msk.s32 $0xffff, v60;
	vm8 =	vlt.s32 v15, $0x10F;
	v16 =	vadd.s32 $0xFFFFFFFF, v63  }
.LBB2_4:
0x14c: {  	p1 =	sne.s32 s6, $0x13F0  }
0x14d: {  	v18 =	vadd.s32 v19, v18;
	v14 =	vadd.s32 v17, v14;
	s5 =	sadd.s32 $0x80, s5;
	v19, _, _ =	vpop (xrf0);
	s7 =	smov.u32 s6;
	s6 =	sadd.s32 $0x80, s6  }
0x14e: {  	v20 =	vmpcnt.ones.xlane vm1;
	v15 =	vnsel vm8, $0x10F, v15;
	v18 =	vadd.s32 $0xFFFFFFFF, v18;
	v21, _, _ =	vpop (xrf0)  }
0x14f: {  	vm8 =	vlt.s32 v16, $0x10F;
	v22 =	vadd.s32 v14, v13;
	v17 =	vadd.s32 v21, v17  }
0x150: {  	v16 =	vnsel vm8, $0x10F, v16;
	vm8 =	vlt.s32 v18, $0x10F;
	v17 =	vadd.s32 $0xFFFFFFFF, v17;
	v21, _, _ =	vpop (xrf0)  }
0x151: {  	v23 =	vadd.s32 v19, v22;
	v11 =	vadd.s32 v22, v11;
	vm9 =	vlt.s32 v17, $0x10F;
	v13, _, _ =	vpop (xrf0)  }
0x152: {  	s8 =	sadd.s32 $0xFFFFFF90, s22;
	v18 =	vnsel vm8, $0x10F, v18;
	v13 =	vadd.s32 v13, v14;
	v14 =	vadd.s32 $0xFFFFFFFF, v23;
	v19, _, _ =	vpop (xrf0)  }
0x153: {  	[tilespmem:v15+s30+$0x0] =	vst.idx.msk vm7, v10;
	v10 =	vor.u32 s8, v2;
	v13 =	vadd.s32 $0xFFFFFFFF, v13;
	v19 =	vadd.s32 v19, v11  }
0x154: {  	s8 =	sadd.s32 $0xFFFFFFA0, s22;
	v11 =	vadd.s32 v11, v12;
	[tilespmem:v15+s31+$0x0] =	vst.idx.msk vm7, v10;
	v10 =	vnsel vm9, $0x10F, v17;
	vm7 =	vlt.s32 v13, $0x10F  }
0x155: {  	v12 =	vadd.s32 $0xFFFFFFFF, v19;
	v15 =	vadd.s32 v21, v11;
	[tilespmem:v16+s30+$0x0] =	vst.idx.msk vm6, v9;
	v9 =	vor.u32 s8, v2  }
0x156: {  	s8 =	sadd.s32 $0xFFFFFFB0, s22;
	[tilespmem:v16+s31+$0x0] =	vst.idx.msk vm6, v9;
	v9 =	vnsel vm7, $0x10F, v13;
	vm6 =	vlt.s32 v12, $0x10F;
	v13 =	vadd.s32 $0xFFFFFFFF, v15  }
0x157: {  	vm7 =	vlt.s32 v14, $0x10F;
	[tilespmem:v18+s30+$0x0] =	vst.idx.msk vm4, v8;
	v8 =	vor.u32 s8, v2;
	vm8 =	vlt.s32 v13, $0x10F  }
0x158: {  	v15 =	vadd.s32 v11, v20;
	s8 =	sadd.s32 $0xFFFFFFC0, s22;
	[tilespmem:v18+s31+$0x0] =	vst.idx.msk vm4, v8;
	v8 =	vnsel vm7, $0x10F, v14  }
0x159: {  	[tilespmem:v10+s30+$0x0] =	vst.idx.msk vm5, v7;
	v7 =	vor.u32 s8, v2  }
0x15a: {  	s8 =	sadd.s32 $0xFFFFFFD0, s22;
	[tilespmem:v10+s31+$0x0] =	vst.idx.msk vm5, v7;
	v7 =	vnsel vm6, $0x10F, v12  }
0x15b: {  	[tilespmem:v9+s30+$0x0] =	vst.idx.msk vm3, v6;
	v6 =	vor.u32 s8, v2  }
0x15c: {  	s8 =	sadd.s32 $0xFFFFFFE0, s22;
	[tilespmem:v9+s31+$0x0] =	vst.idx.msk vm3, v6;
	v6 =	vnsel vm8, $0x10F, v13  }
0x15d: {  	[tilespmem:v8+s30+$0x0] =	vst.idx.msk vm0, v3;
	v3 =	vor.u32 s8, v2  }
0x15e: {  	s8 =	sadd.s32 $0xFFFFFFF0, s22;
	[tilespmem:v8+s31+$0x0] =	vst.idx.msk vm0, v3  }
0x15f: {  	v3 =	vor.u32 s8, v2;
	[tilespmem:v7+s30+$0x0] =	vst.idx.msk vm2, v5  }
0x160: {  	[tilespmem:v7+s31+$0x0] =	vst.idx.msk vm2, v3  }
0x161: {  	v3 =	vor.u32 s22, v2;
	s22 =	smov.u32 s7;
	[tilespmem:v6+s30+$0x0] =	vst.idx.msk vm1, v4  }
0x162: {  	[tilespmem:v6+s31+$0x0] =	vst.idx.msk vm1, v3  }
0x163: {  	v10 =	vld [tilespmem:s5+$0xFFFFFFC0]  }
0x164: {  	v9 =	vld [tilespmem:s5+$0xFFFFFFD0]  }
0x165: {  	v8 =	vld [tilespmem:s5+$0xFFFFFFE0]  }
0x166: {  	v7 =	vld [tilespmem:s5+$0xFFFFFFF0]  }
0x167: {  	v3 =	vld [tilespmem:s5+$0x10]  }
0x168: {  	vm7 =	vge.f32 v10, $9.649999730e-01;
	v6 =	vld [tilespmem:s5+$0x0]  }
0x169: {  	v11 =	vsel vm7, $0x1, v1;
	v16 =	vmpcnt.ones.xlane vm7;
	vm6 =	vge.f32 v9, $9.649999730e-01;
	v5 =	vld [tilespmem:s5+$0x20]  }
0x16a: {  	v12 =	vsel vm6, $0x1, v1;
	v17 =	vmpcnt.ones.xlane vm6;
	vm4 =	vge.f32 v8, $9.649999730e-01;
	v4 =	vld [tilespmem:s5+$0x30];
	(xrf0) =	vadd.scan.msk.s32 $0xffff, v11  }
0x16b: {  	v11 =	vsel vm4, $0x1, v1;
	(xrf0) =	vadd.scan.msk.s32 $0xffff, v12  }
0x16c: {  	v20 =	vmpcnt.ones.xlane vm4;
	vm0 =	vge.f32 v3, $9.649999730e-01;
	(xrf0) =	vadd.scan.msk.s32 $0xffff, v11  }
0x16d: {  	vm5 =	vge.f32 v7, $9.649999730e-01;
	v12 =	vsel vm0, $0x1, v1;
	v11 =	vmpcnt.ones.xlane vm0  }
0x16e: {  	v13 =	vsel vm5, $0x1, v1;
	vm3 =	vge.f32 v6, $9.649999730e-01;
	vm2 =	vge.f32 v5, $9.649999730e-01;
	(xrf0) =	vadd.scan.msk.s32 $0xffff, v12  }
.Ltmp3:
0x16f: {  	v14 =	vmpcnt.ones.xlane vm5;
	v21 =	vsel vm2, $0x1, v1;
	vm1 =	vge.f32 v4, $9.649999730e-01;
	(xrf0) =	vadd.scan.msk.s32 $0xffff, v13;
	(pc) =	sbr.rel @p1 .LBB2_4-.Ltmp3, $4  }
0x170: {  	v22 =	vsel vm3, $0x1, v1;
	v13 =	vmpcnt.ones.xlane vm3;
	v18 =	vsel vm1, $0x1, v1;
	v19, _, _ =	vpop (xrf0)  }
0x171: {  	v16 =	vadd.s32 v15, v16;
	v12 =	vmpcnt.ones.xlane vm2;
	v24 =	vadd.s32 v19, v15;
	v23, _, _ =	vpop (xrf0);
	(xrf0) =	vadd.scan.msk.s32 $0xffff, v18  }
0x172: {  	v18 =	vadd.s32 v16, v17;
	v15 =	vadd.s32 $0xFFFFFFFF, v24;
	v23 =	vadd.s32 v23, v16;
	v19, _, _ =	vpop (xrf0);
	(xrf0) =	vadd.scan.msk.s32 $0xffff, v22  }
0x173: {  	v17 =	vadd.s32 v18, v20;
	vm8 =	vlt.s32 v15, $0x10F;
	v16 =	vadd.s32 $0xFFFFFFFF, v23;
	(xrf0) =	vadd.scan.msk.s32 $0xffff, v21  }
0x174: {  	v14 =	vadd.s32 v17, v14  }
0x175: {  	v13 =	vadd.s32 v14, v13  }
0x176: {  	v20 =	vmpcnt.ones.xlane vm1;
	v11 =	vadd.s32 v13, v11  }
0x177: {  	v12 =	vadd.s32 v11, v12  }
0x178: {  	v20 =	vadd.s32 v12, v20  }
0x179: {  	v20 =	vxor.u32 $0x80000000, v20  }
0x17a: {  	(xrf0) =	vmax.scan.msk.u32 $0xffff, v20  }
0x17b: {  	v51, _, _ =	vpop (xrf0)  }
0x17c: {  	v21, _, _ =	vpop (xrf0)  }
0x17d: {  	v22, _, _ =	vpop (xrf0)  }
0x17e: {  	v15 =	vnsel vm8, $0x10F, v15;
	v23, _, _ =	vpop (xrf0)  }
0x17f: {  	v18 =	vadd.s32 v19, v18;
	vm13 =	vlt.s32 v16, $0x10F;
	v52, _, _ =	vpop (xrf0)  }
0x180: {  	v18 =	vadd.s32 $0xFFFFFFFF, v18;
	v16 =	vnsel vm13, $0x10F, v16;
	v24, _, _ =	vpop (xrf0)  }
0x181: {  	v53 =	vadd.s32 v21, v17;
	vm14 =	vlt.s32 v18, $0x10F;
	(v2sf) =	vpush v24, $0xF  }
0x182: {  	s5 =	sadd.s32 $0xFFFFFF90, s22;
	v17 =	vadd.s32 $0xFFFFFFFF, v53;
	v18 =	vnsel vm14, $0x10F, v18  }
0x183: {  	v54 =	vor.u32 s5, v2;
	vm15 =	vlt.s32 v17, $0x10F;
	v14 =	vadd.s32 v23, v14;
	[tilespmem:v15+s30+$0x0] =	vst.idx.msk vm7, v10  }
0x184: {  	s8 =	sadd.s32 $0xFFFFFFA0, s22;
	v55 =	vnsel vm15, $0x10F, v17;
	v14 =	vadd.s32 $0xFFFFFFFF, v14;
	[tilespmem:v15+s31+$0x0] =	vst.idx.msk vm7, v54  }
0x185: {  	v56 =	vor.u32 s8, v2;
	v13 =	vadd.s32 v51, v13;
	vm12 =	vlt.s32 v14, $0x10F;
	[tilespmem:v16+s30+$0x0] =	vst.idx.msk vm6, v9  }
0x186: {  	s6 =	sadd.s32 $0xFFFFFFB0, s22;
	v13 =	vadd.s32 $0xFFFFFFFF, v13;
	[tilespmem:v16+s31+$0x0] =	vst.idx.msk vm6, v56;
	v57 =	vnsel vm12, $0x10F, v14  }
0x187: {  	v58 =	vor.u32 s6, v2;
	vm13 =	vlt.s32 v13, $0x10F;
	v11 =	vadd.s32 v52, v11;
	[tilespmem:v18+s30+$0x0] =	vst.idx.msk vm4, v8  }
0x188: {  	s7 =	sadd.s32 $0xFFFFFFC0, s22;
	v59 =	vnsel vm13, $0x10F, v13;
	v11 =	vadd.s32 $0xFFFFFFFF, v11;
	[tilespmem:v18+s31+$0x0] =	vst.idx.msk vm4, v58  }
0x189: {  	v60 =	vor.u32 s7, v2;
	v12 =	vadd.s32 v22, v12;
	vm14 =	vlt.s32 v11, $0x10F;
	[tilespmem:v55+s30+$0x0] =	vst.idx.msk vm5, v7  }
0x18a: {  	s8 =	sadd.s32 $0xFFFFFFD0, s22;
	v12 =	vadd.s32 $0xFFFFFFFF, v12;
	v61 =	vnsel vm14, $0x10F, v11;
	[tilespmem:v55+s31+$0x0] =	vst.idx.msk vm5, v60  }
0x18b: {  	v62 =	vor.u32 s8, v2;
	vm15 =	vlt.s32 v12, $0x10F;
	[tilespmem:v57+s30+$0x0] =	vst.idx.msk vm3, v6  }
0x18c: {  	s6 =	sadd.s32 $0xFFFFFFE0, s22;
	v63 =	vnsel vm15, $0x10F, v12;
	[tilespmem:v57+s31+$0x0] =	vst.idx.msk vm3, v62  }
0x18d: {  	[tilespmem:v59+s30+$0x0] =	vst.idx.msk vm0, v3;
	v3 =	vor.u32 s6, v2  }
0x18e: {  	s7 =	sadd.s32 $0xFFFFFFF0, s22;
	[tilespmem:v59+s31+$0x0] =	vst.idx.msk vm0, v3  }
0x18f: {  	v3 =	vor.u32 s7, v2;
	[tilespmem:v61+s30+$0x0] =	vst.idx.msk vm2, v5  }
0x190: {  	[tilespmem:v61+s31+$0x0] =	vst.idx.msk vm2, v3;
	s8 =	spop (v2sf)  }
0x191: {  	v3 =	vor.u32 s22, v2;
	[tilespmem:v63+s30+$0x0] =	vst.idx.msk vm1, v4;
	p1 =	slt.u32 s8, $0x80000101  }
0x192: {  	[tilespmem:v63+s31+$0x0] =	vst.idx.msk vm1, v3;
	v3 =	vimm.f32 @!p1 $2.000000000e+00  }
0x193: {  	[tilespmem:$0x1580] =	vst @!p1 v3  }
0x194: {  	[tilespmem:s4], [sflag:$0x1] =	stream.indirect.gather [hbm4b:s2+s0], $0x1, s31, s0, $0xb8;
	[tilespmem:$0x1D00] =	vst v63  }
0x195: {  	_ = 	snop  }
0x196: {  	[tilespmem:s14], [sflag:$0x1] =	stream.indirect.gather [hbm4b:s3+s0], $0x1, s31, s0, $0xb8;
	[tilespmem:$0x1D00] =	vst v63  }
0x197: {  	_ = 	snop  }
0x198: {  	[tilespmem:s18], [sflag:$0x1] =	stream.indirect.gather [hbm4b:s23+s0], $0x1, s31, s0, $0xb8;
	[tilespmem:$0x1D00] =	vst v63  }
0x199: {  	_ = 	snop  }
0x19a: {  	[tilespmem:s19], [sflag:$0x1] =	stream.indirect.gather [hbm4b:s24+s0], $0x1, s31, s0, $0xb8;
	[tilespmem:$0x1D00] =	vst v63  }
0x19b: {  	_ =	swait.ge [sflag:s20], $0x110  }
0x19c: {  	[sflag:s20] =	ssyncset.done $0x0  }
0x19d: {  	[sflag:s20] =	ssyncadd.s32 $0xFFFFFEF0  }
0x19e: {  	_ =	swait.ge [sflag:s20], $0x110  }
0x19f: {  	[sflag:s20] =	ssyncset.done $0x0  }
0x1a0: {  	[sflag:s20] =	ssyncadd.s32 $0xFFFFFEF0  }
0x1a1: {  	_ =	swait.ge [sflag:s20], $0x110  }
0x1a2: {  	[sflag:s20] =	ssyncset.done $0x0  }
0x1a3: {  	[sflag:s20] =	ssyncadd.s32 $0xFFFFFEF0  }
0x1a4: {  	_ =	swait.ge [sflag:s20], $0x110  }
0x1a5: {  	[sflag:s20] =	ssyncset.done $0x0  }
0x1a6: {  	[sflag:s20] =	ssyncadd.s32 $0xFFFFFEF0  }
0x1a7: {  	[hbm4b:s12+s26] =	stream.strided.scatter [tilespmem:s30], [sflag:$0x2], $0x180, s28, s26, $0x38;
	[tilespmem:$0x1D00] =	vst v63  }
0x1a8: {  	_ =	swait.ge [sflag:s29], $0x180  }
0x1a9: {  	[sflag:s29] =	ssyncset.done $0x0  }
0x1aa: {  	[sflag:s29] =	ssyncadd.s32 $0xFFFFFE80  }
0x1ab: {  	[hbm4b:s13+s26] =	stream.strided.scatter [tilespmem:s4], [sflag:$0x2], $0x180, s28, s26, $0x38;
	[tilespmem:$0x1D00] =	vst v63  }
0x1ac: {  	_ =	swait.ge [sflag:s29], $0x180  }
0x1ad: {  	[sflag:s29] =	ssyncset.done $0x0  }
0x1ae: {  	[sflag:s29] =	ssyncadd.s32 $0xFFFFFE80  }
0x1af: {  	[hbm4b:s15+s26] =	stream.strided.scatter [tilespmem:s14], [sflag:$0x2], $0x180, s28, s26, $0x38;
	[tilespmem:$0x1D00] =	vst v63  }
0x1b0: {  	_ =	swait.ge [sflag:s29], $0x180  }
0x1b1: {  	[sflag:s29] =	ssyncset.done $0x0  }
0x1b2: {  	[sflag:s29] =	ssyncadd.s32 $0xFFFFFE80  }
0x1b3: {  	[hbm4b:s16+s26] =	stream.strided.scatter [tilespmem:s18], [sflag:$0x2], $0x180, s28, s26, $0x38;
	[tilespmem:$0x1D00] =	vst v63  }
0x1b4: {  	_ =	swait.ge [sflag:s29], $0x180  }
0x1b5: {  	[sflag:s29] =	ssyncset.done $0x0  }
.Ltmp4:
0x1b6: {  	[sflag:s29] =	ssyncadd.s32 $0xFFFFFE80;
	(pc) =	sbr.rel @p0 .LBB2_9-.Ltmp4, $4  }
0x1b7: {  	[hbm4b:s17+s26] =	stream.strided.scatter [tilespmem:s19], [sflag:$0x2], $0x180, s28, s26, $0x38;
	[tilespmem:$0x1D00] =	vst v63  }
0x1b8: {  	_ =	swait.ge [sflag:s29], $0x180  }
0x1b9: {  	[sflag:s29] =	ssyncset.done $0x0  }
0x1ba: {  	[sflag:s29] =	ssyncadd.s32 $0xFFFFFE80  }
0x1bb: {  	s5 =	rddreg [dreg:$0x6]  }
0x1bc: {  	[tilespmem:s1], [sflag:$0x2] =	stream.strided.gather [hbm4b:s5+s26], $0x1400, s28, s26, $0x38;
	[tilespmem:$0x1D00] =	vst v63  }
0x1bd: {  	_ =	swait.ge [sflag:s29], $0x1400  }
0x1be: {  	[sflag:s29] =	ssyncset.done $0x0  }
0x1bf: {  	v15 =	vimm.s32 $0x0;
	[sflag:s29] =	ssyncadd.s32 $0xFFFFEC00  }
0x1c0: {  	[tilespmem:$0x1400] =	vst v15  }
0x1c1: {  	[tilespmem:$0x1580] =	vst v0  }
0x1c2: {  	[tilespmem:$0x1410] =	vst v15  }
0x1c3: {  	[tilespmem:$0x1590] =	vst v0  }
0x1c4: {  	[tilespmem:$0x1420] =	vst v15  }
0x1c5: {  	[tilespmem:$0x15A0] =	vst v0  }
0x1c6: {  	[tilespmem:$0x1430] =	vst v15  }
0x1c7: {  	[tilespmem:$0x15B0] =	vst v0  }
0x1c8: {  	[tilespmem:$0x1440] =	vst v15  }
0x1c9: {  	[tilespmem:$0x15C0] =	vst v0  }
0x1ca: {  	[tilespmem:$0x1450] =	vst v15  }
0x1cb: {  	[tilespmem:$0x15D0] =	vst v0  }
0x1cc: {  	[tilespmem:$0x1460] =	vst v15  }
0x1cd: {  	[tilespmem:$0x15E0] =	vst v0  }
0x1ce: {  	[tilespmem:$0x1470] =	vst v15  }
0x1cf: {  	[tilespmem:$0x15F0] =	vst v0  }
0x1d0: {  	[tilespmem:$0x1480] =	vst v15  }
0x1d1: {  	[tilespmem:$0x1600] =	vst v0  }
0x1d2: {  	[tilespmem:$0x1490] =	vst v15  }
0x1d3: {  	[tilespmem:$0x1610] =	vst v0  }
0x1d4: {  	[tilespmem:$0x14A0] =	vst v15  }
0x1d5: {  	[tilespmem:$0x1620] =	vst v0  }
0x1d6: {  	[tilespmem:$0x14B0] =	vst v15  }
0x1d7: {  	[tilespmem:$0x1630] =	vst v0  }
0x1d8: {  	[tilespmem:$0x14C0] =	vst v15  }
0x1d9: {  	[tilespmem:$0x1640] =	vst v0  }
0x1da: {  	[tilespmem:$0x14D0] =	vst v15  }
0x1db: {  	[tilespmem:$0x1650] =	vst v0  }
0x1dc: {  	[tilespmem:$0x14E0] =	vst v15  }
0x1dd: {  	[tilespmem:$0x1660] =	vst v0  }
0x1de: {  	[tilespmem:$0x14F0] =	vst v15  }
0x1df: {  	[tilespmem:$0x1670] =	vst v0  }
0x1e0: {  	[tilespmem:$0x1500] =	vst v15  }
0x1e1: {  	s5 =	simm.s32 $0x40;
	[tilespmem:$0x1680] =	vst v0  }
0x1e2: {  	v10 =	vld [tilespmem:s5+$0xFFFFFFC0]  }
0x1e3: {  	v9 =	vld [tilespmem:s5+$0xFFFFFFD0]  }
0x1e4: {  	v8 =	vld [tilespmem:s5+$0xFFFFFFE0]  }
0x1e5: {  	v7 =	vld [tilespmem:s5+$0xFFFFFFF0]  }
0x1e6: {  	v3 =	vld [tilespmem:s5+$0x10]  }
0x1e7: {  	v6 =	vld [tilespmem:s5+$0x0]  }
0x1e8: {  	v5 =	vld [tilespmem:s5+$0x20]  }
0x1e9: {  	v4 =	vld [tilespmem:s5+$0x30];
	vm7 =	vge.f32 v10, $9.649999730e-01  }
0x1ea: {  	vm6 =	vge.f32 v9, $9.649999730e-01;
	v11 =	vsel vm7, $0x1, v1  }
0x1eb: {  	v12 =	vsel vm6, $0x1, v1;
	(xrf0) =	vadd.scan.msk.s32 $0xffff, v11  }
0x1ec: {  	vm4 =	vge.f32 v8, $9.649999730e-01;
	vm0 =	vge.f32 v3, $9.649999730e-01;
	vm5 =	vge.f32 v7, $9.649999730e-01;
	(xrf0) =	vadd.scan.msk.s32 $0xffff, v12  }
0x1ed: {  	vm3 =	vge.f32 v6, $9.649999730e-01;
	vm2 =	vge.f32 v5, $9.649999730e-01;
	v11 =	vsel vm4, $0x1, v1  }
0x1ee: {  	vm1 =	vge.f32 v4, $9.649999730e-01;
	v16 =	vmpcnt.ones.xlane vm7;
	v17 =	vmpcnt.ones.xlane vm6;
	(xrf0) =	vadd.scan.msk.s32 $0xffff, v11  }
0x1ef: {  	v20 =	vmpcnt.ones.xlane vm4;
	v13 =	vsel vm5, $0x1, v1;
	v12 =	vsel vm0, $0x1, v1  }
0x1f0: {  	v14 =	vmpcnt.ones.xlane vm5;
	v21 =	vsel vm2, $0x1, v1;
	v19 =	vsel vm3, $0x1, v1;
	(xrf0) =	vadd.scan.msk.s32 $0xffff, v12  }
0x1f1: {  	v18 =	vsel vm1, $0x1, v1;
	v16 =	vadd.s32 v15, v16;
	v11 =	vmpcnt.ones.xlane vm0;
	(xrf0) =	vadd.scan.msk.s32 $0xffff, v13;
	v22, _, _ =	vpop (xrf0)  }
0x1f2: {  	v12 =	vmpcnt.ones.xlane vm2;
	v13 =	vmpcnt.ones.xlane vm3;
	(xrf0) =	vadd.scan.msk.s32 $0xffff, v18;
	v22 =	vadd.s32 v22, v15;
	v23, _, _ =	vpop (xrf0)  }
0x1f3: {  	v18 =	vadd.s32 v16, v17;
	(xrf0) =	vadd.scan.msk.s32 $0xffff, v19;
	v15 =	vadd.s32 $0xFFFFFFFF, v22;
	v63 =	vadd.s32 v23, v16  }
0x1f4: {  	s22 =	simm.s32 $0x70;
	s6 =	simm.s32 $0xF0;
	v17 =	vadd.s32 v18, v20;
	v19, _, _ =	vpop (xrf0);
	(xrf0) =	vadd.scan.msk.s32 $0xffff, v21;
	vm8 =	vlt.s32 v15, $0x10F;
	v16 =	vadd.s32 $0xFFFFFFFF, v63  }
.LBB2_7:
0x1f5: {  	p1 =	sne.s32 s6, $0x13F0  }
0x1f6: {  	v18 =	vadd.s32 v19, v18;
	v14 =	vadd.s32 v17, v14;
	s5 =	sadd.s32 $0x80, s5;
	v19, _, _ =	vpop (xrf0);
	s7 =	smov.u32 s6;
	s6 =	sadd.s32 $0x80, s6  }
0x1f7: {  	v20 =	vmpcnt.ones.xlane vm1;
	v15 =	vnsel vm8, $0x10F, v15;
	v18 =	vadd.s32 $0xFFFFFFFF, v18;
	v21, _, _ =	vpop (xrf0)  }
0x1f8: {  	vm8 =	vlt.s32 v16, $0x10F;
	v22 =	vadd.s32 v14, v13;
	v17 =	vadd.s32 v21, v17  }
0x1f9: {  	v16 =	vnsel vm8, $0x10F, v16;
	vm8 =	vlt.s32 v18, $0x10F;
	v17 =	vadd.s32 $0xFFFFFFFF, v17;
	v21, _, _ =	vpop (xrf0)  }
0x1fa: {  	v23 =	vadd.s32 v19, v22;
	v11 =	vadd.s32 v22, v11;
	vm9 =	vlt.s32 v17, $0x10F;
	v13, _, _ =	vpop (xrf0)  }
0x1fb: {  	s8 =	sadd.s32 $0xFFFFFF90, s22;
	v18 =	vnsel vm8, $0x10F, v18;
	v13 =	vadd.s32 v13, v14;
	v14 =	vadd.s32 $0xFFFFFFFF, v23;
	v19, _, _ =	vpop (xrf0)  }
0x1fc: {  	[tilespmem:v15+s30+$0x0] =	vst.idx.msk vm7, v10;
	v10 =	vor.u32 s8, v2;
	v13 =	vadd.s32 $0xFFFFFFFF, v13;
	v19 =	vadd.s32 v19, v11  }
0x1fd: {  	s8 =	sadd.s32 $0xFFFFFFA0, s22;
	v11 =	vadd.s32 v11, v12;
	[tilespmem:v15+s31+$0x0] =	vst.idx.msk vm7, v10;
	v10 =	vnsel vm9, $0x10F, v17;
	vm7 =	vlt.s32 v13, $0x10F  }
0x1fe: {  	v12 =	vadd.s32 $0xFFFFFFFF, v19;
	v15 =	vadd.s32 v21, v11;
	[tilespmem:v16+s30+$0x0] =	vst.idx.msk vm6, v9;
	v9 =	vor.u32 s8, v2  }
0x1ff: {  	s8 =	sadd.s32 $0xFFFFFFB0, s22;
	[tilespmem:v16+s31+$0x0] =	vst.idx.msk vm6, v9;
	v9 =	vnsel vm7, $0x10F, v13;
	vm6 =	vlt.s32 v12, $0x10F;
	v13 =	vadd.s32 $0xFFFFFFFF, v15  }
0x200: {  	vm7 =	vlt.s32 v14, $0x10F;
	[tilespmem:v18+s30+$0x0] =	vst.idx.msk vm4, v8;
	v8 =	vor.u32 s8, v2;
	vm8 =	vlt.s32 v13, $0x10F  }
0x201: {  	v15 =	vadd.s32 v11, v20;
	s8 =	sadd.s32 $0xFFFFFFC0, s22;
	[tilespmem:v18+s31+$0x0] =	vst.idx.msk vm4, v8;
	v8 =	vnsel vm7, $0x10F, v14  }
0x202: {  	[tilespmem:v10+s30+$0x0] =	vst.idx.msk vm5, v7;
	v7 =	vor.u32 s8, v2  }
0x203: {  	s8 =	sadd.s32 $0xFFFFFFD0, s22;
	[tilespmem:v10+s31+$0x0] =	vst.idx.msk vm5, v7;
	v7 =	vnsel vm6, $0x10F, v12  }
0x204: {  	[tilespmem:v9+s30+$0x0] =	vst.idx.msk vm3, v6;
	v6 =	vor.u32 s8, v2  }
0x205: {  	s8 =	sadd.s32 $0xFFFFFFE0, s22;
	[tilespmem:v9+s31+$0x0] =	vst.idx.msk vm3, v6;
	v6 =	vnsel vm8, $0x10F, v13  }
0x206: {  	[tilespmem:v8+s30+$0x0] =	vst.idx.msk vm0, v3;
	v3 =	vor.u32 s8, v2  }
0x207: {  	s8 =	sadd.s32 $0xFFFFFFF0, s22;
	[tilespmem:v8+s31+$0x0] =	vst.idx.msk vm0, v3  }
0x208: {  	v3 =	vor.u32 s8, v2;
	[tilespmem:v7+s30+$0x0] =	vst.idx.msk vm2, v5  }
0x209: {  	[tilespmem:v7+s31+$0x0] =	vst.idx.msk vm2, v3  }
0x20a: {  	v3 =	vor.u32 s22, v2;
	s22 =	smov.u32 s7;
	[tilespmem:v6+s30+$0x0] =	vst.idx.msk vm1, v4  }
0x20b: {  	[tilespmem:v6+s31+$0x0] =	vst.idx.msk vm1, v3  }
0x20c: {  	v10 =	vld [tilespmem:s5+$0xFFFFFFC0]  }
0x20d: {  	v9 =	vld [tilespmem:s5+$0xFFFFFFD0]  }
0x20e: {  	v8 =	vld [tilespmem:s5+$0xFFFFFFE0]  }
0x20f: {  	v7 =	vld [tilespmem:s5+$0xFFFFFFF0]  }
0x210: {  	v3 =	vld [tilespmem:s5+$0x10]  }
0x211: {  	vm7 =	vge.f32 v10, $9.649999730e-01;
	v6 =	vld [tilespmem:s5+$0x0]  }
0x212: {  	v11 =	vsel vm7, $0x1, v1;
	v16 =	vmpcnt.ones.xlane vm7;
	vm6 =	vge.f32 v9, $9.649999730e-01;
	v5 =	vld [tilespmem:s5+$0x20]  }
0x213: {  	v12 =	vsel vm6, $0x1, v1;
	v17 =	vmpcnt.ones.xlane vm6;
	vm4 =	vge.f32 v8, $9.649999730e-01;
	v4 =	vld [tilespmem:s5+$0x30];
	(xrf0) =	vadd.scan.msk.s32 $0xffff, v11  }
0x214: {  	v11 =	vsel vm4, $0x1, v1;
	(xrf0) =	vadd.scan.msk.s32 $0xffff, v12  }
0x215: {  	v20 =	vmpcnt.ones.xlane vm4;
	vm0 =	vge.f32 v3, $9.649999730e-01;
	(xrf0) =	vadd.scan.msk.s32 $0xffff, v11  }
0x216: {  	vm5 =	vge.f32 v7, $9.649999730e-01;
	v12 =	vsel vm0, $0x1, v1;
	v11 =	vmpcnt.ones.xlane vm0  }
0x217: {  	v13 =	vsel vm5, $0x1, v1;
	vm3 =	vge.f32 v6, $9.649999730e-01;
	vm2 =	vge.f32 v5, $9.649999730e-01;
	(xrf0) =	vadd.scan.msk.s32 $0xffff, v12  }
.Ltmp5:
0x218: {  	v14 =	vmpcnt.ones.xlane vm5;
	v21 =	vsel vm2, $0x1, v1;
	vm1 =	vge.f32 v4, $9.649999730e-01;
	(xrf0) =	vadd.scan.msk.s32 $0xffff, v13;
	(pc) =	sbr.rel @p1 .LBB2_7-.Ltmp5, $4  }
0x219: {  	v22 =	vsel vm3, $0x1, v1;
	v13 =	vmpcnt.ones.xlane vm3;
	v18 =	vsel vm1, $0x1, v1;
	v19, _, _ =	vpop (xrf0)  }
0x21a: {  	v16 =	vadd.s32 v15, v16;
	v12 =	vmpcnt.ones.xlane vm2;
	v24 =	vadd.s32 v19, v15;
	v23, _, _ =	vpop (xrf0);
	(xrf0) =	vadd.scan.msk.s32 $0xffff, v18  }
0x21b: {  	v18 =	vadd.s32 v16, v17;
	v15 =	vadd.s32 $0xFFFFFFFF, v24;
	v23 =	vadd.s32 v23, v16;
	v19, _, _ =	vpop (xrf0);
	(xrf0) =	vadd.scan.msk.s32 $0xffff, v22  }
0x21c: {  	v17 =	vadd.s32 v18, v20;
	vm8 =	vlt.s32 v15, $0x10F;
	v16 =	vadd.s32 $0xFFFFFFFF, v23;
	(xrf0) =	vadd.scan.msk.s32 $0xffff, v21  }
.Ltmp6:
0x21d: {  	_ = 	snop;
	(pc) =	sbr.rel .LBB2_8-.Ltmp6, $1  }
0x21e: {  	_ =	sdelay $0x3  }
.LBB2_10:
0x21f: {  	_ =	sfence.sel $0x180000  }
0x220: {  	[bflag:$0x0] =	sbarrier.arrive $0xFFFF  }
0x221: {  	_ =	strace $0x90000047  }
0x222: {  	s0 =	stileid.u32;
	[bflag:$0x2] =	sbarrier.arrive $0xFFFF  }
0x223: {  	p0 =	sne.s32 s0, $0x0;
	s0 =	rddreg [dreg:$0x1]  }
0x224: {  	s0 =	sadd.s32 @!p0 $0x100000, s0  }
0x225: {  	[sflag:s0] =	ssyncadd.tile.s32 @!p0 $0x1;
	_ =	shalt  }
.Lfunc_end2:
_tile_overlayer_lowered:
.L_overlay_start_2:
0x226: {  	(tag) =	ssettag $0x2  }
0x227: {  	s0 =	rddreg [dreg:$0x0];
	s2 =	stileid.u32  }
0x228: {  	s1 =	rddreg [dreg:$0x1];
	p0 =	sne.s32 s2, $0x0  }
0x229: {  	s3 =	rddreg [dreg:$0x2];
	[bflag:$0x3] =	sbarrier.arrive $0xFFFF;
	s2 =	simm.s32 @!p0 $0x1C02  }
0x22a: {  	[timem:s3], [sflag:s2] =	dma.local @!p0 [hbm:s0], s1  }
0x22b: {  	s0 =	simm.s32 @!p0 $0x2  }
0x22c: {  	_ =	swait.ge @!p0 [sflag:s0], s1  }
0x22d: {  	s1 =	ssub.s32 @!p0 $0x0, s1;
	[sflag:s0] =	ssyncset.done @!p0 $0x0  }
0x22e: {  	[sflag:s0] =	ssyncadd.s32 @!p0 s1  }
0x22f: {  	[bflag:$0x3] =	sbarrier.arrive $0xFFFF  }
0x230: {  	_ =	shalt  }

</sc_bundles>
